<compile_context>
chip_gen: v7x
topology: tpu7x:2x2x1
jax: 0.10.2.dev20260603
libtpu: 0.0.44.dev20260713+nightly
codegen_flags: <defaults>
</compile_context>

<pallas_src>
import functools

import jax
import jax.numpy as jnp
from jax import lax
from jax.experimental import pallas as pl
from jax.experimental.pallas import tpu as pltpu
from jax.experimental.pallas import tpu_sc as plsc

_TOPK = 20
_CAP = 1.0 - 1e-07
_L = 16
_NW = 32
_LN2 = 0.6931471805599453


def _sortd(v):
    k, _ = plsc.sort_key_val(v, v, descending=True)
    return k


def _rev(v):
    return lax.rev(v, (0,))


def _softlog(y):
    bits = lax.bitcast_convert_type(y, jnp.int32)
    e = jnp.right_shift(bits, 23) - 127
    m = lax.bitcast_convert_type(
        jnp.bitwise_or(jnp.bitwise_and(bits, 0x007FFFFF), 0x3F800000),
        jnp.float32,
    )
    z = (m - 1.0) / (m + 1.0)
    z2 = z * z
    poly = 1.0 + z2 * (1.0 / 3.0 + z2 * (1.0 / 5.0 + z2 * (1.0 / 7.0)))
    return e.astype(jnp.float32) * _LN2 + 2.0 * z * poly


def _log_survival(v, inv_t):
    scaled = jnp.where(v > 0.0, jnp.exp(inv_t * _softlog(v)), 0.0)
    return _softlog(1.0 - jnp.minimum(scaled, _CAP))


def _sc_noisy_or(x2d, lt1, rows, cols):
    rows_per_w = rows // _NW
    vregs_per_row = cols // _L
    cand_size = cols + _L
    mesh = plsc.VectorSubcoreMesh(core_axis_name="c", subcore_axis_name="s")

    @functools.partial(
        pl.kernel,
        out_type=jax.ShapeDtypeStruct((_NW * _L,), jnp.float32),
        mesh=mesh,
        scratch_types=[
            pltpu.VMEM((rows_per_w, cols), jnp.float32),
            pltpu.VMEM((cand_size,), jnp.float32),
            pltpu.VMEM((_L,), jnp.float32),
            pltpu.VMEM((_L,), jnp.float32),
            pltpu.SemaphoreType.DMA((rows_per_w,)),
        ],
        compiler_params=pltpu.CompilerParams(needs_layout_passes=False),
    )
    def sc_kernel(x_hbm, lt_hbm, out_hbm, xl, cand, ob, ltv, sems):
        wid = lax.axis_index("s") * 2 + lax.axis_index("c")
        copies = [
            pltpu.async_copy(
                x_hbm.at[pl.ds(wid * rows_per_w + r, 1)],
                xl.at[pl.ds(r, 1)],
                sems.at[r],
            )
            for r in range(rows_per_w)
        ]
        pltpu.sync_copy(lt_hbm, ltv.at[pl.ds(0, 1)])
        inv_t = jnp.exp(jnp.full((_L,), -ltv[pl.ds(0, _L)][0], jnp.float32))

        zeros = jnp.zeros((_L,), jnp.float32)
        lane = lax.iota(jnp.int32, _L)
        iones = jnp.full((_L,), 1, jnp.int32)
        out_acc = zeros

        for r in range(rows_per_w):
            copies[r].wait()

            @plsc.parallel_loop(0, vregs_per_row // 4, 1, unroll=8,
                                carry=(zeros, zeros))
            def p1(j, carry):
                a0, a1 = carry
                a0 = jnp.maximum(a0, xl[r, pl.ds(j * 4 * _L, _L)])
                a1 = jnp.maximum(a1, xl[r, pl.ds((j * 4 + 1) * _L, _L)])
                return a0, a1

            a0, a1 = p1
            s0 = _sortd(a0)
            s1 = _sortd(a1)
            slo = _sortd(jnp.minimum(s0, _rev(s1)))
            t_splat = jnp.full((_L,), slo[_TOPK - _L - 1], jnp.float32)

            @plsc.parallel_loop(0, vregs_per_row, 1, unroll=8,
                                carry=jnp.full((_L,), -1, jnp.int32))
            def cntm1(j, c):
                v = xl[r, pl.ds(j * _L, _L)]
                mask = v >= t_splat
                pos = c + plsc.cumsum(iones, mask=mask)
                plsc.store_scatter(cand, [pos], v, mask=mask)
                return c + plsc.all_reduce_population_count(mask)

            cnt = cntm1[0] + 1
            cnt_splat = cntm1 + 1
            nv = (cnt + _L - 1) // _L

            def p3(k, carry):
                h0, h1 = carry
                v = cand[pl.ds(k * _L, _L)]
                v = jnp.where(k * _L + lane < cnt_splat, v, 0.0)
                sv = _sortd(v)
                m = _sortd(jnp.maximum(h1, _rev(sv)))
                nh0 = _sortd(jnp.maximum(h0, _rev(m)))
                nh1 = _sortd(jnp.minimum(h0, _rev(m)))
                return nh0, nh1

            h0, h1 = lax.fori_loop(0, nv, p3, (zeros, zeros))

            ls = _log_survival(h0, inv_t)
            ls1 = _log_survival(h1, inv_t)
            s_vec = ls + jnp.where(lane < _TOPK - _L, ls1, 0.0)
            s = jnp.sum(s_vec)
            risk = 1.0 - jnp.exp(jnp.full((_L,), s, jnp.float32))
            out_acc = jnp.where(lane == r, risk, out_acc)

        ob[pl.ds(0, _L)] = out_acc
        pltpu.sync_copy(ob, out_hbm.at[pl.ds(wid * _L, _L)])

    return sc_kernel(x2d, lt1)


def kernel(site_probs, log_temperature):
    rows, cols = site_probs.shape
    lt1 = jnp.reshape(log_temperature, (1,)).astype(jnp.float32)
    o = _sc_noisy_or(site_probs, lt1, rows, cols)
    return o.reshape(_NW, _L)[:, : rows // _NW].reshape(rows, 1)

# --- scband reference (transcript-rebuilt; emitter-appended) ---
"""Pipeline reference for scband-noisy-oraggregation-24077586661540 (READ-ONLY COPY).

The authoritative reference and input builder live on the scoring server;
editing this copy changes nothing except your own understanding.
"""

import jax, jax.numpy as jnp
import numpy as np

TOP_K = 20

def setup_inputs(seed: int = 0) -> dict:
    key = jax.random.key(seed)
    site_probs = jax.random.uniform(key, (128, 8192), dtype=jnp.float32)
    # buffer: log_temperature = log(temperature) with temperature=1.0
    log_temperature = jnp.log(jnp.asarray(1.0, dtype=jnp.float32))
    return {"site_probs": site_probs, "log_temperature": log_temperature}

def reference(site_probs, log_temperature):
    temperature = jnp.exp(log_temperature)
    scaled = site_probs ** (1.0 / temperature)
    if TOP_K > 0 and scaled.shape[1] > TOP_K:
        topk_vals, _ = jax.lax.top_k(scaled, TOP_K)
    else:
        topk_vals = scaled
    log_survival = jnp.log1p(-jnp.minimum(topk_vals, 1.0 - 1e-07))
    risk = 1.0 - jnp.exp(jnp.sum(log_survival, axis=1, keepdims=True))
    return risk

if __name__ == "__main__":
    import jax
    _d = setup_inputs()
    print(jax.jit(kernel)(*tuple(_d.values())))

</pallas_src>

<mosaic_0001>
#map = affine_map<(d0, d1) -> (0, 0)>
#map1 = affine_map<(d0, d1) -> (0)>
module attributes {stable_mosaic.version = 14 : i64} {
  func.func @sc_kernel(%arg0: i32, %arg1: i32, %arg2: memref<128x8192xf32, #tpu.memory_space<hbm>>, %arg3: memref<1xf32, #tpu.memory_space<hbm>>, %arg4: memref<512xf32, #tpu.memory_space<hbm>>, %arg5: memref<4x8192xf32, #tpu.memory_space<vmem>>, %arg6: memref<8208xf32, #tpu.memory_space<vmem>>, %arg7: memref<16xf32, #tpu.memory_space<vmem>>, %arg8: memref<16xf32, #tpu.memory_space<vmem>>, %arg9: memref<4x!tpu.dma_semaphore, #tpu.memory_space<semaphore_mem>>) attributes {dimension_semantics = [#tpu.dimension_semantics<core_parallel>, #tpu.dimension_semantics<subcore_parallel>], iteration_bounds = array<i64: 2, 16>, scalar_prefetch = 0 : i64, scratch_operands = 5 : i64, tpu.core_type = #tpu.core_type<sc_vector_subcore>, window_params = [{transform_indices = #map}, {transform_indices = #map1}, {transform_indices = #map1}]} {
    %mul3A = arith.constant 2 : i32
    %mul3A_0 = arith.muli %arg1, %mul3A : i32
    %add3A = arith.addi %mul3A_0, %arg0 : i32
    %mul3A_1 = arith.constant 4 : i32
    %mul3A_2 = arith.muli %add3A, %mul3A_1 : i32
    %add3A_3 = arith.constant 0 : i32
    %add3A_4 = arith.addi %mul3A_2, %add3A_3 : i32
    %dma_start3A = arith.constant 0 : i32
    %dma_start3A_5 = arith.constant 0 : i32
    %dma_start3A_6 = arith.constant 0 : i32
    %dma_start3A_7 = tpu.memref_slice %arg5[%dma_start3A_5, %dma_start3A_6] : memref<4x8192xf32, #tpu.memory_space<vmem>> -> memref<1x8192xf32, #tpu.memory_space<vmem>>
    %dma_start3A_8 = arith.constant 0 : i32
    %dma_start3A_9 = tpu.memref_slice %arg2[%add3A_4, %dma_start3A_8] : memref<128x8192xf32, #tpu.memory_space<hbm>> -> memref<1x8192xf32, #tpu.memory_space<hbm>>
    %dma_start3A_10 = tpu.memref_slice %arg9[%dma_start3A] : memref<4x!tpu.dma_semaphore, #tpu.memory_space<semaphore_mem>> -> memref<1x!tpu.dma_semaphore, #tpu.memory_space<semaphore_mem>>
    %dma_start3A_11 = tpu.memref_squeeze %dma_start3A_10 : memref<1x!tpu.dma_semaphore, #tpu.memory_space<semaphore_mem>> -> memref<!tpu.dma_semaphore, #tpu.memory_space<semaphore_mem>>
    %dma_start3A_12 = arith.constant 0 : i32
    %dma_start3A_13 = arith.constant 0 : i32
    %dma_start3A_14 = tpu.memref_slice %arg5[%dma_start3A_12, %dma_start3A_13] : memref<4x8192xf32, #tpu.memory_space<vmem>> -> memref<1x8192xf32, #tpu.memory_space<vmem>>
    %dma_start3A_15 = arith.constant 0 : i32
    %dma_start3A_16 = tpu.memref_slice %arg2[%add3A_4, %dma_start3A_15] : memref<128x8192xf32, #tpu.memory_space<hbm>> -> memref<1x8192xf32, #tpu.memory_space<hbm>>
    tpu.enqueue_dma source(%dma_start3A_16 : memref<1x8192xf32, #tpu.memory_space<hbm>>) target(%dma_start3A_14 : memref<1x8192xf32, #tpu.memory_space<vmem>>) target_semaphore(%dma_start3A_11 : memref<!tpu.dma_semaphore, #tpu.memory_space<semaphore_mem>>)
    %mul3A_17 = arith.constant 4 : i32
    %mul3A_18 = arith.muli %add3A, %mul3A_17 : i32
    %add3A_19 = arith.constant 1 : i32
    %add3A_20 = arith.addi %mul3A_18, %add3A_19 : i32
    %dma_start3A_21 = arith.constant 1 : i32
    %dma_start3A_22 = arith.constant 1 : i32
    %dma_start3A_23 = arith.constant 0 : i32
    %dma_start3A_24 = tpu.memref_slice %arg5[%dma_start3A_22, %dma_start3A_23] : memref<4x8192xf32, #tpu.memory_space<vmem>> -> memref<1x8192xf32, #tpu.memory_space<vmem>>
    %dma_start3A_25 = arith.constant 0 : i32
    %dma_start3A_26 = tpu.memref_slice %arg2[%add3A_20, %dma_start3A_25] : memref<128x8192xf32, #tpu.memory_space<hbm>> -> memref<1x8192xf32, #tpu.memory_space<hbm>>
    %dma_start3A_27 = tpu.memref_slice %arg9[%dma_start3A_21] : memref<4x!tpu.dma_semaphore, #tpu.memory_space<semaphore_mem>> -> memref<1x!tpu.dma_semaphore, #tpu.memory_space<semaphore_mem>>
    %dma_start3A_28 = tpu.memref_squeeze %dma_start3A_27 : memref<1x!tpu.dma_semaphore, #tpu.memory_space<semaphore_mem>> -> memref<!tpu.dma_semaphore, #tpu.memory_space<semaphore_mem>>
    %dma_start3A_29 = arith.constant 1 : i32
    %dma_start3A_30 = arith.constant 0 : i32
    %dma_start3A_31 = tpu.memref_slice %arg5[%dma_start3A_29, %dma_start3A_30] : memref<4x8192xf32, #tpu.memory_space<vmem>> -> memref<1x8192xf32, #tpu.memory_space<vmem>>
    %dma_start3A_32 = arith.constant 0 : i32
    %dma_start3A_33 = tpu.memref_slice %arg2[%add3A_20, %dma_start3A_32] : memref<128x8192xf32, #tpu.memory_space<hbm>> -> memref<1x8192xf32, #tpu.memory_space<hbm>>
    tpu.enqueue_dma source(%dma_start3A_33 : memref<1x8192xf32, #tpu.memory_space<hbm>>) target(%dma_start3A_31 : memref<1x8192xf32, #tpu.memory_space<vmem>>) target_semaphore(%dma_start3A_28 : memref<!tpu.dma_semaphore, #tpu.memory_space<semaphore_mem>>)
    %mul3A_34 = arith.constant 4 : i32
    %mul3A_35 = arith.muli %add3A, %mul3A_34 : i32
    %add3A_36 = arith.constant 2 : i32
    %add3A_37 = arith.addi %mul3A_35, %add3A_36 : i32
    %dma_start3A_38 = arith.constant 2 : i32
    %dma_start3A_39 = arith.constant 2 : i32
    %dma_start3A_40 = arith.constant 0 : i32
    %dma_start3A_41 = tpu.memref_slice %arg5[%dma_start3A_39, %dma_start3A_40] : memref<4x8192xf32, #tpu.memory_space<vmem>> -> memref<1x8192xf32, #tpu.memory_space<vmem>>
    %dma_start3A_42 = arith.constant 0 : i32
    %dma_start3A_43 = tpu.memref_slice %arg2[%add3A_37, %dma_start3A_42] : memref<128x8192xf32, #tpu.memory_space<hbm>> -> memref<1x8192xf32, #tpu.memory_space<hbm>>
    %dma_start3A_44 = tpu.memref_slice %arg9[%dma_start3A_38] : memref<4x!tpu.dma_semaphore, #tpu.memory_space<semaphore_mem>> -> memref<1x!tpu.dma_semaphore, #tpu.memory_space<semaphore_mem>>
    %dma_start3A_45 = tpu.memref_squeeze %dma_start3A_44 : memref<1x!tpu.dma_semaphore, #tpu.memory_space<semaphore_mem>> -> memref<!tpu.dma_semaphore, #tpu.memory_space<semaphore_mem>>
    %dma_start3A_46 = arith.constant 2 : i32
    %dma_start3A_47 = arith.constant 0 : i32
    %dma_start3A_48 = tpu.memref_slice %arg5[%dma_start3A_46, %dma_start3A_47] : memref<4x8192xf32, #tpu.memory_space<vmem>> -> memref<1x8192xf32, #tpu.memory_space<vmem>>
    %dma_start3A_49 = arith.constant 0 : i32
    %dma_start3A_50 = tpu.memref_slice %arg2[%add3A_37, %dma_start3A_49] : memref<128x8192xf32, #tpu.memory_space<hbm>> -> memref<1x8192xf32, #tpu.memory_space<hbm>>
    tpu.enqueue_dma source(%dma_start3A_50 : memref<1x8192xf32, #tpu.memory_space<hbm>>) target(%dma_start3A_48 : memref<1x8192xf32, #tpu.memory_space<vmem>>) target_semaphore(%dma_start3A_45 : memref<!tpu.dma_semaphore, #tpu.memory_space<semaphore_mem>>)
    %mul3A_51 = arith.constant 4 : i32
    %mul3A_52 = arith.muli %add3A, %mul3A_51 : i32
    %add3A_53 = arith.constant 3 : i32
    %add3A_54 = arith.addi %mul3A_52, %add3A_53 : i32
    %dma_start3A_55 = arith.constant 3 : i32
    %dma_start3A_56 = arith.constant 3 : i32
    %dma_start3A_57 = arith.constant 0 : i32
    %dma_start3A_58 = tpu.memref_slice %arg5[%dma_start3A_56, %dma_start3A_57] : memref<4x8192xf32, #tpu.memory_space<vmem>> -> memref<1x8192xf32, #tpu.memory_space<vmem>>
    %dma_start3A_59 = arith.constant 0 : i32
    %dma_start3A_60 = tpu.memref_slice %arg2[%add3A_54, %dma_start3A_59] : memref<128x8192xf32, #tpu.memory_space<hbm>> -> memref<1x8192xf32, #tpu.memory_space<hbm>>
    %dma_start3A_61 = tpu.memref_slice %arg9[%dma_start3A_55] : memref<4x!tpu.dma_semaphore, #tpu.memory_space<semaphore_mem>> -> memref<1x!tpu.dma_semaphore, #tpu.memory_space<semaphore_mem>>
    %dma_start3A_62 = tpu.memref_squeeze %dma_start3A_61 : memref<1x!tpu.dma_semaphore, #tpu.memory_space<semaphore_mem>> -> memref<!tpu.dma_semaphore, #tpu.memory_space<semaphore_mem>>
    %dma_start3A_63 = arith.constant 3 : i32
    %dma_start3A_64 = arith.constant 0 : i32
    %dma_start3A_65 = tpu.memref_slice %arg5[%dma_start3A_63, %dma_start3A_64] : memref<4x8192xf32, #tpu.memory_space<vmem>> -> memref<1x8192xf32, #tpu.memory_space<vmem>>
    %dma_start3A_66 = arith.constant 0 : i32
    %dma_start3A_67 = tpu.memref_slice %arg2[%add3A_54, %dma_start3A_66] : memref<128x8192xf32, #tpu.memory_space<hbm>> -> memref<1x8192xf32, #tpu.memory_space<hbm>>
    tpu.enqueue_dma source(%dma_start3A_67 : memref<1x8192xf32, #tpu.memory_space<hbm>>) target(%dma_start3A_65 : memref<1x8192xf32, #tpu.memory_space<vmem>>) target_semaphore(%dma_start3A_62 : memref<!tpu.dma_semaphore, #tpu.memory_space<semaphore_mem>>)
    "tpu.region"() ({
      %run_scoped3A = tpu.sem_alloc : memref<!tpu.dma_semaphore, #tpu.memory_space<semaphore_mem>>
      %dma_start3A_1327 = arith.constant 0 : i32
      %dma_start3A_1328 = tpu.memref_slice %arg8[%dma_start3A_1327] : memref<16xf32, #tpu.memory_space<vmem>> -> memref<1xf32, #tpu.memory_space<vmem>>
      %dma_start3A_1329 = arith.constant 0 : i32
      %dma_start3A_1330 = tpu.memref_slice %arg8[%dma_start3A_1329] : memref<16xf32, #tpu.memory_space<vmem>> -> memref<1xf32, #tpu.memory_space<vmem>>
      tpu.enqueue_dma source(%arg3 : memref<1xf32, #tpu.memory_space<hbm>>) target(%dma_start3A_1330 : memref<1xf32, #tpu.memory_space<vmem>>) target_semaphore(%run_scoped3A : memref<!tpu.dma_semaphore, #tpu.memory_space<semaphore_mem>>)
      %dma_wait3A_1331 = arith.constant 0 : i32
      %dma_wait3A_1332 = tpu.memref_slice %arg8[%dma_wait3A_1331] : memref<16xf32, #tpu.memory_space<vmem>> -> memref<1xf32, #tpu.memory_space<vmem>>
      %dma_wait3A_1333 = arith.constant 0 : i32
      %dma_wait3A_1334 = tpu.memref_slice %arg8[%dma_wait3A_1333] : memref<16xf32, #tpu.memory_space<vmem>> -> memref<1xf32, #tpu.memory_space<vmem>>
      tpu.wait_dma2 semaphore(%run_scoped3A : memref<!tpu.dma_semaphore, #tpu.memory_space<semaphore_mem>>) src(%arg3 : memref<1xf32, #tpu.memory_space<hbm>>) dst(%dma_wait3A_1334 : memref<1xf32, #tpu.memory_space<vmem>>)
      tpu.yield
    }) : () -> ()
    %get3A = arith.constant 0 : index
    %get3A_68 = tpu.vector_load %arg8[%get3A] {strides = array<i32>} : memref<16xf32, #tpu.memory_space<vmem>>, vector<16xf32>,
    %slice3A = vector.extract_strided_slice %get3A_68 {offsets = [0], sizes = [1], strides = [1]} : vector<16xf32> to vector<1xf32>
    %squeeze3A = vector.extract %slice3A[0] : f32 from vector<1xf32>
    %neg3A = arith.constant 0.000000e+00 : f32
    %neg3A_69 = arith.subf %neg3A, %squeeze3A : f32
    %broadcast_in_dim3A = vector.broadcast %neg3A_69 : f32 to vector<16xf32>
    %exp3A = math.exp %broadcast_in_dim3A : vector<16xf32>
    %broadcast_in_dim3A_70 = arith.constant 0.000000e+00 : f32
    %broadcast_in_dim3A_71 = vector.broadcast %broadcast_in_dim3A_70 : f32 to vector<16xf32>
    %iota3A = tpu.iota {dimensions = array<i32: 0>} : vector<16xi32>
    %broadcast_in_dim3A_72 = arith.constant 1 : i32
    %broadcast_in_dim3A_73 = vector.broadcast %broadcast_in_dim3A_72 : i32 to vector<16xi32>
    %dma_wait3A = arith.constant 0 : i32
    %dma_wait3A_74 = arith.constant 0 : i32
    %dma_wait3A_75 = arith.constant 0 : i32
    %dma_wait3A_76 = tpu.memref_slice %arg5[%dma_wait3A_74, %dma_wait3A_75] : memref<4x8192xf32, #tpu.memory_space<vmem>> -> memref<1x8192xf32, #tpu.memory_space<vmem>>
    %dma_wait3A_77 = arith.constant 0 : i32
    %dma_wait3A_78 = tpu.memref_slice %arg2[%add3A_4, %dma_wait3A_77] : memref<128x8192xf32, #tpu.memory_space<hbm>> -> memref<1x8192xf32, #tpu.memory_space<hbm>>
    %dma_wait3A_79 = tpu.memref_slice %arg9[%dma_wait3A] : memref<4x!tpu.dma_semaphore, #tpu.memory_space<semaphore_mem>> -> memref<1x!tpu.dma_semaphore, #tpu.memory_space<semaphore_mem>>
    %dma_wait3A_80 = tpu.memref_squeeze %dma_wait3A_79 : memref<1x!tpu.dma_semaphore, #tpu.memory_space<semaphore_mem>> -> memref<!tpu.dma_semaphore, #tpu.memory_space<semaphore_mem>>
    %dma_wait3A_81 = arith.constant 0 : i32
    %dma_wait3A_82 = arith.constant 0 : i32
    %dma_wait3A_83 = tpu.memref_slice %arg5[%dma_wait3A_81, %dma_wait3A_82] : memref<4x8192xf32, #tpu.memory_space<vmem>> -> memref<1x8192xf32, #tpu.memory_space<vmem>>
    %dma_wait3A_84 = arith.constant 0 : i32
    %dma_wait3A_85 = tpu.memref_slice %arg2[%add3A_4, %dma_wait3A_84] : memref<128x8192xf32, #tpu.memory_space<hbm>> -> memref<1x8192xf32, #tpu.memory_space<hbm>>
    tpu.wait_dma2 semaphore(%dma_wait3A_80 : memref<!tpu.dma_semaphore, #tpu.memory_space<semaphore_mem>>) src(%dma_wait3A_85 : memref<1x8192xf32, #tpu.memory_space<hbm>>) dst(%dma_wait3A_83 : memref<1x8192xf32, #tpu.memory_space<vmem>>)
    %parallel_loop3A = arith.constant 0 : i32
    %parallel_loop3A_86 = arith.constant 128 : i32
    %parallel_loop3A_87 = arith.constant 1 : i32
    %parallel_loop3A_88:2 = scf.for %parallel_loop3A_1327 = %parallel_loop3A to %parallel_loop3A_86 step %parallel_loop3A_87 iter_args(%parallel_loop3A_1328 = %broadcast_in_dim3A_71, %parallel_loop3A_1329 = %broadcast_in_dim3A_71) -> (vector<16xf32>, vector<16xf32>)  : i32 {
      %parallel_loop3A_1330 = arith.constant 4 : i32
      %parallel_loop3A_1331 = arith.muli %parallel_loop3A_1327, %parallel_loop3A_1330 : i32
      %parallel_loop3A_1332 = arith.constant 16 : i32
      %parallel_loop3A_1333 = arith.muli %parallel_loop3A_1331, %parallel_loop3A_1332 : i32
      %parallel_loop3A_1334 = arith.constant 0 : i32
      %parallel_loop3A_1335 = arith.index_cast %parallel_loop3A_1334 : i32 to index
      %parallel_loop3A_1336 = arith.index_cast %parallel_loop3A_1333 : i32 to index
      %parallel_loop3A_1337 = tpu.vector_load %arg5[%parallel_loop3A_1335, %parallel_loop3A_1336] {strides = array<i32>} : memref<4x8192xf32, #tpu.memory_space<vmem>>, vector<16xf32>,
      %parallel_loop3A_1338 = arith.maximumf %parallel_loop3A_1328, %parallel_loop3A_1337 : vector<16xf32>
      %parallel_loop3A_1339 = arith.constant 4 : i32
      %parallel_loop3A_1340 = arith.muli %parallel_loop3A_1327, %parallel_loop3A_1339 : i32
      %parallel_loop3A_1341 = arith.constant 1 : i32
      %parallel_loop3A_1342 = arith.addi %parallel_loop3A_1340, %parallel_loop3A_1341 : i32
      %parallel_loop3A_1343 = arith.constant 16 : i32
      %parallel_loop3A_1344 = arith.muli %parallel_loop3A_1342, %parallel_loop3A_1343 : i32
      %parallel_loop3A_1345 = arith.constant 0 : i32
      %parallel_loop3A_1346 = arith.index_cast %parallel_loop3A_1345 : i32 to index
      %parallel_loop3A_1347 = arith.index_cast %parallel_loop3A_1344 : i32 to index
      %parallel_loop3A_1348 = tpu.vector_load %arg5[%parallel_loop3A_1346, %parallel_loop3A_1347] {strides = array<i32>} : memref<4x8192xf32, #tpu.memory_space<vmem>>, vector<16xf32>,
      %parallel_loop3A_1349 = arith.maximumf %parallel_loop3A_1329, %parallel_loop3A_1348 : vector<16xf32>
      scf.yield %parallel_loop3A_1338, %parallel_loop3A_1349 : vector<16xf32>, vector<16xf32>
    } {sc.loop_unroll_factor = 8 : i64, sc.parallel_access}
    %masked_sort3A = arith.constant dense<true> : vector<16xi1>
    %masked_sort3A_89, %masked_sort3A_90, %masked_sort3A_91 = tpu.sort %parallel_loop3A_88#0, %parallel_loop3A_88#0 masked %masked_sort3A {descending = true} : (vector<16xf32>, vector<16xf32>, vector<16xi1>) -> (vector<16xi1>, vector<16xf32>, vector<16xf32>)
    %masked_sort3A_92 = arith.constant dense<true> : vector<16xi1>
    %masked_sort3A_93, %masked_sort3A_94, %masked_sort3A_95 = tpu.sort %parallel_loop3A_88#1, %parallel_loop3A_88#1 masked %masked_sort3A_92 {descending = true} : (vector<16xf32>, vector<16xf32>, vector<16xi1>) -> (vector<16xi1>, vector<16xf32>, vector<16xf32>)
    %rev3A = arith.constant 15 : i32
    %rev3A_96 = vector.broadcast %rev3A : i32 to vector<16xi32>
    %rev3A_97 = tpu.iota {dimensions = array<i32: 0>} : vector<16xi32>
    %rev3A_98 = arith.subi %rev3A_96, %rev3A_97 : vector<16xi32>
    %rev3A_99 = tpu.dynamic_gather %masked_sort3A_94[%rev3A_98] in [0] : vector<16xf32>, vector<16xi32> -> vector<16xf32>
    %min3A = arith.minimumf %masked_sort3A_90, %rev3A_99 : vector<16xf32>
    %masked_sort3A_100 = arith.constant dense<true> : vector<16xi1>
    %masked_sort3A_101, %masked_sort3A_102, %masked_sort3A_103 = tpu.sort %min3A, %min3A masked %masked_sort3A_100 {descending = true} : (vector<16xf32>, vector<16xf32>, vector<16xi1>) -> (vector<16xi1>, vector<16xf32>, vector<16xf32>)
    %slice3A_104 = vector.extract_strided_slice %masked_sort3A_102 {offsets = [3], sizes = [1], strides = [1]} : vector<16xf32> to vector<1xf32>
    %squeeze3A_105 = vector.extract %slice3A_104[0] : f32 from vector<1xf32>
    %broadcast_in_dim3A_106 = vector.broadcast %squeeze3A_105 : f32 to vector<16xf32>
    %broadcast_in_dim3A_107 = arith.constant -1 : i32
    %broadcast_in_dim3A_108 = vector.broadcast %broadcast_in_dim3A_107 : i32 to vector<16xi32>
    %parallel_loop3A_109 = arith.constant 0 : i32
    %parallel_loop3A_110 = arith.constant 512 : i32
    %parallel_loop3A_111 = arith.constant 1 : i32
    %parallel_loop3A_112 = scf.for %parallel_loop3A_1327 = %parallel_loop3A_109 to %parallel_loop3A_110 step %parallel_loop3A_111 iter_args(%parallel_loop3A_1328 = %broadcast_in_dim3A_108) -> (vector<16xi32>)  : i32 {
      %parallel_loop3A_1329 = arith.constant 16 : i32
      %parallel_loop3A_1330 = arith.muli %parallel_loop3A_1327, %parallel_loop3A_1329 : i32
      %parallel_loop3A_1331 = arith.constant 0 : i32
      %parallel_loop3A_1332 = arith.index_cast %parallel_loop3A_1331 : i32 to index
      %parallel_loop3A_1333 = arith.index_cast %parallel_loop3A_1330 : i32 to index
      %parallel_loop3A_1334 = tpu.vector_load %arg5[%parallel_loop3A_1332, %parallel_loop3A_1333] {strides = array<i32>} : memref<4x8192xf32, #tpu.memory_space<vmem>>, vector<16xf32>,
      %parallel_loop3A_1335 = arith.cmpf oge, %parallel_loop3A_1334, %broadcast_in_dim3A_106 : vector<16xf32>
      %parallel_loop3A_1336 = tpu.scan <sum>, %broadcast_in_dim3A_73 masked %parallel_loop3A_1335 : vector<16xi32>, vector<16xi1> -> vector<16xi32>
      %parallel_loop3A_1337 = arith.addi %parallel_loop3A_1328, %parallel_loop3A_1336 : vector<16xi32>
      tpu.vector_store_idx %arg6[%parallel_loop3A_1337], %parallel_loop3A_1334 masked %parallel_loop3A_1335 : memref<8208xf32, #tpu.memory_space<vmem>>[vector<16xi32>], vector<16xf32>, vector<16xi1>
      %parallel_loop3A_1338 = tpu.all_reduce %parallel_loop3A_1335 {dim = 0 : i64, kind = #tpu.reduction_kind<sum>} : vector<16xi1> -> vector<16xi32>
      %parallel_loop3A_1339 = arith.addi %parallel_loop3A_1328, %parallel_loop3A_1338 : vector<16xi32>
      scf.yield %parallel_loop3A_1339 : vector<16xi32>
    } {sc.loop_unroll_factor = 8 : i64, sc.parallel_access}
    %slice3A_113 = vector.extract_strided_slice %parallel_loop3A_112 {offsets = [0], sizes = [1], strides = [1]} : vector<16xi32> to vector<1xi32>
    %squeeze3A_114 = vector.extract %slice3A_113[0] : i32 from vector<1xi32>
    %add3A_115 = arith.constant 1 : i32
    %add3A_116 = arith.addi %squeeze3A_114, %add3A_115 : i32
    %add3A_117 = arith.constant 1 : i32
    %add3A_118 = vector.broadcast %add3A_117 : i32 to vector<16xi32>
    %add3A_119 = arith.addi %parallel_loop3A_112, %add3A_118 : vector<16xi32>
    %add3A_120 = arith.constant 16 : i32
    %add3A_121 = arith.addi %add3A_116, %add3A_120 : i32
    %sub3A = arith.constant 1 : i32
    %sub3A_122 = arith.subi %add3A_121, %sub3A : i32
    %jit3A = arith.constant 16 : i32
    %div3A = arith.divsi %sub3A_122, %jit3A : i32
    %sign3A = arith.constant 0 : i32
    %sign3A_123 = arith.cmpi sgt, %sub3A_122, %sign3A : i32
    %sign3A_124 = arith.extui %sign3A_123 : i1 to i32
    %sign3A_125 = arith.constant 0 : i32
    %sign3A_126 = arith.cmpi slt, %sub3A_122, %sign3A_125 : i32
    %sign3A_127 = arith.extui %sign3A_126 : i1 to i32
    %sign3A_128 = arith.subi %sign3A_124, %sign3A_127 : i32
    %sign3A_129 = arith.constant 0 : i32
    %sign3A_130 = arith.cmpi sgt, %jit3A, %sign3A_129 : i32
    %sign3A_131 = arith.extui %sign3A_130 : i1 to i32
    %sign3A_132 = arith.constant 0 : i32
    %sign3A_133 = arith.cmpi slt, %jit3A, %sign3A_132 : i32
    %sign3A_134 = arith.extui %sign3A_133 : i1 to i32
    %sign3A_135 = arith.subi %sign3A_131, %sign3A_134 : i32
    %ne3A = arith.cmpi ne, %sign3A_128, %sign3A_135 : i32
    %rem3A = arith.remsi %sub3A_122, %jit3A : i32
    %ne3A_136 = arith.constant 0 : i32
    %ne3A_137 = arith.cmpi ne, %rem3A, %ne3A_136 : i32
    %and3A = arith.andi %ne3A, %ne3A_137 : i1
    %sub3A_138 = arith.constant 1 : i32
    %sub3A_139 = arith.subi %div3A, %sub3A_138 : i32
    %select_n3A = arith.select %and3A, %sub3A_139, %div3A : i32
    %while3A = arith.constant 0 : i32
    %while3A_140 = arith.subi %select_n3A, %while3A : i32
    %while3A_141 = arith.addi %while3A, %while3A_140 : i32
    %while3A_142 = arith.constant 1 : i32
    %while3A_143 = arith.divsi %while3A_140, %while3A_142 : i32
    %while3A_144 = arith.muli %while3A_143, %while3A_142 : i32
    %while3A_145 = arith.addi %while3A, %while3A_144 : i32
    %while3A_146 = arith.constant 1 : i32
    %while3A_147:2 = scf.for %while3A_1327 = %while3A to %while3A_145 step %while3A_146 iter_args(%while3A_1328 = %broadcast_in_dim3A_71, %while3A_1329 = %broadcast_in_dim3A_71) -> (vector<16xf32>, vector<16xf32>)  : i32 {
      %mul3A_1330 = arith.constant 16 : i32
      %mul3A_1331 = arith.muli %while3A_1327, %mul3A_1330 : i32
      %get3A_1332 = arith.index_cast %mul3A_1331 : i32 to index
      %get3A_1333 = tpu.vector_load %arg6[%get3A_1332] {strides = array<i32>} : memref<8208xf32, #tpu.memory_space<vmem>>, vector<16xf32>,
      %mul3A_1334 = arith.constant 16 : i32
      %mul3A_1335 = arith.muli %while3A_1327, %mul3A_1334 : i32
      %add3A_1336 = vector.broadcast %mul3A_1335 : i32 to vector<16xi32>
      %add3A_1337 = arith.addi %add3A_1336, %iota3A : vector<16xi32>
      %lt3A_1338 = arith.cmpi slt, %add3A_1337, %add3A_119 : vector<16xi32>
      %jit3A_1339 = arith.constant 0.000000e+00 : f32
      %broadcast_in_dim3A_1340 = vector.broadcast %jit3A_1339 : f32 to vector<16xf32>
      %select_n3A_1341 = arith.select %lt3A_1338, %get3A_1333, %broadcast_in_dim3A_1340 : vector<16xi1>, vector<16xf32>
      %masked_sort3A_1342 = arith.constant dense<true> : vector<16xi1>
      %masked_sort3A_1343, %masked_sort3A_1344, %masked_sort3A_1345 = tpu.sort %select_n3A_1341, %select_n3A_1341 masked %masked_sort3A_1342 {descending = true} : (vector<16xf32>, vector<16xf32>, vector<16xi1>) -> (vector<16xi1>, vector<16xf32>, vector<16xf32>)
      %rev3A_1346 = arith.constant 15 : i32
      %rev3A_1347 = vector.broadcast %rev3A_1346 : i32 to vector<16xi32>
      %rev3A_1348 = tpu.iota {dimensions = array<i32: 0>} : vector<16xi32>
      %rev3A_1349 = arith.subi %rev3A_1347, %rev3A_1348 : vector<16xi32>
      %rev3A_1350 = tpu.dynamic_gather %masked_sort3A_1344[%rev3A_1349] in [0] : vector<16xf32>, vector<16xi32> -> vector<16xf32>
      %max3A = arith.maximumf %while3A_1329, %rev3A_1350 : vector<16xf32>
      %masked_sort3A_1351 = arith.constant dense<true> : vector<16xi1>
      %masked_sort3A_1352, %masked_sort3A_1353, %masked_sort3A_1354 = tpu.sort %max3A, %max3A masked %masked_sort3A_1351 {descending = true} : (vector<16xf32>, vector<16xf32>, vector<16xi1>) -> (vector<16xi1>, vector<16xf32>, vector<16xf32>)
      %rev3A_1355 = arith.constant 15 : i32
      %rev3A_1356 = vector.broadcast %rev3A_1355 : i32 to vector<16xi32>
      %rev3A_1357 = tpu.iota {dimensions = array<i32: 0>} : vector<16xi32>
      %rev3A_1358 = arith.subi %rev3A_1356, %rev3A_1357 : vector<16xi32>
      %rev3A_1359 = tpu.dynamic_gather %masked_sort3A_1353[%rev3A_1358] in [0] : vector<16xf32>, vector<16xi32> -> vector<16xf32>
      %max3A_1360 = arith.maximumf %while3A_1328, %rev3A_1359 : vector<16xf32>
      %masked_sort3A_1361 = arith.constant dense<true> : vector<16xi1>
      %masked_sort3A_1362, %masked_sort3A_1363, %masked_sort3A_1364 = tpu.sort %max3A_1360, %max3A_1360 masked %masked_sort3A_1361 {descending = true} : (vector<16xf32>, vector<16xf32>, vector<16xi1>) -> (vector<16xi1>, vector<16xf32>, vector<16xf32>)
      %rev3A_1365 = arith.constant 15 : i32
      %rev3A_1366 = vector.broadcast %rev3A_1365 : i32 to vector<16xi32>
      %rev3A_1367 = tpu.iota {dimensions = array<i32: 0>} : vector<16xi32>
      %rev3A_1368 = arith.subi %rev3A_1366, %rev3A_1367 : vector<16xi32>
      %rev3A_1369 = tpu.dynamic_gather %masked_sort3A_1353[%rev3A_1368] in [0] : vector<16xf32>, vector<16xi32> -> vector<16xf32>
      %min3A_1370 = arith.minimumf %while3A_1328, %rev3A_1369 : vector<16xf32>
      %masked_sort3A_1371 = arith.constant dense<true> : vector<16xi1>
      %masked_sort3A_1372, %masked_sort3A_1373, %masked_sort3A_1374 = tpu.sort %min3A_1370, %min3A_1370 masked %masked_sort3A_1371 {descending = true} : (vector<16xf32>, vector<16xf32>, vector<16xi1>) -> (vector<16xi1>, vector<16xf32>, vector<16xf32>)
      scf.yield %masked_sort3A_1363, %masked_sort3A_1373 : vector<16xf32>, vector<16xf32>
    }
    %while3A_148 = arith.constant 1 : i32
    %while3A_149:2 = scf.for %while3A_1327 = %while3A_145 to %while3A_141 step %while3A_148 iter_args(%while3A_1328 = %while3A_147#0, %while3A_1329 = %while3A_147#1) -> (vector<16xf32>, vector<16xf32>)  : i32 {
      %mul3A_1330 = arith.constant 16 : i32
      %mul3A_1331 = arith.muli %while3A_1327, %mul3A_1330 : i32
      %get3A_1332 = arith.index_cast %mul3A_1331 : i32 to index
      %get3A_1333 = tpu.vector_load %arg6[%get3A_1332] {strides = array<i32>} : memref<8208xf32, #tpu.memory_space<vmem>>, vector<16xf32>,
      %mul3A_1334 = arith.constant 16 : i32
      %mul3A_1335 = arith.muli %while3A_1327, %mul3A_1334 : i32
      %add3A_1336 = vector.broadcast %mul3A_1335 : i32 to vector<16xi32>
      %add3A_1337 = arith.addi %add3A_1336, %iota3A : vector<16xi32>
      %lt3A_1338 = arith.cmpi slt, %add3A_1337, %add3A_119 : vector<16xi32>
      %jit3A_1339 = arith.constant 0.000000e+00 : f32
      %broadcast_in_dim3A_1340 = vector.broadcast %jit3A_1339 : f32 to vector<16xf32>
      %select_n3A_1341 = arith.select %lt3A_1338, %get3A_1333, %broadcast_in_dim3A_1340 : vector<16xi1>, vector<16xf32>
      %masked_sort3A_1342 = arith.constant dense<true> : vector<16xi1>
      %masked_sort3A_1343, %masked_sort3A_1344, %masked_sort3A_1345 = tpu.sort %select_n3A_1341, %select_n3A_1341 masked %masked_sort3A_1342 {descending = true} : (vector<16xf32>, vector<16xf32>, vector<16xi1>) -> (vector<16xi1>, vector<16xf32>, vector<16xf32>)
      %rev3A_1346 = arith.constant 15 : i32
      %rev3A_1347 = vector.broadcast %rev3A_1346 : i32 to vector<16xi32>
      %rev3A_1348 = tpu.iota {dimensions = array<i32: 0>} : vector<16xi32>
      %rev3A_1349 = arith.subi %rev3A_1347, %rev3A_1348 : vector<16xi32>
      %rev3A_1350 = tpu.dynamic_gather %masked_sort3A_1344[%rev3A_1349] in [0] : vector<16xf32>, vector<16xi32> -> vector<16xf32>
      %max3A = arith.maximumf %while3A_1329, %rev3A_1350 : vector<16xf32>
      %masked_sort3A_1351 = arith.constant dense<true> : vector<16xi1>
      %masked_sort3A_1352, %masked_sort3A_1353, %masked_sort3A_1354 = tpu.sort %max3A, %max3A masked %masked_sort3A_1351 {descending = true} : (vector<16xf32>, vector<16xf32>, vector<16xi1>) -> (vector<16xi1>, vector<16xf32>, vector<16xf32>)
      %rev3A_1355 = arith.constant 15 : i32
      %rev3A_1356 = vector.broadcast %rev3A_1355 : i32 to vector<16xi32>
      %rev3A_1357 = tpu.iota {dimensions = array<i32: 0>} : vector<16xi32>
      %rev3A_1358 = arith.subi %rev3A_1356, %rev3A_1357 : vector<16xi32>
      %rev3A_1359 = tpu.dynamic_gather %masked_sort3A_1353[%rev3A_1358] in [0] : vector<16xf32>, vector<16xi32> -> vector<16xf32>
      %max3A_1360 = arith.maximumf %while3A_1328, %rev3A_1359 : vector<16xf32>
      %masked_sort3A_1361 = arith.constant dense<true> : vector<16xi1>
      %masked_sort3A_1362, %masked_sort3A_1363, %masked_sort3A_1364 = tpu.sort %max3A_1360, %max3A_1360 masked %masked_sort3A_1361 {descending = true} : (vector<16xf32>, vector<16xf32>, vector<16xi1>) -> (vector<16xi1>, vector<16xf32>, vector<16xf32>)
      %rev3A_1365 = arith.constant 15 : i32
      %rev3A_1366 = vector.broadcast %rev3A_1365 : i32 to vector<16xi32>
      %rev3A_1367 = tpu.iota {dimensions = array<i32: 0>} : vector<16xi32>
      %rev3A_1368 = arith.subi %rev3A_1366, %rev3A_1367 : vector<16xi32>
      %rev3A_1369 = tpu.dynamic_gather %masked_sort3A_1353[%rev3A_1368] in [0] : vector<16xf32>, vector<16xi32> -> vector<16xf32>
      %min3A_1370 = arith.minimumf %while3A_1328, %rev3A_1369 : vector<16xf32>
      %masked_sort3A_1371 = arith.constant dense<true> : vector<16xi1>
      %masked_sort3A_1372, %masked_sort3A_1373, %masked_sort3A_1374 = tpu.sort %min3A_1370, %min3A_1370 masked %masked_sort3A_1371 {descending = true} : (vector<16xf32>, vector<16xf32>, vector<16xi1>) -> (vector<16xi1>, vector<16xf32>, vector<16xf32>)
      scf.yield %masked_sort3A_1363, %masked_sort3A_1373 : vector<16xf32>, vector<16xf32>
    }
    %gt3A = arith.constant 0.000000e+00 : f32
    %gt3A_150 = vector.broadcast %gt3A : f32 to vector<16xf32>
    %gt3A_151 = arith.cmpf ogt, %while3A_149#0, %gt3A_150 : vector<16xf32>
    %bitcast_convert_type3A = tpu.bitcast %while3A_149#0 : vector<16xf32> -> vector<16xi32>
    %shift_right_arithmetic3A = arith.constant 23 : i32
    %shift_right_arithmetic3A_152 = vector.broadcast %shift_right_arithmetic3A : i32 to vector<16xi32>
    %shift_right_arithmetic3A_153 = arith.shrsi %bitcast_convert_type3A, %shift_right_arithmetic3A_152 : vector<16xi32>
    %sub3A_154 = arith.constant 127 : i32
    %sub3A_155 = vector.broadcast %sub3A_154 : i32 to vector<16xi32>
    %sub3A_156 = arith.subi %shift_right_arithmetic3A_153, %sub3A_155 : vector<16xi32>
    %and3A_157 = arith.constant 8388607 : i32
    %and3A_158 = vector.broadcast %and3A_157 : i32 to vector<16xi32>
    %and3A_159 = arith.andi %bitcast_convert_type3A, %and3A_158 : vector<16xi32>
    %or3A = arith.constant 1065353216 : i32
    %or3A_160 = vector.broadcast %or3A : i32 to vector<16xi32>
    %or3A_161 = arith.ori %and3A_159, %or3A_160 : vector<16xi32>
    %bitcast_convert_type3A_162 = tpu.bitcast %or3A_161 : vector<16xi32> -> vector<16xf32>
    %sub3A_163 = arith.constant 1.000000e+00 : f32
    %sub3A_164 = vector.broadcast %sub3A_163 : f32 to vector<16xf32>
    %sub3A_165 = arith.subf %bitcast_convert_type3A_162, %sub3A_164 : vector<16xf32>
    %add3A_166 = arith.constant 1.000000e+00 : f32
    %add3A_167 = vector.broadcast %add3A_166 : f32 to vector<16xf32>
    %add3A_168 = arith.addf %bitcast_convert_type3A_162, %add3A_167 : vector<16xf32>
    %div3A_169 = arith.divf %sub3A_165, %add3A_168 : vector<16xf32>
    %mul3A_170 = arith.mulf %div3A_169, %div3A_169 : vector<16xf32>
    %mul3A_171 = arith.constant 0.142857149 : f32
    %mul3A_172 = vector.broadcast %mul3A_171 : f32 to vector<16xf32>
    %mul3A_173 = arith.mulf %mul3A_170, %mul3A_172 : vector<16xf32>
    %add3A_174 = arith.constant 2.000000e-01 : f32
    %add3A_175 = vector.broadcast %add3A_174 : f32 to vector<16xf32>
    %add3A_176 = arith.addf %add3A_175, %mul3A_173 : vector<16xf32>
    %mul3A_177 = arith.mulf %mul3A_170, %add3A_176 : vector<16xf32>
    %add3A_178 = arith.constant 0.333333343 : f32
    %add3A_179 = vector.broadcast %add3A_178 : f32 to vector<16xf32>
    %add3A_180 = arith.addf %add3A_179, %mul3A_177 : vector<16xf32>
    %mul3A_181 = arith.mulf %mul3A_170, %add3A_180 : vector<16xf32>
    %add3A_182 = arith.constant 1.000000e+00 : f32
    %add3A_183 = vector.broadcast %add3A_182 : f32 to vector<16xf32>
    %add3A_184 = arith.addf %add3A_183, %mul3A_181 : vector<16xf32>
    %convert_element_type3A = arith.sitofp %sub3A_156 : vector<16xi32> to vector<16xf32>
    %mul3A_185 = arith.constant 0.693147182 : f32
    %mul3A_186 = vector.broadcast %mul3A_185 : f32 to vector<16xf32>
    %mul3A_187 = arith.mulf %convert_element_type3A, %mul3A_186 : vector<16xf32>
    %mul3A_188 = arith.constant 2.000000e+00 : f32
    %mul3A_189 = vector.broadcast %mul3A_188 : f32 to vector<16xf32>
    %mul3A_190 = arith.mulf %mul3A_189, %div3A_169 : vector<16xf32>
    %mul3A_191 = arith.mulf %mul3A_190, %add3A_184 : vector<16xf32>
    %add3A_192 = arith.addf %mul3A_187, %mul3A_191 : vector<16xf32>
    %mul3A_193 = arith.mulf %exp3A, %add3A_192 : vector<16xf32>
    %exp3A_194 = math.exp %mul3A_193 : vector<16xf32>
    %jit3A_195 = arith.constant 0.000000e+00 : f32
    %broadcast_in_dim3A_196 = vector.broadcast %jit3A_195 : f32 to vector<16xf32>
    %select_n3A_197 = arith.select %gt3A_151, %exp3A_194, %broadcast_in_dim3A_196 : vector<16xi1>, vector<16xf32>
    %min3A_198 = arith.constant 0.99999988 : f32
    %min3A_199 = vector.broadcast %min3A_198 : f32 to vector<16xf32>
    %min3A_200 = arith.minimumf %select_n3A_197, %min3A_199 : vector<16xf32>
    %sub3A_201 = arith.constant 1.000000e+00 : f32
    %sub3A_202 = vector.broadcast %sub3A_201 : f32 to vector<16xf32>
    %sub3A_203 = arith.subf %sub3A_202, %min3A_200 : vector<16xf32>
    %bitcast_convert_type3A_204 = tpu.bitcast %sub3A_203 : vector<16xf32> -> vector<16xi32>
    %shift_right_arithmetic3A_205 = arith.constant 23 : i32
    %shift_right_arithmetic3A_206 = vector.broadcast %shift_right_arithmetic3A_205 : i32 to vector<16xi32>
    %shift_right_arithmetic3A_207 = arith.shrsi %bitcast_convert_type3A_204, %shift_right_arithmetic3A_206 : vector<16xi32>
    %sub3A_208 = arith.constant 127 : i32
    %sub3A_209 = vector.broadcast %sub3A_208 : i32 to vector<16xi32>
    %sub3A_210 = arith.subi %shift_right_arithmetic3A_207, %sub3A_209 : vector<16xi32>
    %and3A_211 = arith.constant 8388607 : i32
    %and3A_212 = vector.broadcast %and3A_211 : i32 to vector<16xi32>
    %and3A_213 = arith.andi %bitcast_convert_type3A_204, %and3A_212 : vector<16xi32>
    %or3A_214 = arith.constant 1065353216 : i32
    %or3A_215 = vector.broadcast %or3A_214 : i32 to vector<16xi32>
    %or3A_216 = arith.ori %and3A_213, %or3A_215 : vector<16xi32>
    %bitcast_convert_type3A_217 = tpu.bitcast %or3A_216 : vector<16xi32> -> vector<16xf32>
    %sub3A_218 = arith.constant 1.000000e+00 : f32
    %sub3A_219 = vector.broadcast %sub3A_218 : f32 to vector<16xf32>
    %sub3A_220 = arith.subf %bitcast_convert_type3A_217, %sub3A_219 : vector<16xf32>
    %add3A_221 = arith.constant 1.000000e+00 : f32
    %add3A_222 = vector.broadcast %add3A_221 : f32 to vector<16xf32>
    %add3A_223 = arith.addf %bitcast_convert_type3A_217, %add3A_222 : vector<16xf32>
    %div3A_224 = arith.divf %sub3A_220, %add3A_223 : vector<16xf32>
    %mul3A_225 = arith.mulf %div3A_224, %div3A_224 : vector<16xf32>
    %mul3A_226 = arith.constant 0.142857149 : f32
    %mul3A_227 = vector.broadcast %mul3A_226 : f32 to vector<16xf32>
    %mul3A_228 = arith.mulf %mul3A_225, %mul3A_227 : vector<16xf32>
    %add3A_229 = arith.constant 2.000000e-01 : f32
    %add3A_230 = vector.broadcast %add3A_229 : f32 to vector<16xf32>
    %add3A_231 = arith.addf %add3A_230, %mul3A_228 : vector<16xf32>
    %mul3A_232 = arith.mulf %mul3A_225, %add3A_231 : vector<16xf32>
    %add3A_233 = arith.constant 0.333333343 : f32
    %add3A_234 = vector.broadcast %add3A_233 : f32 to vector<16xf32>
    %add3A_235 = arith.addf %add3A_234, %mul3A_232 : vector<16xf32>
    %mul3A_236 = arith.mulf %mul3A_225, %add3A_235 : vector<16xf32>
    %add3A_237 = arith.constant 1.000000e+00 : f32
    %add3A_238 = vector.broadcast %add3A_237 : f32 to vector<16xf32>
    %add3A_239 = arith.addf %add3A_238, %mul3A_236 : vector<16xf32>
    %convert_element_type3A_240 = arith.sitofp %sub3A_210 : vector<16xi32> to vector<16xf32>
    %mul3A_241 = arith.constant 0.693147182 : f32
    %mul3A_242 = vector.broadcast %mul3A_241 : f32 to vector<16xf32>
    %mul3A_243 = arith.mulf %convert_element_type3A_240, %mul3A_242 : vector<16xf32>
    %mul3A_244 = arith.constant 2.000000e+00 : f32
    %mul3A_245 = vector.broadcast %mul3A_244 : f32 to vector<16xf32>
    %mul3A_246 = arith.mulf %mul3A_245, %div3A_224 : vector<16xf32>
    %mul3A_247 = arith.mulf %mul3A_246, %add3A_239 : vector<16xf32>
    %add3A_248 = arith.addf %mul3A_243, %mul3A_247 : vector<16xf32>
    %gt3A_249 = arith.constant 0.000000e+00 : f32
    %gt3A_250 = vector.broadcast %gt3A_249 : f32 to vector<16xf32>
    %gt3A_251 = arith.cmpf ogt, %while3A_149#1, %gt3A_250 : vector<16xf32>
    %bitcast_convert_type3A_252 = tpu.bitcast %while3A_149#1 : vector<16xf32> -> vector<16xi32>
    %shift_right_arithmetic3A_253 = arith.constant 23 : i32
    %shift_right_arithmetic3A_254 = vector.broadcast %shift_right_arithmetic3A_253 : i32 to vector<16xi32>
    %shift_right_arithmetic3A_255 = arith.shrsi %bitcast_convert_type3A_252, %shift_right_arithmetic3A_254 : vector<16xi32>
    %sub3A_256 = arith.constant 127 : i32
    %sub3A_257 = vector.broadcast %sub3A_256 : i32 to vector<16xi32>
    %sub3A_258 = arith.subi %shift_right_arithmetic3A_255, %sub3A_257 : vector<16xi32>
    %and3A_259 = arith.constant 8388607 : i32
    %and3A_260 = vector.broadcast %and3A_259 : i32 to vector<16xi32>
    %and3A_261 = arith.andi %bitcast_convert_type3A_252, %and3A_260 : vector<16xi32>
    %or3A_262 = arith.constant 1065353216 : i32
    %or3A_263 = vector.broadcast %or3A_262 : i32 to vector<16xi32>
    %or3A_264 = arith.ori %and3A_261, %or3A_263 : vector<16xi32>
    %bitcast_convert_type3A_265 = tpu.bitcast %or3A_264 : vector<16xi32> -> vector<16xf32>
    %sub3A_266 = arith.constant 1.000000e+00 : f32
    %sub3A_267 = vector.broadcast %sub3A_266 : f32 to vector<16xf32>
    %sub3A_268 = arith.subf %bitcast_convert_type3A_265, %sub3A_267 : vector<16xf32>
    %add3A_269 = arith.constant 1.000000e+00 : f32
    %add3A_270 = vector.broadcast %add3A_269 : f32 to vector<16xf32>
    %add3A_271 = arith.addf %bitcast_convert_type3A_265, %add3A_270 : vector<16xf32>
    %div3A_272 = arith.divf %sub3A_268, %add3A_271 : vector<16xf32>
    %mul3A_273 = arith.mulf %div3A_272, %div3A_272 : vector<16xf32>
    %mul3A_274 = arith.constant 0.142857149 : f32
    %mul3A_275 = vector.broadcast %mul3A_274 : f32 to vector<16xf32>
    %mul3A_276 = arith.mulf %mul3A_273, %mul3A_275 : vector<16xf32>
    %add3A_277 = arith.constant 2.000000e-01 : f32
    %add3A_278 = vector.broadcast %add3A_277 : f32 to vector<16xf32>
    %add3A_279 = arith.addf %add3A_278, %mul3A_276 : vector<16xf32>
    %mul3A_280 = arith.mulf %mul3A_273, %add3A_279 : vector<16xf32>
    %add3A_281 = arith.constant 0.333333343 : f32
    %add3A_282 = vector.broadcast %add3A_281 : f32 to vector<16xf32>
    %add3A_283 = arith.addf %add3A_282, %mul3A_280 : vector<16xf32>
    %mul3A_284 = arith.mulf %mul3A_273, %add3A_283 : vector<16xf32>
    %add3A_285 = arith.constant 1.000000e+00 : f32
    %add3A_286 = vector.broadcast %add3A_285 : f32 to vector<16xf32>
    %add3A_287 = arith.addf %add3A_286, %mul3A_284 : vector<16xf32>
    %convert_element_type3A_288 = arith.sitofp %sub3A_258 : vector<16xi32> to vector<16xf32>
    %mul3A_289 = arith.constant 0.693147182 : f32
    %mul3A_290 = vector.broadcast %mul3A_289 : f32 to vector<16xf32>
    %mul3A_291 = arith.mulf %convert_element_type3A_288, %mul3A_290 : vector<16xf32>
    %mul3A_292 = arith.constant 2.000000e+00 : f32
    %mul3A_293 = vector.broadcast %mul3A_292 : f32 to vector<16xf32>
    %mul3A_294 = arith.mulf %mul3A_293, %div3A_272 : vector<16xf32>
    %mul3A_295 = arith.mulf %mul3A_294, %add3A_287 : vector<16xf32>
    %add3A_296 = arith.addf %mul3A_291, %mul3A_295 : vector<16xf32>
    %mul3A_297 = arith.mulf %exp3A, %add3A_296 : vector<16xf32>
    %exp3A_298 = math.exp %mul3A_297 : vector<16xf32>
    %jit3A_299 = arith.constant 0.000000e+00 : f32
    %broadcast_in_dim3A_300 = vector.broadcast %jit3A_299 : f32 to vector<16xf32>
    %select_n3A_301 = arith.select %gt3A_251, %exp3A_298, %broadcast_in_dim3A_300 : vector<16xi1>, vector<16xf32>
    %min3A_302 = arith.constant 0.99999988 : f32
    %min3A_303 = vector.broadcast %min3A_302 : f32 to vector<16xf32>
    %min3A_304 = arith.minimumf %select_n3A_301, %min3A_303 : vector<16xf32>
    %sub3A_305 = arith.constant 1.000000e+00 : f32
    %sub3A_306 = vector.broadcast %sub3A_305 : f32 to vector<16xf32>
    %sub3A_307 = arith.subf %sub3A_306, %min3A_304 : vector<16xf32>
    %bitcast_convert_type3A_308 = tpu.bitcast %sub3A_307 : vector<16xf32> -> vector<16xi32>
    %shift_right_arithmetic3A_309 = arith.constant 23 : i32
    %shift_right_arithmetic3A_310 = vector.broadcast %shift_right_arithmetic3A_309 : i32 to vector<16xi32>
    %shift_right_arithmetic3A_311 = arith.shrsi %bitcast_convert_type3A_308, %shift_right_arithmetic3A_310 : vector<16xi32>
    %sub3A_312 = arith.constant 127 : i32
    %sub3A_313 = vector.broadcast %sub3A_312 : i32 to vector<16xi32>
    %sub3A_314 = arith.subi %shift_right_arithmetic3A_311, %sub3A_313 : vector<16xi32>
    %and3A_315 = arith.constant 8388607 : i32
    %and3A_316 = vector.broadcast %and3A_315 : i32 to vector<16xi32>
    %and3A_317 = arith.andi %bitcast_convert_type3A_308, %and3A_316 : vector<16xi32>
    %or3A_318 = arith.constant 1065353216 : i32
    %or3A_319 = vector.broadcast %or3A_318 : i32 to vector<16xi32>
    %or3A_320 = arith.ori %and3A_317, %or3A_319 : vector<16xi32>
    %bitcast_convert_type3A_321 = tpu.bitcast %or3A_320 : vector<16xi32> -> vector<16xf32>
    %sub3A_322 = arith.constant 1.000000e+00 : f32
    %sub3A_323 = vector.broadcast %sub3A_322 : f32 to vector<16xf32>
    %sub3A_324 = arith.subf %bitcast_convert_type3A_321, %sub3A_323 : vector<16xf32>
    %add3A_325 = arith.constant 1.000000e+00 : f32
    %add3A_326 = vector.broadcast %add3A_325 : f32 to vector<16xf32>
    %add3A_327 = arith.addf %bitcast_convert_type3A_321, %add3A_326 : vector<16xf32>
    %div3A_328 = arith.divf %sub3A_324, %add3A_327 : vector<16xf32>
    %mul3A_329 = arith.mulf %div3A_328, %div3A_328 : vector<16xf32>
    %mul3A_330 = arith.constant 0.142857149 : f32
    %mul3A_331 = vector.broadcast %mul3A_330 : f32 to vector<16xf32>
    %mul3A_332 = arith.mulf %mul3A_329, %mul3A_331 : vector<16xf32>
    %add3A_333 = arith.constant 2.000000e-01 : f32
    %add3A_334 = vector.broadcast %add3A_333 : f32 to vector<16xf32>
    %add3A_335 = arith.addf %add3A_334, %mul3A_332 : vector<16xf32>
    %mul3A_336 = arith.mulf %mul3A_329, %add3A_335 : vector<16xf32>
    %add3A_337 = arith.constant 0.333333343 : f32
    %add3A_338 = vector.broadcast %add3A_337 : f32 to vector<16xf32>
    %add3A_339 = arith.addf %add3A_338, %mul3A_336 : vector<16xf32>
    %mul3A_340 = arith.mulf %mul3A_329, %add3A_339 : vector<16xf32>
    %add3A_341 = arith.constant 1.000000e+00 : f32
    %add3A_342 = vector.broadcast %add3A_341 : f32 to vector<16xf32>
    %add3A_343 = arith.addf %add3A_342, %mul3A_340 : vector<16xf32>
    %convert_element_type3A_344 = arith.sitofp %sub3A_314 : vector<16xi32> to vector<16xf32>
    %mul3A_345 = arith.constant 0.693147182 : f32
    %mul3A_346 = vector.broadcast %mul3A_345 : f32 to vector<16xf32>
    %mul3A_347 = arith.mulf %convert_element_type3A_344, %mul3A_346 : vector<16xf32>
    %mul3A_348 = arith.constant 2.000000e+00 : f32
    %mul3A_349 = vector.broadcast %mul3A_348 : f32 to vector<16xf32>
    %mul3A_350 = arith.mulf %mul3A_349, %div3A_328 : vector<16xf32>
    %mul3A_351 = arith.mulf %mul3A_350, %add3A_343 : vector<16xf32>
    %add3A_352 = arith.addf %mul3A_347, %mul3A_351 : vector<16xf32>
    %lt3A = arith.constant 4 : i32
    %lt3A_353 = vector.broadcast %lt3A : i32 to vector<16xi32>
    %lt3A_354 = arith.cmpi slt, %iota3A, %lt3A_353 : vector<16xi32>
    %jit3A_355 = arith.constant 0.000000e+00 : f32
    %broadcast_in_dim3A_356 = vector.broadcast %jit3A_355 : f32 to vector<16xf32>
    %select_n3A_357 = arith.select %lt3A_354, %add3A_352, %broadcast_in_dim3A_356 : vector<16xi1>, vector<16xf32>
    %add3A_358 = arith.addf %add3A_248, %select_n3A_357 : vector<16xf32>
    %reduce_sum3A = arith.constant true
    %reduce_sum3A_359 = vector.broadcast %reduce_sum3A : i1 to vector<16xi1>
    %reduce_sum3A_360 = tpu.scan <sum>, %add3A_358 masked %reduce_sum3A_359 : vector<16xf32>, vector<16xi1> -> vector<16xf32>
    %reduce_sum3A_361 = vector.extract %reduce_sum3A_360[15] : f32 from vector<16xf32>
    %broadcast_in_dim3A_362 = vector.broadcast %reduce_sum3A_361 : f32 to vector<16xf32>
    %exp3A_363 = math.exp %broadcast_in_dim3A_362 : vector<16xf32>
    %sub3A_364 = arith.constant 1.000000e+00 : f32
    %sub3A_365 = vector.broadcast %sub3A_364 : f32 to vector<16xf32>
    %sub3A_366 = arith.subf %sub3A_365, %exp3A_363 : vector<16xf32>
    %eq3A = arith.constant 0 : i32
    %eq3A_367 = vector.broadcast %eq3A : i32 to vector<16xi32>
    %eq3A_368 = arith.cmpi eq, %iota3A, %eq3A_367 : vector<16xi32>
    %select_n3A_369 = arith.select %eq3A_368, %sub3A_366, %broadcast_in_dim3A_71 : vector<16xi1>, vector<16xf32>
    %dma_wait3A_370 = arith.constant 1 : i32
    %dma_wait3A_371 = arith.constant 1 : i32
    %dma_wait3A_372 = arith.constant 0 : i32
    %dma_wait3A_373 = tpu.memref_slice %arg5[%dma_wait3A_371, %dma_wait3A_372] : memref<4x8192xf32, #tpu.memory_space<vmem>> -> memref<1x8192xf32, #tpu.memory_space<vmem>>
    %dma_wait3A_374 = arith.constant 0 : i32
    %dma_wait3A_375 = tpu.memref_slice %arg2[%add3A_20, %dma_wait3A_374] : memref<128x8192xf32, #tpu.memory_space<hbm>> -> memref<1x8192xf32, #tpu.memory_space<hbm>>
    %dma_wait3A_376 = tpu.memref_slice %arg9[%dma_wait3A_370] : memref<4x!tpu.dma_semaphore, #tpu.memory_space<semaphore_mem>> -> memref<1x!tpu.dma_semaphore, #tpu.memory_space<semaphore_mem>>
    %dma_wait3A_377 = tpu.memref_squeeze %dma_wait3A_376 : memref<1x!tpu.dma_semaphore, #tpu.memory_space<semaphore_mem>> -> memref<!tpu.dma_semaphore, #tpu.memory_space<semaphore_mem>>
    %dma_wait3A_378 = arith.constant 1 : i32
    %dma_wait3A_379 = arith.constant 0 : i32
    %dma_wait3A_380 = tpu.memref_slice %arg5[%dma_wait3A_378, %dma_wait3A_379] : memref<4x8192xf32, #tpu.memory_space<vmem>> -> memref<1x8192xf32, #tpu.memory_space<vmem>>
    %dma_wait3A_381 = arith.constant 0 : i32
    %dma_wait3A_382 = tpu.memref_slice %arg2[%add3A_20, %dma_wait3A_381] : memref<128x8192xf32, #tpu.memory_space<hbm>> -> memref<1x8192xf32, #tpu.memory_space<hbm>>
    tpu.wait_dma2 semaphore(%dma_wait3A_377 : memref<!tpu.dma_semaphore, #tpu.memory_space<semaphore_mem>>) src(%dma_wait3A_382 : memref<1x8192xf32, #tpu.memory_space<hbm>>) dst(%dma_wait3A_380 : memref<1x8192xf32, #tpu.memory_space<vmem>>)
    %parallel_loop3A_383 = arith.constant 0 : i32
    %parallel_loop3A_384 = arith.constant 128 : i32
    %parallel_loop3A_385 = arith.constant 1 : i32
    %parallel_loop3A_386:2 = scf.for %parallel_loop3A_1327 = %parallel_loop3A_383 to %parallel_loop3A_384 step %parallel_loop3A_385 iter_args(%parallel_loop3A_1328 = %broadcast_in_dim3A_71, %parallel_loop3A_1329 = %broadcast_in_dim3A_71) -> (vector<16xf32>, vector<16xf32>)  : i32 {
      %parallel_loop3A_1330 = arith.constant 4 : i32
      %parallel_loop3A_1331 = arith.muli %parallel_loop3A_1327, %parallel_loop3A_1330 : i32
      %parallel_loop3A_1332 = arith.constant 16 : i32
      %parallel_loop3A_1333 = arith.muli %parallel_loop3A_1331, %parallel_loop3A_1332 : i32
      %parallel_loop3A_1334 = arith.constant 1 : i32
      %parallel_loop3A_1335 = arith.index_cast %parallel_loop3A_1334 : i32 to index
      %parallel_loop3A_1336 = arith.index_cast %parallel_loop3A_1333 : i32 to index
      %parallel_loop3A_1337 = tpu.vector_load %arg5[%parallel_loop3A_1335, %parallel_loop3A_1336] {strides = array<i32>} : memref<4x8192xf32, #tpu.memory_space<vmem>>, vector<16xf32>,
      %parallel_loop3A_1338 = arith.maximumf %parallel_loop3A_1328, %parallel_loop3A_1337 : vector<16xf32>
      %parallel_loop3A_1339 = arith.constant 4 : i32
      %parallel_loop3A_1340 = arith.muli %parallel_loop3A_1327, %parallel_loop3A_1339 : i32
      %parallel_loop3A_1341 = arith.constant 1 : i32
      %parallel_loop3A_1342 = arith.addi %parallel_loop3A_1340, %parallel_loop3A_1341 : i32
      %parallel_loop3A_1343 = arith.constant 16 : i32
      %parallel_loop3A_1344 = arith.muli %parallel_loop3A_1342, %parallel_loop3A_1343 : i32
      %parallel_loop3A_1345 = arith.constant 1 : i32
      %parallel_loop3A_1346 = arith.index_cast %parallel_loop3A_1345 : i32 to index
      %parallel_loop3A_1347 = arith.index_cast %parallel_loop3A_1344 : i32 to index
      %parallel_loop3A_1348 = tpu.vector_load %arg5[%parallel_loop3A_1346, %parallel_loop3A_1347] {strides = array<i32>} : memref<4x8192xf32, #tpu.memory_space<vmem>>, vector<16xf32>,
      %parallel_loop3A_1349 = arith.maximumf %parallel_loop3A_1329, %parallel_loop3A_1348 : vector<16xf32>
      scf.yield %parallel_loop3A_1338, %parallel_loop3A_1349 : vector<16xf32>, vector<16xf32>
    } {sc.loop_unroll_factor = 8 : i64, sc.parallel_access}
    %masked_sort3A_387 = arith.constant dense<true> : vector<16xi1>
    %masked_sort3A_388, %masked_sort3A_389, %masked_sort3A_390 = tpu.sort %parallel_loop3A_386#0, %parallel_loop3A_386#0 masked %masked_sort3A_387 {descending = true} : (vector<16xf32>, vector<16xf32>, vector<16xi1>) -> (vector<16xi1>, vector<16xf32>, vector<16xf32>)
    %masked_sort3A_391 = arith.constant dense<true> : vector<16xi1>
    %masked_sort3A_392, %masked_sort3A_393, %masked_sort3A_394 = tpu.sort %parallel_loop3A_386#1, %parallel_loop3A_386#1 masked %masked_sort3A_391 {descending = true} : (vector<16xf32>, vector<16xf32>, vector<16xi1>) -> (vector<16xi1>, vector<16xf32>, vector<16xf32>)
    %rev3A_395 = arith.constant 15 : i32
    %rev3A_396 = vector.broadcast %rev3A_395 : i32 to vector<16xi32>
    %rev3A_397 = tpu.iota {dimensions = array<i32: 0>} : vector<16xi32>
    %rev3A_398 = arith.subi %rev3A_396, %rev3A_397 : vector<16xi32>
    %rev3A_399 = tpu.dynamic_gather %masked_sort3A_393[%rev3A_398] in [0] : vector<16xf32>, vector<16xi32> -> vector<16xf32>
    %min3A_400 = arith.minimumf %masked_sort3A_389, %rev3A_399 : vector<16xf32>
    %masked_sort3A_401 = arith.constant dense<true> : vector<16xi1>
    %masked_sort3A_402, %masked_sort3A_403, %masked_sort3A_404 = tpu.sort %min3A_400, %min3A_400 masked %masked_sort3A_401 {descending = true} : (vector<16xf32>, vector<16xf32>, vector<16xi1>) -> (vector<16xi1>, vector<16xf32>, vector<16xf32>)
    %slice3A_405 = vector.extract_strided_slice %masked_sort3A_403 {offsets = [3], sizes = [1], strides = [1]} : vector<16xf32> to vector<1xf32>
    %squeeze3A_406 = vector.extract %slice3A_405[0] : f32 from vector<1xf32>
    %broadcast_in_dim3A_407 = vector.broadcast %squeeze3A_406 : f32 to vector<16xf32>
    %broadcast_in_dim3A_408 = arith.constant -1 : i32
    %broadcast_in_dim3A_409 = vector.broadcast %broadcast_in_dim3A_408 : i32 to vector<16xi32>
    %parallel_loop3A_410 = arith.constant 0 : i32
    %parallel_loop3A_411 = arith.constant 512 : i32
    %parallel_loop3A_412 = arith.constant 1 : i32
    %parallel_loop3A_413 = scf.for %parallel_loop3A_1327 = %parallel_loop3A_410 to %parallel_loop3A_411 step %parallel_loop3A_412 iter_args(%parallel_loop3A_1328 = %broadcast_in_dim3A_409) -> (vector<16xi32>)  : i32 {
      %parallel_loop3A_1329 = arith.constant 16 : i32
      %parallel_loop3A_1330 = arith.muli %parallel_loop3A_1327, %parallel_loop3A_1329 : i32
      %parallel_loop3A_1331 = arith.constant 1 : i32
      %parallel_loop3A_1332 = arith.index_cast %parallel_loop3A_1331 : i32 to index
      %parallel_loop3A_1333 = arith.index_cast %parallel_loop3A_1330 : i32 to index
      %parallel_loop3A_1334 = tpu.vector_load %arg5[%parallel_loop3A_1332, %parallel_loop3A_1333] {strides = array<i32>} : memref<4x8192xf32, #tpu.memory_space<vmem>>, vector<16xf32>,
      %parallel_loop3A_1335 = arith.cmpf oge, %parallel_loop3A_1334, %broadcast_in_dim3A_407 : vector<16xf32>
      %parallel_loop3A_1336 = tpu.scan <sum>, %broadcast_in_dim3A_73 masked %parallel_loop3A_1335 : vector<16xi32>, vector<16xi1> -> vector<16xi32>
      %parallel_loop3A_1337 = arith.addi %parallel_loop3A_1328, %parallel_loop3A_1336 : vector<16xi32>
      tpu.vector_store_idx %arg6[%parallel_loop3A_1337], %parallel_loop3A_1334 masked %parallel_loop3A_1335 : memref<8208xf32, #tpu.memory_space<vmem>>[vector<16xi32>], vector<16xf32>, vector<16xi1>
      %parallel_loop3A_1338 = tpu.all_reduce %parallel_loop3A_1335 {dim = 0 : i64, kind = #tpu.reduction_kind<sum>} : vector<16xi1> -> vector<16xi32>
      %parallel_loop3A_1339 = arith.addi %parallel_loop3A_1328, %parallel_loop3A_1338 : vector<16xi32>
      scf.yield %parallel_loop3A_1339 : vector<16xi32>
    } {sc.loop_unroll_factor = 8 : i64, sc.parallel_access}
    %slice3A_414 = vector.extract_strided_slice %parallel_loop3A_413 {offsets = [0], sizes = [1], strides = [1]} : vector<16xi32> to vector<1xi32>
    %squeeze3A_415 = vector.extract %slice3A_414[0] : i32 from vector<1xi32>
    %add3A_416 = arith.constant 1 : i32
    %add3A_417 = arith.addi %squeeze3A_415, %add3A_416 : i32
    %add3A_418 = arith.constant 1 : i32
    %add3A_419 = vector.broadcast %add3A_418 : i32 to vector<16xi32>
    %add3A_420 = arith.addi %parallel_loop3A_413, %add3A_419 : vector<16xi32>
    %add3A_421 = arith.constant 16 : i32
    %add3A_422 = arith.addi %add3A_417, %add3A_421 : i32
    %sub3A_423 = arith.constant 1 : i32
    %sub3A_424 = arith.subi %add3A_422, %sub3A_423 : i32
    %jit3A_425 = arith.constant 16 : i32
    %div3A_426 = arith.divsi %sub3A_424, %jit3A_425 : i32
    %sign3A_427 = arith.constant 0 : i32
    %sign3A_428 = arith.cmpi sgt, %sub3A_424, %sign3A_427 : i32
    %sign3A_429 = arith.extui %sign3A_428 : i1 to i32
    %sign3A_430 = arith.constant 0 : i32
    %sign3A_431 = arith.cmpi slt, %sub3A_424, %sign3A_430 : i32
    %sign3A_432 = arith.extui %sign3A_431 : i1 to i32
    %sign3A_433 = arith.subi %sign3A_429, %sign3A_432 : i32
    %sign3A_434 = arith.constant 0 : i32
    %sign3A_435 = arith.cmpi sgt, %jit3A_425, %sign3A_434 : i32
    %sign3A_436 = arith.extui %sign3A_435 : i1 to i32
    %sign3A_437 = arith.constant 0 : i32
    %sign3A_438 = arith.cmpi slt, %jit3A_425, %sign3A_437 : i32
    %sign3A_439 = arith.extui %sign3A_438 : i1 to i32
    %sign3A_440 = arith.subi %sign3A_436, %sign3A_439 : i32
    %ne3A_441 = arith.cmpi ne, %sign3A_433, %sign3A_440 : i32
    %rem3A_442 = arith.remsi %sub3A_424, %jit3A_425 : i32
    %ne3A_443 = arith.constant 0 : i32
    %ne3A_444 = arith.cmpi ne, %rem3A_442, %ne3A_443 : i32
    %and3A_445 = arith.andi %ne3A_441, %ne3A_444 : i1
    %sub3A_446 = arith.constant 1 : i32
    %sub3A_447 = arith.subi %div3A_426, %sub3A_446 : i32
    %select_n3A_448 = arith.select %and3A_445, %sub3A_447, %div3A_426 : i32
    %while3A_449 = arith.constant 0 : i32
    %while3A_450 = arith.subi %select_n3A_448, %while3A_449 : i32
    %while3A_451 = arith.addi %while3A_449, %while3A_450 : i32
    %while3A_452 = arith.constant 1 : i32
    %while3A_453 = arith.divsi %while3A_450, %while3A_452 : i32
    %while3A_454 = arith.muli %while3A_453, %while3A_452 : i32
    %while3A_455 = arith.addi %while3A_449, %while3A_454 : i32
    %while3A_456 = arith.constant 1 : i32
    %while3A_457:2 = scf.for %while3A_1327 = %while3A_449 to %while3A_455 step %while3A_456 iter_args(%while3A_1328 = %broadcast_in_dim3A_71, %while3A_1329 = %broadcast_in_dim3A_71) -> (vector<16xf32>, vector<16xf32>)  : i32 {
      %mul3A_1330 = arith.constant 16 : i32
      %mul3A_1331 = arith.muli %while3A_1327, %mul3A_1330 : i32
      %get3A_1332 = arith.index_cast %mul3A_1331 : i32 to index
      %get3A_1333 = tpu.vector_load %arg6[%get3A_1332] {strides = array<i32>} : memref<8208xf32, #tpu.memory_space<vmem>>, vector<16xf32>,
      %mul3A_1334 = arith.constant 16 : i32
      %mul3A_1335 = arith.muli %while3A_1327, %mul3A_1334 : i32
      %add3A_1336 = vector.broadcast %mul3A_1335 : i32 to vector<16xi32>
      %add3A_1337 = arith.addi %add3A_1336, %iota3A : vector<16xi32>
      %lt3A_1338 = arith.cmpi slt, %add3A_1337, %add3A_420 : vector<16xi32>
      %jit3A_1339 = arith.constant 0.000000e+00 : f32
      %broadcast_in_dim3A_1340 = vector.broadcast %jit3A_1339 : f32 to vector<16xf32>
      %select_n3A_1341 = arith.select %lt3A_1338, %get3A_1333, %broadcast_in_dim3A_1340 : vector<16xi1>, vector<16xf32>
      %masked_sort3A_1342 = arith.constant dense<true> : vector<16xi1>
      %masked_sort3A_1343, %masked_sort3A_1344, %masked_sort3A_1345 = tpu.sort %select_n3A_1341, %select_n3A_1341 masked %masked_sort3A_1342 {descending = true} : (vector<16xf32>, vector<16xf32>, vector<16xi1>) -> (vector<16xi1>, vector<16xf32>, vector<16xf32>)
      %rev3A_1346 = arith.constant 15 : i32
      %rev3A_1347 = vector.broadcast %rev3A_1346 : i32 to vector<16xi32>
      %rev3A_1348 = tpu.iota {dimensions = array<i32: 0>} : vector<16xi32>
      %rev3A_1349 = arith.subi %rev3A_1347, %rev3A_1348 : vector<16xi32>
      %rev3A_1350 = tpu.dynamic_gather %masked_sort3A_1344[%rev3A_1349] in [0] : vector<16xf32>, vector<16xi32> -> vector<16xf32>
      %max3A = arith.maximumf %while3A_1329, %rev3A_1350 : vector<16xf32>
      %masked_sort3A_1351 = arith.constant dense<true> : vector<16xi1>
      %masked_sort3A_1352, %masked_sort3A_1353, %masked_sort3A_1354 = tpu.sort %max3A, %max3A masked %masked_sort3A_1351 {descending = true} : (vector<16xf32>, vector<16xf32>, vector<16xi1>) -> (vector<16xi1>, vector<16xf32>, vector<16xf32>)
      %rev3A_1355 = arith.constant 15 : i32
      %rev3A_1356 = vector.broadcast %rev3A_1355 : i32 to vector<16xi32>
      %rev3A_1357 = tpu.iota {dimensions = array<i32: 0>} : vector<16xi32>
      %rev3A_1358 = arith.subi %rev3A_1356, %rev3A_1357 : vector<16xi32>
      %rev3A_1359 = tpu.dynamic_gather %masked_sort3A_1353[%rev3A_1358] in [0] : vector<16xf32>, vector<16xi32> -> vector<16xf32>
      %max3A_1360 = arith.maximumf %while3A_1328, %rev3A_1359 : vector<16xf32>
      %masked_sort3A_1361 = arith.constant dense<true> : vector<16xi1>
      %masked_sort3A_1362, %masked_sort3A_1363, %masked_sort3A_1364 = tpu.sort %max3A_1360, %max3A_1360 masked %masked_sort3A_1361 {descending = true} : (vector<16xf32>, vector<16xf32>, vector<16xi1>) -> (vector<16xi1>, vector<16xf32>, vector<16xf32>)
      %rev3A_1365 = arith.constant 15 : i32
      %rev3A_1366 = vector.broadcast %rev3A_1365 : i32 to vector<16xi32>
      %rev3A_1367 = tpu.iota {dimensions = array<i32: 0>} : vector<16xi32>
      %rev3A_1368 = arith.subi %rev3A_1366, %rev3A_1367 : vector<16xi32>
      %rev3A_1369 = tpu.dynamic_gather %masked_sort3A_1353[%rev3A_1368] in [0] : vector<16xf32>, vector<16xi32> -> vector<16xf32>
      %min3A_1370 = arith.minimumf %while3A_1328, %rev3A_1369 : vector<16xf32>
      %masked_sort3A_1371 = arith.constant dense<true> : vector<16xi1>
      %masked_sort3A_1372, %masked_sort3A_1373, %masked_sort3A_1374 = tpu.sort %min3A_1370, %min3A_1370 masked %masked_sort3A_1371 {descending = true} : (vector<16xf32>, vector<16xf32>, vector<16xi1>) -> (vector<16xi1>, vector<16xf32>, vector<16xf32>)
      scf.yield %masked_sort3A_1363, %masked_sort3A_1373 : vector<16xf32>, vector<16xf32>
    }
    %while3A_458 = arith.constant 1 : i32
    %while3A_459:2 = scf.for %while3A_1327 = %while3A_455 to %while3A_451 step %while3A_458 iter_args(%while3A_1328 = %while3A_457#0, %while3A_1329 = %while3A_457#1) -> (vector<16xf32>, vector<16xf32>)  : i32 {
      %mul3A_1330 = arith.constant 16 : i32
      %mul3A_1331 = arith.muli %while3A_1327, %mul3A_1330 : i32
      %get3A_1332 = arith.index_cast %mul3A_1331 : i32 to index
      %get3A_1333 = tpu.vector_load %arg6[%get3A_1332] {strides = array<i32>} : memref<8208xf32, #tpu.memory_space<vmem>>, vector<16xf32>,
      %mul3A_1334 = arith.constant 16 : i32
      %mul3A_1335 = arith.muli %while3A_1327, %mul3A_1334 : i32
      %add3A_1336 = vector.broadcast %mul3A_1335 : i32 to vector<16xi32>
      %add3A_1337 = arith.addi %add3A_1336, %iota3A : vector<16xi32>
      %lt3A_1338 = arith.cmpi slt, %add3A_1337, %add3A_420 : vector<16xi32>
      %jit3A_1339 = arith.constant 0.000000e+00 : f32
      %broadcast_in_dim3A_1340 = vector.broadcast %jit3A_1339 : f32 to vector<16xf32>
      %select_n3A_1341 = arith.select %lt3A_1338, %get3A_1333, %broadcast_in_dim3A_1340 : vector<16xi1>, vector<16xf32>
      %masked_sort3A_1342 = arith.constant dense<true> : vector<16xi1>
      %masked_sort3A_1343, %masked_sort3A_1344, %masked_sort3A_1345 = tpu.sort %select_n3A_1341, %select_n3A_1341 masked %masked_sort3A_1342 {descending = true} : (vector<16xf32>, vector<16xf32>, vector<16xi1>) -> (vector<16xi1>, vector<16xf32>, vector<16xf32>)
      %rev3A_1346 = arith.constant 15 : i32
      %rev3A_1347 = vector.broadcast %rev3A_1346 : i32 to vector<16xi32>
      %rev3A_1348 = tpu.iota {dimensions = array<i32: 0>} : vector<16xi32>
      %rev3A_1349 = arith.subi %rev3A_1347, %rev3A_1348 : vector<16xi32>
      %rev3A_1350 = tpu.dynamic_gather %masked_sort3A_1344[%rev3A_1349] in [0] : vector<16xf32>, vector<16xi32> -> vector<16xf32>
      %max3A = arith.maximumf %while3A_1329, %rev3A_1350 : vector<16xf32>
      %masked_sort3A_1351 = arith.constant dense<true> : vector<16xi1>
      %masked_sort3A_1352, %masked_sort3A_1353, %masked_sort3A_1354 = tpu.sort %max3A, %max3A masked %masked_sort3A_1351 {descending = true} : (vector<16xf32>, vector<16xf32>, vector<16xi1>) -> (vector<16xi1>, vector<16xf32>, vector<16xf32>)
      %rev3A_1355 = arith.constant 15 : i32
      %rev3A_1356 = vector.broadcast %rev3A_1355 : i32 to vector<16xi32>
      %rev3A_1357 = tpu.iota {dimensions = array<i32: 0>} : vector<16xi32>
      %rev3A_1358 = arith.subi %rev3A_1356, %rev3A_1357 : vector<16xi32>
      %rev3A_1359 = tpu.dynamic_gather %masked_sort3A_1353[%rev3A_1358] in [0] : vector<16xf32>, vector<16xi32> -> vector<16xf32>
      %max3A_1360 = arith.maximumf %while3A_1328, %rev3A_1359 : vector<16xf32>
      %masked_sort3A_1361 = arith.constant dense<true> : vector<16xi1>
      %masked_sort3A_1362, %masked_sort3A_1363, %masked_sort3A_1364 = tpu.sort %max3A_1360, %max3A_1360 masked %masked_sort3A_1361 {descending = true} : (vector<16xf32>, vector<16xf32>, vector<16xi1>) -> (vector<16xi1>, vector<16xf32>, vector<16xf32>)
      %rev3A_1365 = arith.constant 15 : i32
      %rev3A_1366 = vector.broadcast %rev3A_1365 : i32 to vector<16xi32>
      %rev3A_1367 = tpu.iota {dimensions = array<i32: 0>} : vector<16xi32>
      %rev3A_1368 = arith.subi %rev3A_1366, %rev3A_1367 : vector<16xi32>
      %rev3A_1369 = tpu.dynamic_gather %masked_sort3A_1353[%rev3A_1368] in [0] : vector<16xf32>, vector<16xi32> -> vector<16xf32>
      %min3A_1370 = arith.minimumf %while3A_1328, %rev3A_1369 : vector<16xf32>
      %masked_sort3A_1371 = arith.constant dense<true> : vector<16xi1>
      %masked_sort3A_1372, %masked_sort3A_1373, %masked_sort3A_1374 = tpu.sort %min3A_1370, %min3A_1370 masked %masked_sort3A_1371 {descending = true} : (vector<16xf32>, vector<16xf32>, vector<16xi1>) -> (vector<16xi1>, vector<16xf32>, vector<16xf32>)
      scf.yield %masked_sort3A_1363, %masked_sort3A_1373 : vector<16xf32>, vector<16xf32>
    }
    %gt3A_460 = arith.constant 0.000000e+00 : f32
    %gt3A_461 = vector.broadcast %gt3A_460 : f32 to vector<16xf32>
    %gt3A_462 = arith.cmpf ogt, %while3A_459#0, %gt3A_461 : vector<16xf32>
    %bitcast_convert_type3A_463 = tpu.bitcast %while3A_459#0 : vector<16xf32> -> vector<16xi32>
    %shift_right_arithmetic3A_464 = arith.constant 23 : i32
    %shift_right_arithmetic3A_465 = vector.broadcast %shift_right_arithmetic3A_464 : i32 to vector<16xi32>
    %shift_right_arithmetic3A_466 = arith.shrsi %bitcast_convert_type3A_463, %shift_right_arithmetic3A_465 : vector<16xi32>
    %sub3A_467 = arith.constant 127 : i32
    %sub3A_468 = vector.broadcast %sub3A_467 : i32 to vector<16xi32>
    %sub3A_469 = arith.subi %shift_right_arithmetic3A_466, %sub3A_468 : vector<16xi32>
    %and3A_470 = arith.constant 8388607 : i32
    %and3A_471 = vector.broadcast %and3A_470 : i32 to vector<16xi32>
    %and3A_472 = arith.andi %bitcast_convert_type3A_463, %and3A_471 : vector<16xi32>
    %or3A_473 = arith.constant 1065353216 : i32
    %or3A_474 = vector.broadcast %or3A_473 : i32 to vector<16xi32>
    %or3A_475 = arith.ori %and3A_472, %or3A_474 : vector<16xi32>
    %bitcast_convert_type3A_476 = tpu.bitcast %or3A_475 : vector<16xi32> -> vector<16xf32>
    %sub3A_477 = arith.constant 1.000000e+00 : f32
    %sub3A_478 = vector.broadcast %sub3A_477 : f32 to vector<16xf32>
    %sub3A_479 = arith.subf %bitcast_convert_type3A_476, %sub3A_478 : vector<16xf32>
    %add3A_480 = arith.constant 1.000000e+00 : f32
    %add3A_481 = vector.broadcast %add3A_480 : f32 to vector<16xf32>
    %add3A_482 = arith.addf %bitcast_convert_type3A_476, %add3A_481 : vector<16xf32>
    %div3A_483 = arith.divf %sub3A_479, %add3A_482 : vector<16xf32>
    %mul3A_484 = arith.mulf %div3A_483, %div3A_483 : vector<16xf32>
    %mul3A_485 = arith.constant 0.142857149 : f32
    %mul3A_486 = vector.broadcast %mul3A_485 : f32 to vector<16xf32>
    %mul3A_487 = arith.mulf %mul3A_484, %mul3A_486 : vector<16xf32>
    %add3A_488 = arith.constant 2.000000e-01 : f32
    %add3A_489 = vector.broadcast %add3A_488 : f32 to vector<16xf32>
    %add3A_490 = arith.addf %add3A_489, %mul3A_487 : vector<16xf32>
    %mul3A_491 = arith.mulf %mul3A_484, %add3A_490 : vector<16xf32>
    %add3A_492 = arith.constant 0.333333343 : f32
    %add3A_493 = vector.broadcast %add3A_492 : f32 to vector<16xf32>
    %add3A_494 = arith.addf %add3A_493, %mul3A_491 : vector<16xf32>
    %mul3A_495 = arith.mulf %mul3A_484, %add3A_494 : vector<16xf32>
    %add3A_496 = arith.constant 1.000000e+00 : f32
    %add3A_497 = vector.broadcast %add3A_496 : f32 to vector<16xf32>
    %add3A_498 = arith.addf %add3A_497, %mul3A_495 : vector<16xf32>
    %convert_element_type3A_499 = arith.sitofp %sub3A_469 : vector<16xi32> to vector<16xf32>
    %mul3A_500 = arith.constant 0.693147182 : f32
    %mul3A_501 = vector.broadcast %mul3A_500 : f32 to vector<16xf32>
    %mul3A_502 = arith.mulf %convert_element_type3A_499, %mul3A_501 : vector<16xf32>
    %mul3A_503 = arith.constant 2.000000e+00 : f32
    %mul3A_504 = vector.broadcast %mul3A_503 : f32 to vector<16xf32>
    %mul3A_505 = arith.mulf %mul3A_504, %div3A_483 : vector<16xf32>
    %mul3A_506 = arith.mulf %mul3A_505, %add3A_498 : vector<16xf32>
    %add3A_507 = arith.addf %mul3A_502, %mul3A_506 : vector<16xf32>
    %mul3A_508 = arith.mulf %exp3A, %add3A_507 : vector<16xf32>
    %exp3A_509 = math.exp %mul3A_508 : vector<16xf32>
    %jit3A_510 = arith.constant 0.000000e+00 : f32
    %broadcast_in_dim3A_511 = vector.broadcast %jit3A_510 : f32 to vector<16xf32>
    %select_n3A_512 = arith.select %gt3A_462, %exp3A_509, %broadcast_in_dim3A_511 : vector<16xi1>, vector<16xf32>
    %min3A_513 = arith.constant 0.99999988 : f32
    %min3A_514 = vector.broadcast %min3A_513 : f32 to vector<16xf32>
    %min3A_515 = arith.minimumf %select_n3A_512, %min3A_514 : vector<16xf32>
    %sub3A_516 = arith.constant 1.000000e+00 : f32
    %sub3A_517 = vector.broadcast %sub3A_516 : f32 to vector<16xf32>
    %sub3A_518 = arith.subf %sub3A_517, %min3A_515 : vector<16xf32>
    %bitcast_convert_type3A_519 = tpu.bitcast %sub3A_518 : vector<16xf32> -> vector<16xi32>
    %shift_right_arithmetic3A_520 = arith.constant 23 : i32
    %shift_right_arithmetic3A_521 = vector.broadcast %shift_right_arithmetic3A_520 : i32 to vector<16xi32>
    %shift_right_arithmetic3A_522 = arith.shrsi %bitcast_convert_type3A_519, %shift_right_arithmetic3A_521 : vector<16xi32>
    %sub3A_523 = arith.constant 127 : i32
    %sub3A_524 = vector.broadcast %sub3A_523 : i32 to vector<16xi32>
    %sub3A_525 = arith.subi %shift_right_arithmetic3A_522, %sub3A_524 : vector<16xi32>
    %and3A_526 = arith.constant 8388607 : i32
    %and3A_527 = vector.broadcast %and3A_526 : i32 to vector<16xi32>
    %and3A_528 = arith.andi %bitcast_convert_type3A_519, %and3A_527 : vector<16xi32>
    %or3A_529 = arith.constant 1065353216 : i32
    %or3A_530 = vector.broadcast %or3A_529 : i32 to vector<16xi32>
    %or3A_531 = arith.ori %and3A_528, %or3A_530 : vector<16xi32>
    %bitcast_convert_type3A_532 = tpu.bitcast %or3A_531 : vector<16xi32> -> vector<16xf32>
    %sub3A_533 = arith.constant 1.000000e+00 : f32
    %sub3A_534 = vector.broadcast %sub3A_533 : f32 to vector<16xf32>
    %sub3A_535 = arith.subf %bitcast_convert_type3A_532, %sub3A_534 : vector<16xf32>
    %add3A_536 = arith.constant 1.000000e+00 : f32
    %add3A_537 = vector.broadcast %add3A_536 : f32 to vector<16xf32>
    %add3A_538 = arith.addf %bitcast_convert_type3A_532, %add3A_537 : vector<16xf32>
    %div3A_539 = arith.divf %sub3A_535, %add3A_538 : vector<16xf32>
    %mul3A_540 = arith.mulf %div3A_539, %div3A_539 : vector<16xf32>
    %mul3A_541 = arith.constant 0.142857149 : f32
    %mul3A_542 = vector.broadcast %mul3A_541 : f32 to vector<16xf32>
    %mul3A_543 = arith.mulf %mul3A_540, %mul3A_542 : vector<16xf32>
    %add3A_544 = arith.constant 2.000000e-01 : f32
    %add3A_545 = vector.broadcast %add3A_544 : f32 to vector<16xf32>
    %add3A_546 = arith.addf %add3A_545, %mul3A_543 : vector<16xf32>
    %mul3A_547 = arith.mulf %mul3A_540, %add3A_546 : vector<16xf32>
    %add3A_548 = arith.constant 0.333333343 : f32
    %add3A_549 = vector.broadcast %add3A_548 : f32 to vector<16xf32>
    %add3A_550 = arith.addf %add3A_549, %mul3A_547 : vector<16xf32>
    %mul3A_551 = arith.mulf %mul3A_540, %add3A_550 : vector<16xf32>
    %add3A_552 = arith.constant 1.000000e+00 : f32
    %add3A_553 = vector.broadcast %add3A_552 : f32 to vector<16xf32>
    %add3A_554 = arith.addf %add3A_553, %mul3A_551 : vector<16xf32>
    %convert_element_type3A_555 = arith.sitofp %sub3A_525 : vector<16xi32> to vector<16xf32>
    %mul3A_556 = arith.constant 0.693147182 : f32
    %mul3A_557 = vector.broadcast %mul3A_556 : f32 to vector<16xf32>
    %mul3A_558 = arith.mulf %convert_element_type3A_555, %mul3A_557 : vector<16xf32>
    %mul3A_559 = arith.constant 2.000000e+00 : f32
    %mul3A_560 = vector.broadcast %mul3A_559 : f32 to vector<16xf32>
    %mul3A_561 = arith.mulf %mul3A_560, %div3A_539 : vector<16xf32>
    %mul3A_562 = arith.mulf %mul3A_561, %add3A_554 : vector<16xf32>
    %add3A_563 = arith.addf %mul3A_558, %mul3A_562 : vector<16xf32>
    %gt3A_564 = arith.constant 0.000000e+00 : f32
    %gt3A_565 = vector.broadcast %gt3A_564 : f32 to vector<16xf32>
    %gt3A_566 = arith.cmpf ogt, %while3A_459#1, %gt3A_565 : vector<16xf32>
    %bitcast_convert_type3A_567 = tpu.bitcast %while3A_459#1 : vector<16xf32> -> vector<16xi32>
    %shift_right_arithmetic3A_568 = arith.constant 23 : i32
    %shift_right_arithmetic3A_569 = vector.broadcast %shift_right_arithmetic3A_568 : i32 to vector<16xi32>
    %shift_right_arithmetic3A_570 = arith.shrsi %bitcast_convert_type3A_567, %shift_right_arithmetic3A_569 : vector<16xi32>
    %sub3A_571 = arith.constant 127 : i32
    %sub3A_572 = vector.broadcast %sub3A_571 : i32 to vector<16xi32>
    %sub3A_573 = arith.subi %shift_right_arithmetic3A_570, %sub3A_572 : vector<16xi32>
    %and3A_574 = arith.constant 8388607 : i32
    %and3A_575 = vector.broadcast %and3A_574 : i32 to vector<16xi32>
    %and3A_576 = arith.andi %bitcast_convert_type3A_567, %and3A_575 : vector<16xi32>
    %or3A_577 = arith.constant 1065353216 : i32
    %or3A_578 = vector.broadcast %or3A_577 : i32 to vector<16xi32>
    %or3A_579 = arith.ori %and3A_576, %or3A_578 : vector<16xi32>
    %bitcast_convert_type3A_580 = tpu.bitcast %or3A_579 : vector<16xi32> -> vector<16xf32>
    %sub3A_581 = arith.constant 1.000000e+00 : f32
    %sub3A_582 = vector.broadcast %sub3A_581 : f32 to vector<16xf32>
    %sub3A_583 = arith.subf %bitcast_convert_type3A_580, %sub3A_582 : vector<16xf32>
    %add3A_584 = arith.constant 1.000000e+00 : f32
    %add3A_585 = vector.broadcast %add3A_584 : f32 to vector<16xf32>
    %add3A_586 = arith.addf %bitcast_convert_type3A_580, %add3A_585 : vector<16xf32>
    %div3A_587 = arith.divf %sub3A_583, %add3A_586 : vector<16xf32>
    %mul3A_588 = arith.mulf %div3A_587, %div3A_587 : vector<16xf32>
    %mul3A_589 = arith.constant 0.142857149 : f32
    %mul3A_590 = vector.broadcast %mul3A_589 : f32 to vector<16xf32>
    %mul3A_591 = arith.mulf %mul3A_588, %mul3A_590 : vector<16xf32>
    %add3A_592 = arith.constant 2.000000e-01 : f32
    %add3A_593 = vector.broadcast %add3A_592 : f32 to vector<16xf32>
    %add3A_594 = arith.addf %add3A_593, %mul3A_591 : vector<16xf32>
    %mul3A_595 = arith.mulf %mul3A_588, %add3A_594 : vector<16xf32>
    %add3A_596 = arith.constant 0.333333343 : f32
    %add3A_597 = vector.broadcast %add3A_596 : f32 to vector<16xf32>
    %add3A_598 = arith.addf %add3A_597, %mul3A_595 : vector<16xf32>
    %mul3A_599 = arith.mulf %mul3A_588, %add3A_598 : vector<16xf32>
    %add3A_600 = arith.constant 1.000000e+00 : f32
    %add3A_601 = vector.broadcast %add3A_600 : f32 to vector<16xf32>
    %add3A_602 = arith.addf %add3A_601, %mul3A_599 : vector<16xf32>
    %convert_element_type3A_603 = arith.sitofp %sub3A_573 : vector<16xi32> to vector<16xf32>
    %mul3A_604 = arith.constant 0.693147182 : f32
    %mul3A_605 = vector.broadcast %mul3A_604 : f32 to vector<16xf32>
    %mul3A_606 = arith.mulf %convert_element_type3A_603, %mul3A_605 : vector<16xf32>
    %mul3A_607 = arith.constant 2.000000e+00 : f32
    %mul3A_608 = vector.broadcast %mul3A_607 : f32 to vector<16xf32>
    %mul3A_609 = arith.mulf %mul3A_608, %div3A_587 : vector<16xf32>
    %mul3A_610 = arith.mulf %mul3A_609, %add3A_602 : vector<16xf32>
    %add3A_611 = arith.addf %mul3A_606, %mul3A_610 : vector<16xf32>
    %mul3A_612 = arith.mulf %exp3A, %add3A_611 : vector<16xf32>
    %exp3A_613 = math.exp %mul3A_612 : vector<16xf32>
    %jit3A_614 = arith.constant 0.000000e+00 : f32
    %broadcast_in_dim3A_615 = vector.broadcast %jit3A_614 : f32 to vector<16xf32>
    %select_n3A_616 = arith.select %gt3A_566, %exp3A_613, %broadcast_in_dim3A_615 : vector<16xi1>, vector<16xf32>
    %min3A_617 = arith.constant 0.99999988 : f32
    %min3A_618 = vector.broadcast %min3A_617 : f32 to vector<16xf32>
    %min3A_619 = arith.minimumf %select_n3A_616, %min3A_618 : vector<16xf32>
    %sub3A_620 = arith.constant 1.000000e+00 : f32
    %sub3A_621 = vector.broadcast %sub3A_620 : f32 to vector<16xf32>
    %sub3A_622 = arith.subf %sub3A_621, %min3A_619 : vector<16xf32>
    %bitcast_convert_type3A_623 = tpu.bitcast %sub3A_622 : vector<16xf32> -> vector<16xi32>
    %shift_right_arithmetic3A_624 = arith.constant 23 : i32
    %shift_right_arithmetic3A_625 = vector.broadcast %shift_right_arithmetic3A_624 : i32 to vector<16xi32>
    %shift_right_arithmetic3A_626 = arith.shrsi %bitcast_convert_type3A_623, %shift_right_arithmetic3A_625 : vector<16xi32>
    %sub3A_627 = arith.constant 127 : i32
    %sub3A_628 = vector.broadcast %sub3A_627 : i32 to vector<16xi32>
    %sub3A_629 = arith.subi %shift_right_arithmetic3A_626, %sub3A_628 : vector<16xi32>
    %and3A_630 = arith.constant 8388607 : i32
    %and3A_631 = vector.broadcast %and3A_630 : i32 to vector<16xi32>
    %and3A_632 = arith.andi %bitcast_convert_type3A_623, %and3A_631 : vector<16xi32>
    %or3A_633 = arith.constant 1065353216 : i32
    %or3A_634 = vector.broadcast %or3A_633 : i32 to vector<16xi32>
    %or3A_635 = arith.ori %and3A_632, %or3A_634 : vector<16xi32>
    %bitcast_convert_type3A_636 = tpu.bitcast %or3A_635 : vector<16xi32> -> vector<16xf32>
    %sub3A_637 = arith.constant 1.000000e+00 : f32
    %sub3A_638 = vector.broadcast %sub3A_637 : f32 to vector<16xf32>
    %sub3A_639 = arith.subf %bitcast_convert_type3A_636, %sub3A_638 : vector<16xf32>
    %add3A_640 = arith.constant 1.000000e+00 : f32
    %add3A_641 = vector.broadcast %add3A_640 : f32 to vector<16xf32>
    %add3A_642 = arith.addf %bitcast_convert_type3A_636, %add3A_641 : vector<16xf32>
    %div3A_643 = arith.divf %sub3A_639, %add3A_642 : vector<16xf32>
    %mul3A_644 = arith.mulf %div3A_643, %div3A_643 : vector<16xf32>
    %mul3A_645 = arith.constant 0.142857149 : f32
    %mul3A_646 = vector.broadcast %mul3A_645 : f32 to vector<16xf32>
    %mul3A_647 = arith.mulf %mul3A_644, %mul3A_646 : vector<16xf32>
    %add3A_648 = arith.constant 2.000000e-01 : f32
    %add3A_649 = vector.broadcast %add3A_648 : f32 to vector<16xf32>
    %add3A_650 = arith.addf %add3A_649, %mul3A_647 : vector<16xf32>
    %mul3A_651 = arith.mulf %mul3A_644, %add3A_650 : vector<16xf32>
    %add3A_652 = arith.constant 0.333333343 : f32
    %add3A_653 = vector.broadcast %add3A_652 : f32 to vector<16xf32>
    %add3A_654 = arith.addf %add3A_653, %mul3A_651 : vector<16xf32>
    %mul3A_655 = arith.mulf %mul3A_644, %add3A_654 : vector<16xf32>
    %add3A_656 = arith.constant 1.000000e+00 : f32
    %add3A_657 = vector.broadcast %add3A_656 : f32 to vector<16xf32>
    %add3A_658 = arith.addf %add3A_657, %mul3A_655 : vector<16xf32>
    %convert_element_type3A_659 = arith.sitofp %sub3A_629 : vector<16xi32> to vector<16xf32>
    %mul3A_660 = arith.constant 0.693147182 : f32
    %mul3A_661 = vector.broadcast %mul3A_660 : f32 to vector<16xf32>
    %mul3A_662 = arith.mulf %convert_element_type3A_659, %mul3A_661 : vector<16xf32>
    %mul3A_663 = arith.constant 2.000000e+00 : f32
    %mul3A_664 = vector.broadcast %mul3A_663 : f32 to vector<16xf32>
    %mul3A_665 = arith.mulf %mul3A_664, %div3A_643 : vector<16xf32>
    %mul3A_666 = arith.mulf %mul3A_665, %add3A_658 : vector<16xf32>
    %add3A_667 = arith.addf %mul3A_662, %mul3A_666 : vector<16xf32>
    %lt3A_668 = arith.constant 4 : i32
    %lt3A_669 = vector.broadcast %lt3A_668 : i32 to vector<16xi32>
    %lt3A_670 = arith.cmpi slt, %iota3A, %lt3A_669 : vector<16xi32>
    %jit3A_671 = arith.constant 0.000000e+00 : f32
    %broadcast_in_dim3A_672 = vector.broadcast %jit3A_671 : f32 to vector<16xf32>
    %select_n3A_673 = arith.select %lt3A_670, %add3A_667, %broadcast_in_dim3A_672 : vector<16xi1>, vector<16xf32>
    %add3A_674 = arith.addf %add3A_563, %select_n3A_673 : vector<16xf32>
    %reduce_sum3A_675 = arith.constant true
    %reduce_sum3A_676 = vector.broadcast %reduce_sum3A_675 : i1 to vector<16xi1>
    %reduce_sum3A_677 = tpu.scan <sum>, %add3A_674 masked %reduce_sum3A_676 : vector<16xf32>, vector<16xi1> -> vector<16xf32>
    %reduce_sum3A_678 = vector.extract %reduce_sum3A_677[15] : f32 from vector<16xf32>
    %broadcast_in_dim3A_679 = vector.broadcast %reduce_sum3A_678 : f32 to vector<16xf32>
    %exp3A_680 = math.exp %broadcast_in_dim3A_679 : vector<16xf32>
    %sub3A_681 = arith.constant 1.000000e+00 : f32
    %sub3A_682 = vector.broadcast %sub3A_681 : f32 to vector<16xf32>
    %sub3A_683 = arith.subf %sub3A_682, %exp3A_680 : vector<16xf32>
    %eq3A_684 = arith.constant 1 : i32
    %eq3A_685 = vector.broadcast %eq3A_684 : i32 to vector<16xi32>
    %eq3A_686 = arith.cmpi eq, %iota3A, %eq3A_685 : vector<16xi32>
    %select_n3A_687 = arith.select %eq3A_686, %sub3A_683, %select_n3A_369 : vector<16xi1>, vector<16xf32>
    %dma_wait3A_688 = arith.constant 2 : i32
    %dma_wait3A_689 = arith.constant 2 : i32
    %dma_wait3A_690 = arith.constant 0 : i32
    %dma_wait3A_691 = tpu.memref_slice %arg5[%dma_wait3A_689, %dma_wait3A_690] : memref<4x8192xf32, #tpu.memory_space<vmem>> -> memref<1x8192xf32, #tpu.memory_space<vmem>>
    %dma_wait3A_692 = arith.constant 0 : i32
    %dma_wait3A_693 = tpu.memref_slice %arg2[%add3A_37, %dma_wait3A_692] : memref<128x8192xf32, #tpu.memory_space<hbm>> -> memref<1x8192xf32, #tpu.memory_space<hbm>>
    %dma_wait3A_694 = tpu.memref_slice %arg9[%dma_wait3A_688] : memref<4x!tpu.dma_semaphore, #tpu.memory_space<semaphore_mem>> -> memref<1x!tpu.dma_semaphore, #tpu.memory_space<semaphore_mem>>
    %dma_wait3A_695 = tpu.memref_squeeze %dma_wait3A_694 : memref<1x!tpu.dma_semaphore, #tpu.memory_space<semaphore_mem>> -> memref<!tpu.dma_semaphore, #tpu.memory_space<semaphore_mem>>
    %dma_wait3A_696 = arith.constant 2 : i32
    %dma_wait3A_697 = arith.constant 0 : i32
    %dma_wait3A_698 = tpu.memref_slice %arg5[%dma_wait3A_696, %dma_wait3A_697] : memref<4x8192xf32, #tpu.memory_space<vmem>> -> memref<1x8192xf32, #tpu.memory_space<vmem>>
    %dma_wait3A_699 = arith.constant 0 : i32
    %dma_wait3A_700 = tpu.memref_slice %arg2[%add3A_37, %dma_wait3A_699] : memref<128x8192xf32, #tpu.memory_space<hbm>> -> memref<1x8192xf32, #tpu.memory_space<hbm>>
    tpu.wait_dma2 semaphore(%dma_wait3A_695 : memref<!tpu.dma_semaphore, #tpu.memory_space<semaphore_mem>>) src(%dma_wait3A_700 : memref<1x8192xf32, #tpu.memory_space<hbm>>) dst(%dma_wait3A_698 : memref<1x8192xf32, #tpu.memory_space<vmem>>)
    %parallel_loop3A_701 = arith.constant 0 : i32
    %parallel_loop3A_702 = arith.constant 128 : i32
    %parallel_loop3A_703 = arith.constant 1 : i32
    %parallel_loop3A_704:2 = scf.for %parallel_loop3A_1327 = %parallel_loop3A_701 to %parallel_loop3A_702 step %parallel_loop3A_703 iter_args(%parallel_loop3A_1328 = %broadcast_in_dim3A_71, %parallel_loop3A_1329 = %broadcast_in_dim3A_71) -> (vector<16xf32>, vector<16xf32>)  : i32 {
      %parallel_loop3A_1330 = arith.constant 4 : i32
      %parallel_loop3A_1331 = arith.muli %parallel_loop3A_1327, %parallel_loop3A_1330 : i32
      %parallel_loop3A_1332 = arith.constant 16 : i32
      %parallel_loop3A_1333 = arith.muli %parallel_loop3A_1331, %parallel_loop3A_1332 : i32
      %parallel_loop3A_1334 = arith.constant 2 : i32
      %parallel_loop3A_1335 = arith.index_cast %parallel_loop3A_1334 : i32 to index
      %parallel_loop3A_1336 = arith.index_cast %parallel_loop3A_1333 : i32 to index
      %parallel_loop3A_1337 = tpu.vector_load %arg5[%parallel_loop3A_1335, %parallel_loop3A_1336] {strides = array<i32>} : memref<4x8192xf32, #tpu.memory_space<vmem>>, vector<16xf32>,
      %parallel_loop3A_1338 = arith.maximumf %parallel_loop3A_1328, %parallel_loop3A_1337 : vector<16xf32>
      %parallel_loop3A_1339 = arith.constant 4 : i32
      %parallel_loop3A_1340 = arith.muli %parallel_loop3A_1327, %parallel_loop3A_1339 : i32
      %parallel_loop3A_1341 = arith.constant 1 : i32
      %parallel_loop3A_1342 = arith.addi %parallel_loop3A_1340, %parallel_loop3A_1341 : i32
      %parallel_loop3A_1343 = arith.constant 16 : i32
      %parallel_loop3A_1344 = arith.muli %parallel_loop3A_1342, %parallel_loop3A_1343 : i32
      %parallel_loop3A_1345 = arith.constant 2 : i32
      %parallel_loop3A_1346 = arith.index_cast %parallel_loop3A_1345 : i32 to index
      %parallel_loop3A_1347 = arith.index_cast %parallel_loop3A_1344 : i32 to index
      %parallel_loop3A_1348 = tpu.vector_load %arg5[%parallel_loop3A_1346, %parallel_loop3A_1347] {strides = array<i32>} : memref<4x8192xf32, #tpu.memory_space<vmem>>, vector<16xf32>,
      %parallel_loop3A_1349 = arith.maximumf %parallel_loop3A_1329, %parallel_loop3A_1348 : vector<16xf32>
      scf.yield %parallel_loop3A_1338, %parallel_loop3A_1349 : vector<16xf32>, vector<16xf32>
    } {sc.loop_unroll_factor = 8 : i64, sc.parallel_access}
    %masked_sort3A_705 = arith.constant dense<true> : vector<16xi1>
    %masked_sort3A_706, %masked_sort3A_707, %masked_sort3A_708 = tpu.sort %parallel_loop3A_704#0, %parallel_loop3A_704#0 masked %masked_sort3A_705 {descending = true} : (vector<16xf32>, vector<16xf32>, vector<16xi1>) -> (vector<16xi1>, vector<16xf32>, vector<16xf32>)
    %masked_sort3A_709 = arith.constant dense<true> : vector<16xi1>
    %masked_sort3A_710, %masked_sort3A_711, %masked_sort3A_712 = tpu.sort %parallel_loop3A_704#1, %parallel_loop3A_704#1 masked %masked_sort3A_709 {descending = true} : (vector<16xf32>, vector<16xf32>, vector<16xi1>) -> (vector<16xi1>, vector<16xf32>, vector<16xf32>)
    %rev3A_713 = arith.constant 15 : i32
    %rev3A_714 = vector.broadcast %rev3A_713 : i32 to vector<16xi32>
    %rev3A_715 = tpu.iota {dimensions = array<i32: 0>} : vector<16xi32>
    %rev3A_716 = arith.subi %rev3A_714, %rev3A_715 : vector<16xi32>
    %rev3A_717 = tpu.dynamic_gather %masked_sort3A_711[%rev3A_716] in [0] : vector<16xf32>, vector<16xi32> -> vector<16xf32>
    %min3A_718 = arith.minimumf %masked_sort3A_707, %rev3A_717 : vector<16xf32>
    %masked_sort3A_719 = arith.constant dense<true> : vector<16xi1>
    %masked_sort3A_720, %masked_sort3A_721, %masked_sort3A_722 = tpu.sort %min3A_718, %min3A_718 masked %masked_sort3A_719 {descending = true} : (vector<16xf32>, vector<16xf32>, vector<16xi1>) -> (vector<16xi1>, vector<16xf32>, vector<16xf32>)
    %slice3A_723 = vector.extract_strided_slice %masked_sort3A_721 {offsets = [3], sizes = [1], strides = [1]} : vector<16xf32> to vector<1xf32>
    %squeeze3A_724 = vector.extract %slice3A_723[0] : f32 from vector<1xf32>
    %broadcast_in_dim3A_725 = vector.broadcast %squeeze3A_724 : f32 to vector<16xf32>
    %broadcast_in_dim3A_726 = arith.constant -1 : i32
    %broadcast_in_dim3A_727 = vector.broadcast %broadcast_in_dim3A_726 : i32 to vector<16xi32>
    %parallel_loop3A_728 = arith.constant 0 : i32
    %parallel_loop3A_729 = arith.constant 512 : i32
    %parallel_loop3A_730 = arith.constant 1 : i32
    %parallel_loop3A_731 = scf.for %parallel_loop3A_1327 = %parallel_loop3A_728 to %parallel_loop3A_729 step %parallel_loop3A_730 iter_args(%parallel_loop3A_1328 = %broadcast_in_dim3A_727) -> (vector<16xi32>)  : i32 {
      %parallel_loop3A_1329 = arith.constant 16 : i32
      %parallel_loop3A_1330 = arith.muli %parallel_loop3A_1327, %parallel_loop3A_1329 : i32
      %parallel_loop3A_1331 = arith.constant 2 : i32
      %parallel_loop3A_1332 = arith.index_cast %parallel_loop3A_1331 : i32 to index
      %parallel_loop3A_1333 = arith.index_cast %parallel_loop3A_1330 : i32 to index
      %parallel_loop3A_1334 = tpu.vector_load %arg5[%parallel_loop3A_1332, %parallel_loop3A_1333] {strides = array<i32>} : memref<4x8192xf32, #tpu.memory_space<vmem>>, vector<16xf32>,
      %parallel_loop3A_1335 = arith.cmpf oge, %parallel_loop3A_1334, %broadcast_in_dim3A_725 : vector<16xf32>
      %parallel_loop3A_1336 = tpu.scan <sum>, %broadcast_in_dim3A_73 masked %parallel_loop3A_1335 : vector<16xi32>, vector<16xi1> -> vector<16xi32>
      %parallel_loop3A_1337 = arith.addi %parallel_loop3A_1328, %parallel_loop3A_1336 : vector<16xi32>
      tpu.vector_store_idx %arg6[%parallel_loop3A_1337], %parallel_loop3A_1334 masked %parallel_loop3A_1335 : memref<8208xf32, #tpu.memory_space<vmem>>[vector<16xi32>], vector<16xf32>, vector<16xi1>
      %parallel_loop3A_1338 = tpu.all_reduce %parallel_loop3A_1335 {dim = 0 : i64, kind = #tpu.reduction_kind<sum>} : vector<16xi1> -> vector<16xi32>
      %parallel_loop3A_1339 = arith.addi %parallel_loop3A_1328, %parallel_loop3A_1338 : vector<16xi32>
      scf.yield %parallel_loop3A_1339 : vector<16xi32>
    } {sc.loop_unroll_factor = 8 : i64, sc.parallel_access}
    %slice3A_732 = vector.extract_strided_slice %parallel_loop3A_731 {offsets = [0], sizes = [1], strides = [1]} : vector<16xi32> to vector<1xi32>
    %squeeze3A_733 = vector.extract %slice3A_732[0] : i32 from vector<1xi32>
    %add3A_734 = arith.constant 1 : i32
    %add3A_735 = arith.addi %squeeze3A_733, %add3A_734 : i32
    %add3A_736 = arith.constant 1 : i32
    %add3A_737 = vector.broadcast %add3A_736 : i32 to vector<16xi32>
    %add3A_738 = arith.addi %parallel_loop3A_731, %add3A_737 : vector<16xi32>
    %add3A_739 = arith.constant 16 : i32
    %add3A_740 = arith.addi %add3A_735, %add3A_739 : i32
    %sub3A_741 = arith.constant 1 : i32
    %sub3A_742 = arith.subi %add3A_740, %sub3A_741 : i32
    %jit3A_743 = arith.constant 16 : i32
    %div3A_744 = arith.divsi %sub3A_742, %jit3A_743 : i32
    %sign3A_745 = arith.constant 0 : i32
    %sign3A_746 = arith.cmpi sgt, %sub3A_742, %sign3A_745 : i32
    %sign3A_747 = arith.extui %sign3A_746 : i1 to i32
    %sign3A_748 = arith.constant 0 : i32
    %sign3A_749 = arith.cmpi slt, %sub3A_742, %sign3A_748 : i32
    %sign3A_750 = arith.extui %sign3A_749 : i1 to i32
    %sign3A_751 = arith.subi %sign3A_747, %sign3A_750 : i32
    %sign3A_752 = arith.constant 0 : i32
    %sign3A_753 = arith.cmpi sgt, %jit3A_743, %sign3A_752 : i32
    %sign3A_754 = arith.extui %sign3A_753 : i1 to i32
    %sign3A_755 = arith.constant 0 : i32
    %sign3A_756 = arith.cmpi slt, %jit3A_743, %sign3A_755 : i32
    %sign3A_757 = arith.extui %sign3A_756 : i1 to i32
    %sign3A_758 = arith.subi %sign3A_754, %sign3A_757 : i32
    %ne3A_759 = arith.cmpi ne, %sign3A_751, %sign3A_758 : i32
    %rem3A_760 = arith.remsi %sub3A_742, %jit3A_743 : i32
    %ne3A_761 = arith.constant 0 : i32
    %ne3A_762 = arith.cmpi ne, %rem3A_760, %ne3A_761 : i32
    %and3A_763 = arith.andi %ne3A_759, %ne3A_762 : i1
    %sub3A_764 = arith.constant 1 : i32
    %sub3A_765 = arith.subi %div3A_744, %sub3A_764 : i32
    %select_n3A_766 = arith.select %and3A_763, %sub3A_765, %div3A_744 : i32
    %while3A_767 = arith.constant 0 : i32
    %while3A_768 = arith.subi %select_n3A_766, %while3A_767 : i32
    %while3A_769 = arith.addi %while3A_767, %while3A_768 : i32
    %while3A_770 = arith.constant 1 : i32
    %while3A_771 = arith.divsi %while3A_768, %while3A_770 : i32
    %while3A_772 = arith.muli %while3A_771, %while3A_770 : i32
    %while3A_773 = arith.addi %while3A_767, %while3A_772 : i32
    %while3A_774 = arith.constant 1 : i32
    %while3A_775:2 = scf.for %while3A_1327 = %while3A_767 to %while3A_773 step %while3A_774 iter_args(%while3A_1328 = %broadcast_in_dim3A_71, %while3A_1329 = %broadcast_in_dim3A_71) -> (vector<16xf32>, vector<16xf32>)  : i32 {
      %mul3A_1330 = arith.constant 16 : i32
      %mul3A_1331 = arith.muli %while3A_1327, %mul3A_1330 : i32
      %get3A_1332 = arith.index_cast %mul3A_1331 : i32 to index
      %get3A_1333 = tpu.vector_load %arg6[%get3A_1332] {strides = array<i32>} : memref<8208xf32, #tpu.memory_space<vmem>>, vector<16xf32>,
      %mul3A_1334 = arith.constant 16 : i32
      %mul3A_1335 = arith.muli %while3A_1327, %mul3A_1334 : i32
      %add3A_1336 = vector.broadcast %mul3A_1335 : i32 to vector<16xi32>
      %add3A_1337 = arith.addi %add3A_1336, %iota3A : vector<16xi32>
      %lt3A_1338 = arith.cmpi slt, %add3A_1337, %add3A_738 : vector<16xi32>
      %jit3A_1339 = arith.constant 0.000000e+00 : f32
      %broadcast_in_dim3A_1340 = vector.broadcast %jit3A_1339 : f32 to vector<16xf32>
      %select_n3A_1341 = arith.select %lt3A_1338, %get3A_1333, %broadcast_in_dim3A_1340 : vector<16xi1>, vector<16xf32>
      %masked_sort3A_1342 = arith.constant dense<true> : vector<16xi1>
      %masked_sort3A_1343, %masked_sort3A_1344, %masked_sort3A_1345 = tpu.sort %select_n3A_1341, %select_n3A_1341 masked %masked_sort3A_1342 {descending = true} : (vector<16xf32>, vector<16xf32>, vector<16xi1>) -> (vector<16xi1>, vector<16xf32>, vector<16xf32>)
      %rev3A_1346 = arith.constant 15 : i32
      %rev3A_1347 = vector.broadcast %rev3A_1346 : i32 to vector<16xi32>
      %rev3A_1348 = tpu.iota {dimensions = array<i32: 0>} : vector<16xi32>
      %rev3A_1349 = arith.subi %rev3A_1347, %rev3A_1348 : vector<16xi32>
      %rev3A_1350 = tpu.dynamic_gather %masked_sort3A_1344[%rev3A_1349] in [0] : vector<16xf32>, vector<16xi32> -> vector<16xf32>
      %max3A = arith.maximumf %while3A_1329, %rev3A_1350 : vector<16xf32>
      %masked_sort3A_1351 = arith.constant dense<true> : vector<16xi1>
      %masked_sort3A_1352, %masked_sort3A_1353, %masked_sort3A_1354 = tpu.sort %max3A, %max3A masked %masked_sort3A_1351 {descending = true} : (vector<16xf32>, vector<16xf32>, vector<16xi1>) -> (vector<16xi1>, vector<16xf32>, vector<16xf32>)
      %rev3A_1355 = arith.constant 15 : i32
      %rev3A_1356 = vector.broadcast %rev3A_1355 : i32 to vector<16xi32>
      %rev3A_1357 = tpu.iota {dimensions = array<i32: 0>} : vector<16xi32>
      %rev3A_1358 = arith.subi %rev3A_1356, %rev3A_1357 : vector<16xi32>
      %rev3A_1359 = tpu.dynamic_gather %masked_sort3A_1353[%rev3A_1358] in [0] : vector<16xf32>, vector<16xi32> -> vector<16xf32>
      %max3A_1360 = arith.maximumf %while3A_1328, %rev3A_1359 : vector<16xf32>
      %masked_sort3A_1361 = arith.constant dense<true> : vector<16xi1>
      %masked_sort3A_1362, %masked_sort3A_1363, %masked_sort3A_1364 = tpu.sort %max3A_1360, %max3A_1360 masked %masked_sort3A_1361 {descending = true} : (vector<16xf32>, vector<16xf32>, vector<16xi1>) -> (vector<16xi1>, vector<16xf32>, vector<16xf32>)
      %rev3A_1365 = arith.constant 15 : i32
      %rev3A_1366 = vector.broadcast %rev3A_1365 : i32 to vector<16xi32>
      %rev3A_1367 = tpu.iota {dimensions = array<i32: 0>} : vector<16xi32>
      %rev3A_1368 = arith.subi %rev3A_1366, %rev3A_1367 : vector<16xi32>
      %rev3A_1369 = tpu.dynamic_gather %masked_sort3A_1353[%rev3A_1368] in [0] : vector<16xf32>, vector<16xi32> -> vector<16xf32>
      %min3A_1370 = arith.minimumf %while3A_1328, %rev3A_1369 : vector<16xf32>
      %masked_sort3A_1371 = arith.constant dense<true> : vector<16xi1>
      %masked_sort3A_1372, %masked_sort3A_1373, %masked_sort3A_1374 = tpu.sort %min3A_1370, %min3A_1370 masked %masked_sort3A_1371 {descending = true} : (vector<16xf32>, vector<16xf32>, vector<16xi1>) -> (vector<16xi1>, vector<16xf32>, vector<16xf32>)
      scf.yield %masked_sort3A_1363, %masked_sort3A_1373 : vector<16xf32>, vector<16xf32>
    }
    %while3A_776 = arith.constant 1 : i32
    %while3A_777:2 = scf.for %while3A_1327 = %while3A_773 to %while3A_769 step %while3A_776 iter_args(%while3A_1328 = %while3A_775#0, %while3A_1329 = %while3A_775#1) -> (vector<16xf32>, vector<16xf32>)  : i32 {
      %mul3A_1330 = arith.constant 16 : i32
      %mul3A_1331 = arith.muli %while3A_1327, %mul3A_1330 : i32
      %get3A_1332 = arith.index_cast %mul3A_1331 : i32 to index
      %get3A_1333 = tpu.vector_load %arg6[%get3A_1332] {strides = array<i32>} : memref<8208xf32, #tpu.memory_space<vmem>>, vector<16xf32>,
      %mul3A_1334 = arith.constant 16 : i32
      %mul3A_1335 = arith.muli %while3A_1327, %mul3A_1334 : i32
      %add3A_1336 = vector.broadcast %mul3A_1335 : i32 to vector<16xi32>
      %add3A_1337 = arith.addi %add3A_1336, %iota3A : vector<16xi32>
      %lt3A_1338 = arith.cmpi slt, %add3A_1337, %add3A_738 : vector<16xi32>
      %jit3A_1339 = arith.constant 0.000000e+00 : f32
      %broadcast_in_dim3A_1340 = vector.broadcast %jit3A_1339 : f32 to vector<16xf32>
      %select_n3A_1341 = arith.select %lt3A_1338, %get3A_1333, %broadcast_in_dim3A_1340 : vector<16xi1>, vector<16xf32>
      %masked_sort3A_1342 = arith.constant dense<true> : vector<16xi1>
      %masked_sort3A_1343, %masked_sort3A_1344, %masked_sort3A_1345 = tpu.sort %select_n3A_1341, %select_n3A_1341 masked %masked_sort3A_1342 {descending = true} : (vector<16xf32>, vector<16xf32>, vector<16xi1>) -> (vector<16xi1>, vector<16xf32>, vector<16xf32>)
      %rev3A_1346 = arith.constant 15 : i32
      %rev3A_1347 = vector.broadcast %rev3A_1346 : i32 to vector<16xi32>
      %rev3A_1348 = tpu.iota {dimensions = array<i32: 0>} : vector<16xi32>
      %rev3A_1349 = arith.subi %rev3A_1347, %rev3A_1348 : vector<16xi32>
      %rev3A_1350 = tpu.dynamic_gather %masked_sort3A_1344[%rev3A_1349] in [0] : vector<16xf32>, vector<16xi32> -> vector<16xf32>
      %max3A = arith.maximumf %while3A_1329, %rev3A_1350 : vector<16xf32>
      %masked_sort3A_1351 = arith.constant dense<true> : vector<16xi1>
      %masked_sort3A_1352, %masked_sort3A_1353, %masked_sort3A_1354 = tpu.sort %max3A, %max3A masked %masked_sort3A_1351 {descending = true} : (vector<16xf32>, vector<16xf32>, vector<16xi1>) -> (vector<16xi1>, vector<16xf32>, vector<16xf32>)
      %rev3A_1355 = arith.constant 15 : i32
      %rev3A_1356 = vector.broadcast %rev3A_1355 : i32 to vector<16xi32>
      %rev3A_1357 = tpu.iota {dimensions = array<i32: 0>} : vector<16xi32>
      %rev3A_1358 = arith.subi %rev3A_1356, %rev3A_1357 : vector<16xi32>
      %rev3A_1359 = tpu.dynamic_gather %masked_sort3A_1353[%rev3A_1358] in [0] : vector<16xf32>, vector<16xi32> -> vector<16xf32>
      %max3A_1360 = arith.maximumf %while3A_1328, %rev3A_1359 : vector<16xf32>
      %masked_sort3A_1361 = arith.constant dense<true> : vector<16xi1>
      %masked_sort3A_1362, %masked_sort3A_1363, %masked_sort3A_1364 = tpu.sort %max3A_1360, %max3A_1360 masked %masked_sort3A_1361 {descending = true} : (vector<16xf32>, vector<16xf32>, vector<16xi1>) -> (vector<16xi1>, vector<16xf32>, vector<16xf32>)
      %rev3A_1365 = arith.constant 15 : i32
      %rev3A_1366 = vector.broadcast %rev3A_1365 : i32 to vector<16xi32>
      %rev3A_1367 = tpu.iota {dimensions = array<i32: 0>} : vector<16xi32>
      %rev3A_1368 = arith.subi %rev3A_1366, %rev3A_1367 : vector<16xi32>
      %rev3A_1369 = tpu.dynamic_gather %masked_sort3A_1353[%rev3A_1368] in [0] : vector<16xf32>, vector<16xi32> -> vector<16xf32>
      %min3A_1370 = arith.minimumf %while3A_1328, %rev3A_1369 : vector<16xf32>
      %masked_sort3A_1371 = arith.constant dense<true> : vector<16xi1>
      %masked_sort3A_1372, %masked_sort3A_1373, %masked_sort3A_1374 = tpu.sort %min3A_1370, %min3A_1370 masked %masked_sort3A_1371 {descending = true} : (vector<16xf32>, vector<16xf32>, vector<16xi1>) -> (vector<16xi1>, vector<16xf32>, vector<16xf32>)
      scf.yield %masked_sort3A_1363, %masked_sort3A_1373 : vector<16xf32>, vector<16xf32>
    }
    %gt3A_778 = arith.constant 0.000000e+00 : f32
    %gt3A_779 = vector.broadcast %gt3A_778 : f32 to vector<16xf32>
    %gt3A_780 = arith.cmpf ogt, %while3A_777#0, %gt3A_779 : vector<16xf32>
    %bitcast_convert_type3A_781 = tpu.bitcast %while3A_777#0 : vector<16xf32> -> vector<16xi32>
    %shift_right_arithmetic3A_782 = arith.constant 23 : i32
    %shift_right_arithmetic3A_783 = vector.broadcast %shift_right_arithmetic3A_782 : i32 to vector<16xi32>
    %shift_right_arithmetic3A_784 = arith.shrsi %bitcast_convert_type3A_781, %shift_right_arithmetic3A_783 : vector<16xi32>
    %sub3A_785 = arith.constant 127 : i32
    %sub3A_786 = vector.broadcast %sub3A_785 : i32 to vector<16xi32>
    %sub3A_787 = arith.subi %shift_right_arithmetic3A_784, %sub3A_786 : vector<16xi32>
    %and3A_788 = arith.constant 8388607 : i32
    %and3A_789 = vector.broadcast %and3A_788 : i32 to vector<16xi32>
    %and3A_790 = arith.andi %bitcast_convert_type3A_781, %and3A_789 : vector<16xi32>
    %or3A_791 = arith.constant 1065353216 : i32
    %or3A_792 = vector.broadcast %or3A_791 : i32 to vector<16xi32>
    %or3A_793 = arith.ori %and3A_790, %or3A_792 : vector<16xi32>
    %bitcast_convert_type3A_794 = tpu.bitcast %or3A_793 : vector<16xi32> -> vector<16xf32>
    %sub3A_795 = arith.constant 1.000000e+00 : f32
    %sub3A_796 = vector.broadcast %sub3A_795 : f32 to vector<16xf32>
    %sub3A_797 = arith.subf %bitcast_convert_type3A_794, %sub3A_796 : vector<16xf32>
    %add3A_798 = arith.constant 1.000000e+00 : f32
    %add3A_799 = vector.broadcast %add3A_798 : f32 to vector<16xf32>
    %add3A_800 = arith.addf %bitcast_convert_type3A_794, %add3A_799 : vector<16xf32>
    %div3A_801 = arith.divf %sub3A_797, %add3A_800 : vector<16xf32>
    %mul3A_802 = arith.mulf %div3A_801, %div3A_801 : vector<16xf32>
    %mul3A_803 = arith.constant 0.142857149 : f32
    %mul3A_804 = vector.broadcast %mul3A_803 : f32 to vector<16xf32>
    %mul3A_805 = arith.mulf %mul3A_802, %mul3A_804 : vector<16xf32>
    %add3A_806 = arith.constant 2.000000e-01 : f32
    %add3A_807 = vector.broadcast %add3A_806 : f32 to vector<16xf32>
    %add3A_808 = arith.addf %add3A_807, %mul3A_805 : vector<16xf32>
    %mul3A_809 = arith.mulf %mul3A_802, %add3A_808 : vector<16xf32>
    %add3A_810 = arith.constant 0.333333343 : f32
    %add3A_811 = vector.broadcast %add3A_810 : f32 to vector<16xf32>
    %add3A_812 = arith.addf %add3A_811, %mul3A_809 : vector<16xf32>
    %mul3A_813 = arith.mulf %mul3A_802, %add3A_812 : vector<16xf32>
    %add3A_814 = arith.constant 1.000000e+00 : f32
    %add3A_815 = vector.broadcast %add3A_814 : f32 to vector<16xf32>
    %add3A_816 = arith.addf %add3A_815, %mul3A_813 : vector<16xf32>
    %convert_element_type3A_817 = arith.sitofp %sub3A_787 : vector<16xi32> to vector<16xf32>
    %mul3A_818 = arith.constant 0.693147182 : f32
    %mul3A_819 = vector.broadcast %mul3A_818 : f32 to vector<16xf32>
    %mul3A_820 = arith.mulf %convert_element_type3A_817, %mul3A_819 : vector<16xf32>
    %mul3A_821 = arith.constant 2.000000e+00 : f32
    %mul3A_822 = vector.broadcast %mul3A_821 : f32 to vector<16xf32>
    %mul3A_823 = arith.mulf %mul3A_822, %div3A_801 : vector<16xf32>
    %mul3A_824 = arith.mulf %mul3A_823, %add3A_816 : vector<16xf32>
    %add3A_825 = arith.addf %mul3A_820, %mul3A_824 : vector<16xf32>
    %mul3A_826 = arith.mulf %exp3A, %add3A_825 : vector<16xf32>
    %exp3A_827 = math.exp %mul3A_826 : vector<16xf32>
    %jit3A_828 = arith.constant 0.000000e+00 : f32
    %broadcast_in_dim3A_829 = vector.broadcast %jit3A_828 : f32 to vector<16xf32>
    %select_n3A_830 = arith.select %gt3A_780, %exp3A_827, %broadcast_in_dim3A_829 : vector<16xi1>, vector<16xf32>
    %min3A_831 = arith.constant 0.99999988 : f32
    %min3A_832 = vector.broadcast %min3A_831 : f32 to vector<16xf32>
    %min3A_833 = arith.minimumf %select_n3A_830, %min3A_832 : vector<16xf32>
    %sub3A_834 = arith.constant 1.000000e+00 : f32
    %sub3A_835 = vector.broadcast %sub3A_834 : f32 to vector<16xf32>
    %sub3A_836 = arith.subf %sub3A_835, %min3A_833 : vector<16xf32>
    %bitcast_convert_type3A_837 = tpu.bitcast %sub3A_836 : vector<16xf32> -> vector<16xi32>
    %shift_right_arithmetic3A_838 = arith.constant 23 : i32
    %shift_right_arithmetic3A_839 = vector.broadcast %shift_right_arithmetic3A_838 : i32 to vector<16xi32>
    %shift_right_arithmetic3A_840 = arith.shrsi %bitcast_convert_type3A_837, %shift_right_arithmetic3A_839 : vector<16xi32>
    %sub3A_841 = arith.constant 127 : i32
    %sub3A_842 = vector.broadcast %sub3A_841 : i32 to vector<16xi32>
    %sub3A_843 = arith.subi %shift_right_arithmetic3A_840, %sub3A_842 : vector<16xi32>
    %and3A_844 = arith.constant 8388607 : i32
    %and3A_845 = vector.broadcast %and3A_844 : i32 to vector<16xi32>
    %and3A_846 = arith.andi %bitcast_convert_type3A_837, %and3A_845 : vector<16xi32>
    %or3A_847 = arith.constant 1065353216 : i32
    %or3A_848 = vector.broadcast %or3A_847 : i32 to vector<16xi32>
    %or3A_849 = arith.ori %and3A_846, %or3A_848 : vector<16xi32>
    %bitcast_convert_type3A_850 = tpu.bitcast %or3A_849 : vector<16xi32> -> vector<16xf32>
    %sub3A_851 = arith.constant 1.000000e+00 : f32
    %sub3A_852 = vector.broadcast %sub3A_851 : f32 to vector<16xf32>
    %sub3A_853 = arith.subf %bitcast_convert_type3A_850, %sub3A_852 : vector<16xf32>
    %add3A_854 = arith.constant 1.000000e+00 : f32
    %add3A_855 = vector.broadcast %add3A_854 : f32 to vector<16xf32>
    %add3A_856 = arith.addf %bitcast_convert_type3A_850, %add3A_855 : vector<16xf32>
    %div3A_857 = arith.divf %sub3A_853, %add3A_856 : vector<16xf32>
    %mul3A_858 = arith.mulf %div3A_857, %div3A_857 : vector<16xf32>
    %mul3A_859 = arith.constant 0.142857149 : f32
    %mul3A_860 = vector.broadcast %mul3A_859 : f32 to vector<16xf32>
    %mul3A_861 = arith.mulf %mul3A_858, %mul3A_860 : vector<16xf32>
    %add3A_862 = arith.constant 2.000000e-01 : f32
    %add3A_863 = vector.broadcast %add3A_862 : f32 to vector<16xf32>
    %add3A_864 = arith.addf %add3A_863, %mul3A_861 : vector<16xf32>
    %mul3A_865 = arith.mulf %mul3A_858, %add3A_864 : vector<16xf32>
    %add3A_866 = arith.constant 0.333333343 : f32
    %add3A_867 = vector.broadcast %add3A_866 : f32 to vector<16xf32>
    %add3A_868 = arith.addf %add3A_867, %mul3A_865 : vector<16xf32>
    %mul3A_869 = arith.mulf %mul3A_858, %add3A_868 : vector<16xf32>
    %add3A_870 = arith.constant 1.000000e+00 : f32
    %add3A_871 = vector.broadcast %add3A_870 : f32 to vector<16xf32>
    %add3A_872 = arith.addf %add3A_871, %mul3A_869 : vector<16xf32>
    %convert_element_type3A_873 = arith.sitofp %sub3A_843 : vector<16xi32> to vector<16xf32>
    %mul3A_874 = arith.constant 0.693147182 : f32
    %mul3A_875 = vector.broadcast %mul3A_874 : f32 to vector<16xf32>
    %mul3A_876 = arith.mulf %convert_element_type3A_873, %mul3A_875 : vector<16xf32>
    %mul3A_877 = arith.constant 2.000000e+00 : f32
    %mul3A_878 = vector.broadcast %mul3A_877 : f32 to vector<16xf32>
    %mul3A_879 = arith.mulf %mul3A_878, %div3A_857 : vector<16xf32>
    %mul3A_880 = arith.mulf %mul3A_879, %add3A_872 : vector<16xf32>
    %add3A_881 = arith.addf %mul3A_876, %mul3A_880 : vector<16xf32>
    %gt3A_882 = arith.constant 0.000000e+00 : f32
    %gt3A_883 = vector.broadcast %gt3A_882 : f32 to vector<16xf32>
    %gt3A_884 = arith.cmpf ogt, %while3A_777#1, %gt3A_883 : vector<16xf32>
    %bitcast_convert_type3A_885 = tpu.bitcast %while3A_777#1 : vector<16xf32> -> vector<16xi32>
    %shift_right_arithmetic3A_886 = arith.constant 23 : i32
    %shift_right_arithmetic3A_887 = vector.broadcast %shift_right_arithmetic3A_886 : i32 to vector<16xi32>
    %shift_right_arithmetic3A_888 = arith.shrsi %bitcast_convert_type3A_885, %shift_right_arithmetic3A_887 : vector<16xi32>
    %sub3A_889 = arith.constant 127 : i32
    %sub3A_890 = vector.broadcast %sub3A_889 : i32 to vector<16xi32>
    %sub3A_891 = arith.subi %shift_right_arithmetic3A_888, %sub3A_890 : vector<16xi32>
    %and3A_892 = arith.constant 8388607 : i32
    %and3A_893 = vector.broadcast %and3A_892 : i32 to vector<16xi32>
    %and3A_894 = arith.andi %bitcast_convert_type3A_885, %and3A_893 : vector<16xi32>
    %or3A_895 = arith.constant 1065353216 : i32
    %or3A_896 = vector.broadcast %or3A_895 : i32 to vector<16xi32>
    %or3A_897 = arith.ori %and3A_894, %or3A_896 : vector<16xi32>
    %bitcast_convert_type3A_898 = tpu.bitcast %or3A_897 : vector<16xi32> -> vector<16xf32>
    %sub3A_899 = arith.constant 1.000000e+00 : f32
    %sub3A_900 = vector.broadcast %sub3A_899 : f32 to vector<16xf32>
    %sub3A_901 = arith.subf %bitcast_convert_type3A_898, %sub3A_900 : vector<16xf32>
    %add3A_902 = arith.constant 1.000000e+00 : f32
    %add3A_903 = vector.broadcast %add3A_902 : f32 to vector<16xf32>
    %add3A_904 = arith.addf %bitcast_convert_type3A_898, %add3A_903 : vector<16xf32>
    %div3A_905 = arith.divf %sub3A_901, %add3A_904 : vector<16xf32>
    %mul3A_906 = arith.mulf %div3A_905, %div3A_905 : vector<16xf32>
    %mul3A_907 = arith.constant 0.142857149 : f32
    %mul3A_908 = vector.broadcast %mul3A_907 : f32 to vector<16xf32>
    %mul3A_909 = arith.mulf %mul3A_906, %mul3A_908 : vector<16xf32>
    %add3A_910 = arith.constant 2.000000e-01 : f32
    %add3A_911 = vector.broadcast %add3A_910 : f32 to vector<16xf32>
    %add3A_912 = arith.addf %add3A_911, %mul3A_909 : vector<16xf32>
    %mul3A_913 = arith.mulf %mul3A_906, %add3A_912 : vector<16xf32>
    %add3A_914 = arith.constant 0.333333343 : f32
    %add3A_915 = vector.broadcast %add3A_914 : f32 to vector<16xf32>
    %add3A_916 = arith.addf %add3A_915, %mul3A_913 : vector<16xf32>
    %mul3A_917 = arith.mulf %mul3A_906, %add3A_916 : vector<16xf32>
    %add3A_918 = arith.constant 1.000000e+00 : f32
    %add3A_919 = vector.broadcast %add3A_918 : f32 to vector<16xf32>
    %add3A_920 = arith.addf %add3A_919, %mul3A_917 : vector<16xf32>
    %convert_element_type3A_921 = arith.sitofp %sub3A_891 : vector<16xi32> to vector<16xf32>
    %mul3A_922 = arith.constant 0.693147182 : f32
    %mul3A_923 = vector.broadcast %mul3A_922 : f32 to vector<16xf32>
    %mul3A_924 = arith.mulf %convert_element_type3A_921, %mul3A_923 : vector<16xf32>
    %mul3A_925 = arith.constant 2.000000e+00 : f32
    %mul3A_926 = vector.broadcast %mul3A_925 : f32 to vector<16xf32>
    %mul3A_927 = arith.mulf %mul3A_926, %div3A_905 : vector<16xf32>
    %mul3A_928 = arith.mulf %mul3A_927, %add3A_920 : vector<16xf32>
    %add3A_929 = arith.addf %mul3A_924, %mul3A_928 : vector<16xf32>
    %mul3A_930 = arith.mulf %exp3A, %add3A_929 : vector<16xf32>
    %exp3A_931 = math.exp %mul3A_930 : vector<16xf32>
    %jit3A_932 = arith.constant 0.000000e+00 : f32
    %broadcast_in_dim3A_933 = vector.broadcast %jit3A_932 : f32 to vector<16xf32>
    %select_n3A_934 = arith.select %gt3A_884, %exp3A_931, %broadcast_in_dim3A_933 : vector<16xi1>, vector<16xf32>
    %min3A_935 = arith.constant 0.99999988 : f32
    %min3A_936 = vector.broadcast %min3A_935 : f32 to vector<16xf32>
    %min3A_937 = arith.minimumf %select_n3A_934, %min3A_936 : vector<16xf32>
    %sub3A_938 = arith.constant 1.000000e+00 : f32
    %sub3A_939 = vector.broadcast %sub3A_938 : f32 to vector<16xf32>
    %sub3A_940 = arith.subf %sub3A_939, %min3A_937 : vector<16xf32>
    %bitcast_convert_type3A_941 = tpu.bitcast %sub3A_940 : vector<16xf32> -> vector<16xi32>
    %shift_right_arithmetic3A_942 = arith.constant 23 : i32
    %shift_right_arithmetic3A_943 = vector.broadcast %shift_right_arithmetic3A_942 : i32 to vector<16xi32>
    %shift_right_arithmetic3A_944 = arith.shrsi %bitcast_convert_type3A_941, %shift_right_arithmetic3A_943 : vector<16xi32>
    %sub3A_945 = arith.constant 127 : i32
    %sub3A_946 = vector.broadcast %sub3A_945 : i32 to vector<16xi32>
    %sub3A_947 = arith.subi %shift_right_arithmetic3A_944, %sub3A_946 : vector<16xi32>
    %and3A_948 = arith.constant 8388607 : i32
    %and3A_949 = vector.broadcast %and3A_948 : i32 to vector<16xi32>
    %and3A_950 = arith.andi %bitcast_convert_type3A_941, %and3A_949 : vector<16xi32>
    %or3A_951 = arith.constant 1065353216 : i32
    %or3A_952 = vector.broadcast %or3A_951 : i32 to vector<16xi32>
    %or3A_953 = arith.ori %and3A_950, %or3A_952 : vector<16xi32>
    %bitcast_convert_type3A_954 = tpu.bitcast %or3A_953 : vector<16xi32> -> vector<16xf32>
    %sub3A_955 = arith.constant 1.000000e+00 : f32
    %sub3A_956 = vector.broadcast %sub3A_955 : f32 to vector<16xf32>
    %sub3A_957 = arith.subf %bitcast_convert_type3A_954, %sub3A_956 : vector<16xf32>
    %add3A_958 = arith.constant 1.000000e+00 : f32
    %add3A_959 = vector.broadcast %add3A_958 : f32 to vector<16xf32>
    %add3A_960 = arith.addf %bitcast_convert_type3A_954, %add3A_959 : vector<16xf32>
    %div3A_961 = arith.divf %sub3A_957, %add3A_960 : vector<16xf32>
    %mul3A_962 = arith.mulf %div3A_961, %div3A_961 : vector<16xf32>
    %mul3A_963 = arith.constant 0.142857149 : f32
    %mul3A_964 = vector.broadcast %mul3A_963 : f32 to vector<16xf32>
    %mul3A_965 = arith.mulf %mul3A_962, %mul3A_964 : vector<16xf32>
    %add3A_966 = arith.constant 2.000000e-01 : f32
    %add3A_967 = vector.broadcast %add3A_966 : f32 to vector<16xf32>
    %add3A_968 = arith.addf %add3A_967, %mul3A_965 : vector<16xf32>
    %mul3A_969 = arith.mulf %mul3A_962, %add3A_968 : vector<16xf32>
    %add3A_970 = arith.constant 0.333333343 : f32
    %add3A_971 = vector.broadcast %add3A_970 : f32 to vector<16xf32>
    %add3A_972 = arith.addf %add3A_971, %mul3A_969 : vector<16xf32>
    %mul3A_973 = arith.mulf %mul3A_962, %add3A_972 : vector<16xf32>
    %add3A_974 = arith.constant 1.000000e+00 : f32
    %add3A_975 = vector.broadcast %add3A_974 : f32 to vector<16xf32>
    %add3A_976 = arith.addf %add3A_975, %mul3A_973 : vector<16xf32>
    %convert_element_type3A_977 = arith.sitofp %sub3A_947 : vector<16xi32> to vector<16xf32>
    %mul3A_978 = arith.constant 0.693147182 : f32
    %mul3A_979 = vector.broadcast %mul3A_978 : f32 to vector<16xf32>
    %mul3A_980 = arith.mulf %convert_element_type3A_977, %mul3A_979 : vector<16xf32>
    %mul3A_981 = arith.constant 2.000000e+00 : f32
    %mul3A_982 = vector.broadcast %mul3A_981 : f32 to vector<16xf32>
    %mul3A_983 = arith.mulf %mul3A_982, %div3A_961 : vector<16xf32>
    %mul3A_984 = arith.mulf %mul3A_983, %add3A_976 : vector<16xf32>
    %add3A_985 = arith.addf %mul3A_980, %mul3A_984 : vector<16xf32>
    %lt3A_986 = arith.constant 4 : i32
    %lt3A_987 = vector.broadcast %lt3A_986 : i32 to vector<16xi32>
    %lt3A_988 = arith.cmpi slt, %iota3A, %lt3A_987 : vector<16xi32>
    %jit3A_989 = arith.constant 0.000000e+00 : f32
    %broadcast_in_dim3A_990 = vector.broadcast %jit3A_989 : f32 to vector<16xf32>
    %select_n3A_991 = arith.select %lt3A_988, %add3A_985, %broadcast_in_dim3A_990 : vector<16xi1>, vector<16xf32>
    %add3A_992 = arith.addf %add3A_881, %select_n3A_991 : vector<16xf32>
    %reduce_sum3A_993 = arith.constant true
    %reduce_sum3A_994 = vector.broadcast %reduce_sum3A_993 : i1 to vector<16xi1>
    %reduce_sum3A_995 = tpu.scan <sum>, %add3A_992 masked %reduce_sum3A_994 : vector<16xf32>, vector<16xi1> -> vector<16xf32>
    %reduce_sum3A_996 = vector.extract %reduce_sum3A_995[15] : f32 from vector<16xf32>
    %broadcast_in_dim3A_997 = vector.broadcast %reduce_sum3A_996 : f32 to vector<16xf32>
    %exp3A_998 = math.exp %broadcast_in_dim3A_997 : vector<16xf32>
    %sub3A_999 = arith.constant 1.000000e+00 : f32
    %sub3A_1000 = vector.broadcast %sub3A_999 : f32 to vector<16xf32>
    %sub3A_1001 = arith.subf %sub3A_1000, %exp3A_998 : vector<16xf32>
    %eq3A_1002 = arith.constant 2 : i32
    %eq3A_1003 = vector.broadcast %eq3A_1002 : i32 to vector<16xi32>
    %eq3A_1004 = arith.cmpi eq, %iota3A, %eq3A_1003 : vector<16xi32>
    %select_n3A_1005 = arith.select %eq3A_1004, %sub3A_1001, %select_n3A_687 : vector<16xi1>, vector<16xf32>
    %dma_wait3A_1006 = arith.constant 3 : i32
    %dma_wait3A_1007 = arith.constant 3 : i32
    %dma_wait3A_1008 = arith.constant 0 : i32
    %dma_wait3A_1009 = tpu.memref_slice %arg5[%dma_wait3A_1007, %dma_wait3A_1008] : memref<4x8192xf32, #tpu.memory_space<vmem>> -> memref<1x8192xf32, #tpu.memory_space<vmem>>
    %dma_wait3A_1010 = arith.constant 0 : i32
    %dma_wait3A_1011 = tpu.memref_slice %arg2[%add3A_54, %dma_wait3A_1010] : memref<128x8192xf32, #tpu.memory_space<hbm>> -> memref<1x8192xf32, #tpu.memory_space<hbm>>
    %dma_wait3A_1012 = tpu.memref_slice %arg9[%dma_wait3A_1006] : memref<4x!tpu.dma_semaphore, #tpu.memory_space<semaphore_mem>> -> memref<1x!tpu.dma_semaphore, #tpu.memory_space<semaphore_mem>>
    %dma_wait3A_1013 = tpu.memref_squeeze %dma_wait3A_1012 : memref<1x!tpu.dma_semaphore, #tpu.memory_space<semaphore_mem>> -> memref<!tpu.dma_semaphore, #tpu.memory_space<semaphore_mem>>
    %dma_wait3A_1014 = arith.constant 3 : i32
    %dma_wait3A_1015 = arith.constant 0 : i32
    %dma_wait3A_1016 = tpu.memref_slice %arg5[%dma_wait3A_1014, %dma_wait3A_1015] : memref<4x8192xf32, #tpu.memory_space<vmem>> -> memref<1x8192xf32, #tpu.memory_space<vmem>>
    %dma_wait3A_1017 = arith.constant 0 : i32
    %dma_wait3A_1018 = tpu.memref_slice %arg2[%add3A_54, %dma_wait3A_1017] : memref<128x8192xf32, #tpu.memory_space<hbm>> -> memref<1x8192xf32, #tpu.memory_space<hbm>>
    tpu.wait_dma2 semaphore(%dma_wait3A_1013 : memref<!tpu.dma_semaphore, #tpu.memory_space<semaphore_mem>>) src(%dma_wait3A_1018 : memref<1x8192xf32, #tpu.memory_space<hbm>>) dst(%dma_wait3A_1016 : memref<1x8192xf32, #tpu.memory_space<vmem>>)
    %parallel_loop3A_1019 = arith.constant 0 : i32
    %parallel_loop3A_1020 = arith.constant 128 : i32
    %parallel_loop3A_1021 = arith.constant 1 : i32
    %parallel_loop3A_1022:2 = scf.for %parallel_loop3A_1327 = %parallel_loop3A_1019 to %parallel_loop3A_1020 step %parallel_loop3A_1021 iter_args(%parallel_loop3A_1328 = %broadcast_in_dim3A_71, %parallel_loop3A_1329 = %broadcast_in_dim3A_71) -> (vector<16xf32>, vector<16xf32>)  : i32 {
      %parallel_loop3A_1330 = arith.constant 4 : i32
      %parallel_loop3A_1331 = arith.muli %parallel_loop3A_1327, %parallel_loop3A_1330 : i32
      %parallel_loop3A_1332 = arith.constant 16 : i32
      %parallel_loop3A_1333 = arith.muli %parallel_loop3A_1331, %parallel_loop3A_1332 : i32
      %parallel_loop3A_1334 = arith.constant 3 : i32
      %parallel_loop3A_1335 = arith.index_cast %parallel_loop3A_1334 : i32 to index
      %parallel_loop3A_1336 = arith.index_cast %parallel_loop3A_1333 : i32 to index
      %parallel_loop3A_1337 = tpu.vector_load %arg5[%parallel_loop3A_1335, %parallel_loop3A_1336] {strides = array<i32>} : memref<4x8192xf32, #tpu.memory_space<vmem>>, vector<16xf32>,
      %parallel_loop3A_1338 = arith.maximumf %parallel_loop3A_1328, %parallel_loop3A_1337 : vector<16xf32>
      %parallel_loop3A_1339 = arith.constant 4 : i32
      %parallel_loop3A_1340 = arith.muli %parallel_loop3A_1327, %parallel_loop3A_1339 : i32
      %parallel_loop3A_1341 = arith.constant 1 : i32
      %parallel_loop3A_1342 = arith.addi %parallel_loop3A_1340, %parallel_loop3A_1341 : i32
      %parallel_loop3A_1343 = arith.constant 16 : i32
      %parallel_loop3A_1344 = arith.muli %parallel_loop3A_1342, %parallel_loop3A_1343 : i32
      %parallel_loop3A_1345 = arith.constant 3 : i32
      %parallel_loop3A_1346 = arith.index_cast %parallel_loop3A_1345 : i32 to index
      %parallel_loop3A_1347 = arith.index_cast %parallel_loop3A_1344 : i32 to index
      %parallel_loop3A_1348 = tpu.vector_load %arg5[%parallel_loop3A_1346, %parallel_loop3A_1347] {strides = array<i32>} : memref<4x8192xf32, #tpu.memory_space<vmem>>, vector<16xf32>,
      %parallel_loop3A_1349 = arith.maximumf %parallel_loop3A_1329, %parallel_loop3A_1348 : vector<16xf32>
      scf.yield %parallel_loop3A_1338, %parallel_loop3A_1349 : vector<16xf32>, vector<16xf32>
    } {sc.loop_unroll_factor = 8 : i64, sc.parallel_access}
    %masked_sort3A_1023 = arith.constant dense<true> : vector<16xi1>
    %masked_sort3A_1024, %masked_sort3A_1025, %masked_sort3A_1026 = tpu.sort %parallel_loop3A_1022#0, %parallel_loop3A_1022#0 masked %masked_sort3A_1023 {descending = true} : (vector<16xf32>, vector<16xf32>, vector<16xi1>) -> (vector<16xi1>, vector<16xf32>, vector<16xf32>)
    %masked_sort3A_1027 = arith.constant dense<true> : vector<16xi1>
    %masked_sort3A_1028, %masked_sort3A_1029, %masked_sort3A_1030 = tpu.sort %parallel_loop3A_1022#1, %parallel_loop3A_1022#1 masked %masked_sort3A_1027 {descending = true} : (vector<16xf32>, vector<16xf32>, vector<16xi1>) -> (vector<16xi1>, vector<16xf32>, vector<16xf32>)
    %rev3A_1031 = arith.constant 15 : i32
    %rev3A_1032 = vector.broadcast %rev3A_1031 : i32 to vector<16xi32>
    %rev3A_1033 = tpu.iota {dimensions = array<i32: 0>} : vector<16xi32>
    %rev3A_1034 = arith.subi %rev3A_1032, %rev3A_1033 : vector<16xi32>
    %rev3A_1035 = tpu.dynamic_gather %masked_sort3A_1029[%rev3A_1034] in [0] : vector<16xf32>, vector<16xi32> -> vector<16xf32>
    %min3A_1036 = arith.minimumf %masked_sort3A_1025, %rev3A_1035 : vector<16xf32>
    %masked_sort3A_1037 = arith.constant dense<true> : vector<16xi1>
    %masked_sort3A_1038, %masked_sort3A_1039, %masked_sort3A_1040 = tpu.sort %min3A_1036, %min3A_1036 masked %masked_sort3A_1037 {descending = true} : (vector<16xf32>, vector<16xf32>, vector<16xi1>) -> (vector<16xi1>, vector<16xf32>, vector<16xf32>)
    %slice3A_1041 = vector.extract_strided_slice %masked_sort3A_1039 {offsets = [3], sizes = [1], strides = [1]} : vector<16xf32> to vector<1xf32>
    %squeeze3A_1042 = vector.extract %slice3A_1041[0] : f32 from vector<1xf32>
    %broadcast_in_dim3A_1043 = vector.broadcast %squeeze3A_1042 : f32 to vector<16xf32>
    %broadcast_in_dim3A_1044 = arith.constant -1 : i32
    %broadcast_in_dim3A_1045 = vector.broadcast %broadcast_in_dim3A_1044 : i32 to vector<16xi32>
    %parallel_loop3A_1046 = arith.constant 0 : i32
    %parallel_loop3A_1047 = arith.constant 512 : i32
    %parallel_loop3A_1048 = arith.constant 1 : i32
    %parallel_loop3A_1049 = scf.for %parallel_loop3A_1327 = %parallel_loop3A_1046 to %parallel_loop3A_1047 step %parallel_loop3A_1048 iter_args(%parallel_loop3A_1328 = %broadcast_in_dim3A_1045) -> (vector<16xi32>)  : i32 {
      %parallel_loop3A_1329 = arith.constant 16 : i32
      %parallel_loop3A_1330 = arith.muli %parallel_loop3A_1327, %parallel_loop3A_1329 : i32
      %parallel_loop3A_1331 = arith.constant 3 : i32
      %parallel_loop3A_1332 = arith.index_cast %parallel_loop3A_1331 : i32 to index
      %parallel_loop3A_1333 = arith.index_cast %parallel_loop3A_1330 : i32 to index
      %parallel_loop3A_1334 = tpu.vector_load %arg5[%parallel_loop3A_1332, %parallel_loop3A_1333] {strides = array<i32>} : memref<4x8192xf32, #tpu.memory_space<vmem>>, vector<16xf32>,
      %parallel_loop3A_1335 = arith.cmpf oge, %parallel_loop3A_1334, %broadcast_in_dim3A_1043 : vector<16xf32>
      %parallel_loop3A_1336 = tpu.scan <sum>, %broadcast_in_dim3A_73 masked %parallel_loop3A_1335 : vector<16xi32>, vector<16xi1> -> vector<16xi32>
      %parallel_loop3A_1337 = arith.addi %parallel_loop3A_1328, %parallel_loop3A_1336 : vector<16xi32>
      tpu.vector_store_idx %arg6[%parallel_loop3A_1337], %parallel_loop3A_1334 masked %parallel_loop3A_1335 : memref<8208xf32, #tpu.memory_space<vmem>>[vector<16xi32>], vector<16xf32>, vector<16xi1>
      %parallel_loop3A_1338 = tpu.all_reduce %parallel_loop3A_1335 {dim = 0 : i64, kind = #tpu.reduction_kind<sum>} : vector<16xi1> -> vector<16xi32>
      %parallel_loop3A_1339 = arith.addi %parallel_loop3A_1328, %parallel_loop3A_1338 : vector<16xi32>
      scf.yield %parallel_loop3A_1339 : vector<16xi32>
    } {sc.loop_unroll_factor = 8 : i64, sc.parallel_access}
    %slice3A_1050 = vector.extract_strided_slice %parallel_loop3A_1049 {offsets = [0], sizes = [1], strides = [1]} : vector<16xi32> to vector<1xi32>
    %squeeze3A_1051 = vector.extract %slice3A_1050[0] : i32 from vector<1xi32>
    %add3A_1052 = arith.constant 1 : i32
    %add3A_1053 = arith.addi %squeeze3A_1051, %add3A_1052 : i32
    %add3A_1054 = arith.constant 1 : i32
    %add3A_1055 = vector.broadcast %add3A_1054 : i32 to vector<16xi32>
    %add3A_1056 = arith.addi %parallel_loop3A_1049, %add3A_1055 : vector<16xi32>
    %add3A_1057 = arith.constant 16 : i32
    %add3A_1058 = arith.addi %add3A_1053, %add3A_1057 : i32
    %sub3A_1059 = arith.constant 1 : i32
    %sub3A_1060 = arith.subi %add3A_1058, %sub3A_1059 : i32
    %jit3A_1061 = arith.constant 16 : i32
    %div3A_1062 = arith.divsi %sub3A_1060, %jit3A_1061 : i32
    %sign3A_1063 = arith.constant 0 : i32
    %sign3A_1064 = arith.cmpi sgt, %sub3A_1060, %sign3A_1063 : i32
    %sign3A_1065 = arith.extui %sign3A_1064 : i1 to i32
    %sign3A_1066 = arith.constant 0 : i32
    %sign3A_1067 = arith.cmpi slt, %sub3A_1060, %sign3A_1066 : i32
    %sign3A_1068 = arith.extui %sign3A_1067 : i1 to i32
    %sign3A_1069 = arith.subi %sign3A_1065, %sign3A_1068 : i32
    %sign3A_1070 = arith.constant 0 : i32
    %sign3A_1071 = arith.cmpi sgt, %jit3A_1061, %sign3A_1070 : i32
    %sign3A_1072 = arith.extui %sign3A_1071 : i1 to i32
    %sign3A_1073 = arith.constant 0 : i32
    %sign3A_1074 = arith.cmpi slt, %jit3A_1061, %sign3A_1073 : i32
    %sign3A_1075 = arith.extui %sign3A_1074 : i1 to i32
    %sign3A_1076 = arith.subi %sign3A_1072, %sign3A_1075 : i32
    %ne3A_1077 = arith.cmpi ne, %sign3A_1069, %sign3A_1076 : i32
    %rem3A_1078 = arith.remsi %sub3A_1060, %jit3A_1061 : i32
    %ne3A_1079 = arith.constant 0 : i32
    %ne3A_1080 = arith.cmpi ne, %rem3A_1078, %ne3A_1079 : i32
    %and3A_1081 = arith.andi %ne3A_1077, %ne3A_1080 : i1
    %sub3A_1082 = arith.constant 1 : i32
    %sub3A_1083 = arith.subi %div3A_1062, %sub3A_1082 : i32
    %select_n3A_1084 = arith.select %and3A_1081, %sub3A_1083, %div3A_1062 : i32
    %while3A_1085 = arith.constant 0 : i32
    %while3A_1086 = arith.subi %select_n3A_1084, %while3A_1085 : i32
    %while3A_1087 = arith.addi %while3A_1085, %while3A_1086 : i32
    %while3A_1088 = arith.constant 1 : i32
    %while3A_1089 = arith.divsi %while3A_1086, %while3A_1088 : i32
    %while3A_1090 = arith.muli %while3A_1089, %while3A_1088 : i32
    %while3A_1091 = arith.addi %while3A_1085, %while3A_1090 : i32
    %while3A_1092 = arith.constant 1 : i32
    %while3A_1093:2 = scf.for %while3A_1327 = %while3A_1085 to %while3A_1091 step %while3A_1092 iter_args(%while3A_1328 = %broadcast_in_dim3A_71, %while3A_1329 = %broadcast_in_dim3A_71) -> (vector<16xf32>, vector<16xf32>)  : i32 {
      %mul3A_1330 = arith.constant 16 : i32
      %mul3A_1331 = arith.muli %while3A_1327, %mul3A_1330 : i32
      %get3A_1332 = arith.index_cast %mul3A_1331 : i32 to index
      %get3A_1333 = tpu.vector_load %arg6[%get3A_1332] {strides = array<i32>} : memref<8208xf32, #tpu.memory_space<vmem>>, vector<16xf32>,
      %mul3A_1334 = arith.constant 16 : i32
      %mul3A_1335 = arith.muli %while3A_1327, %mul3A_1334 : i32
      %add3A_1336 = vector.broadcast %mul3A_1335 : i32 to vector<16xi32>
      %add3A_1337 = arith.addi %add3A_1336, %iota3A : vector<16xi32>
      %lt3A_1338 = arith.cmpi slt, %add3A_1337, %add3A_1056 : vector<16xi32>
      %jit3A_1339 = arith.constant 0.000000e+00 : f32
      %broadcast_in_dim3A_1340 = vector.broadcast %jit3A_1339 : f32 to vector<16xf32>
      %select_n3A_1341 = arith.select %lt3A_1338, %get3A_1333, %broadcast_in_dim3A_1340 : vector<16xi1>, vector<16xf32>
      %masked_sort3A_1342 = arith.constant dense<true> : vector<16xi1>
      %masked_sort3A_1343, %masked_sort3A_1344, %masked_sort3A_1345 = tpu.sort %select_n3A_1341, %select_n3A_1341 masked %masked_sort3A_1342 {descending = true} : (vector<16xf32>, vector<16xf32>, vector<16xi1>) -> (vector<16xi1>, vector<16xf32>, vector<16xf32>)
      %rev3A_1346 = arith.constant 15 : i32
      %rev3A_1347 = vector.broadcast %rev3A_1346 : i32 to vector<16xi32>
      %rev3A_1348 = tpu.iota {dimensions = array<i32: 0>} : vector<16xi32>
      %rev3A_1349 = arith.subi %rev3A_1347, %rev3A_1348 : vector<16xi32>
      %rev3A_1350 = tpu.dynamic_gather %masked_sort3A_1344[%rev3A_1349] in [0] : vector<16xf32>, vector<16xi32> -> vector<16xf32>
      %max3A = arith.maximumf %while3A_1329, %rev3A_1350 : vector<16xf32>
      %masked_sort3A_1351 = arith.constant dense<true> : vector<16xi1>
      %masked_sort3A_1352, %masked_sort3A_1353, %masked_sort3A_1354 = tpu.sort %max3A, %max3A masked %masked_sort3A_1351 {descending = true} : (vector<16xf32>, vector<16xf32>, vector<16xi1>) -> (vector<16xi1>, vector<16xf32>, vector<16xf32>)
      %rev3A_1355 = arith.constant 15 : i32
      %rev3A_1356 = vector.broadcast %rev3A_1355 : i32 to vector<16xi32>
      %rev3A_1357 = tpu.iota {dimensions = array<i32: 0>} : vector<16xi32>
      %rev3A_1358 = arith.subi %rev3A_1356, %rev3A_1357 : vector<16xi32>
      %rev3A_1359 = tpu.dynamic_gather %masked_sort3A_1353[%rev3A_1358] in [0] : vector<16xf32>, vector<16xi32> -> vector<16xf32>
      %max3A_1360 = arith.maximumf %while3A_1328, %rev3A_1359 : vector<16xf32>
      %masked_sort3A_1361 = arith.constant dense<true> : vector<16xi1>
      %masked_sort3A_1362, %masked_sort3A_1363, %masked_sort3A_1364 = tpu.sort %max3A_1360, %max3A_1360 masked %masked_sort3A_1361 {descending = true} : (vector<16xf32>, vector<16xf32>, vector<16xi1>) -> (vector<16xi1>, vector<16xf32>, vector<16xf32>)
      %rev3A_1365 = arith.constant 15 : i32
      %rev3A_1366 = vector.broadcast %rev3A_1365 : i32 to vector<16xi32>
      %rev3A_1367 = tpu.iota {dimensions = array<i32: 0>} : vector<16xi32>
      %rev3A_1368 = arith.subi %rev3A_1366, %rev3A_1367 : vector<16xi32>
      %rev3A_1369 = tpu.dynamic_gather %masked_sort3A_1353[%rev3A_1368] in [0] : vector<16xf32>, vector<16xi32> -> vector<16xf32>
      %min3A_1370 = arith.minimumf %while3A_1328, %rev3A_1369 : vector<16xf32>
      %masked_sort3A_1371 = arith.constant dense<true> : vector<16xi1>
      %masked_sort3A_1372, %masked_sort3A_1373, %masked_sort3A_1374 = tpu.sort %min3A_1370, %min3A_1370 masked %masked_sort3A_1371 {descending = true} : (vector<16xf32>, vector<16xf32>, vector<16xi1>) -> (vector<16xi1>, vector<16xf32>, vector<16xf32>)
      scf.yield %masked_sort3A_1363, %masked_sort3A_1373 : vector<16xf32>, vector<16xf32>
    }
    %while3A_1094 = arith.constant 1 : i32
    %while3A_1095:2 = scf.for %while3A_1327 = %while3A_1091 to %while3A_1087 step %while3A_1094 iter_args(%while3A_1328 = %while3A_1093#0, %while3A_1329 = %while3A_1093#1) -> (vector<16xf32>, vector<16xf32>)  : i32 {
      %mul3A_1330 = arith.constant 16 : i32
      %mul3A_1331 = arith.muli %while3A_1327, %mul3A_1330 : i32
      %get3A_1332 = arith.index_cast %mul3A_1331 : i32 to index
      %get3A_1333 = tpu.vector_load %arg6[%get3A_1332] {strides = array<i32>} : memref<8208xf32, #tpu.memory_space<vmem>>, vector<16xf32>,
      %mul3A_1334 = arith.constant 16 : i32
      %mul3A_1335 = arith.muli %while3A_1327, %mul3A_1334 : i32
      %add3A_1336 = vector.broadcast %mul3A_1335 : i32 to vector<16xi32>
      %add3A_1337 = arith.addi %add3A_1336, %iota3A : vector<16xi32>
      %lt3A_1338 = arith.cmpi slt, %add3A_1337, %add3A_1056 : vector<16xi32>
      %jit3A_1339 = arith.constant 0.000000e+00 : f32
      %broadcast_in_dim3A_1340 = vector.broadcast %jit3A_1339 : f32 to vector<16xf32>
      %select_n3A_1341 = arith.select %lt3A_1338, %get3A_1333, %broadcast_in_dim3A_1340 : vector<16xi1>, vector<16xf32>
      %masked_sort3A_1342 = arith.constant dense<true> : vector<16xi1>
      %masked_sort3A_1343, %masked_sort3A_1344, %masked_sort3A_1345 = tpu.sort %select_n3A_1341, %select_n3A_1341 masked %masked_sort3A_1342 {descending = true} : (vector<16xf32>, vector<16xf32>, vector<16xi1>) -> (vector<16xi1>, vector<16xf32>, vector<16xf32>)
      %rev3A_1346 = arith.constant 15 : i32
      %rev3A_1347 = vector.broadcast %rev3A_1346 : i32 to vector<16xi32>
      %rev3A_1348 = tpu.iota {dimensions = array<i32: 0>} : vector<16xi32>
      %rev3A_1349 = arith.subi %rev3A_1347, %rev3A_1348 : vector<16xi32>
      %rev3A_1350 = tpu.dynamic_gather %masked_sort3A_1344[%rev3A_1349] in [0] : vector<16xf32>, vector<16xi32> -> vector<16xf32>
      %max3A = arith.maximumf %while3A_1329, %rev3A_1350 : vector<16xf32>
      %masked_sort3A_1351 = arith.constant dense<true> : vector<16xi1>
      %masked_sort3A_1352, %masked_sort3A_1353, %masked_sort3A_1354 = tpu.sort %max3A, %max3A masked %masked_sort3A_1351 {descending = true} : (vector<16xf32>, vector<16xf32>, vector<16xi1>) -> (vector<16xi1>, vector<16xf32>, vector<16xf32>)
      %rev3A_1355 = arith.constant 15 : i32
      %rev3A_1356 = vector.broadcast %rev3A_1355 : i32 to vector<16xi32>
      %rev3A_1357 = tpu.iota {dimensions = array<i32: 0>} : vector<16xi32>
      %rev3A_1358 = arith.subi %rev3A_1356, %rev3A_1357 : vector<16xi32>
      %rev3A_1359 = tpu.dynamic_gather %masked_sort3A_1353[%rev3A_1358] in [0] : vector<16xf32>, vector<16xi32> -> vector<16xf32>
      %max3A_1360 = arith.maximumf %while3A_1328, %rev3A_1359 : vector<16xf32>
      %masked_sort3A_1361 = arith.constant dense<true> : vector<16xi1>
      %masked_sort3A_1362, %masked_sort3A_1363, %masked_sort3A_1364 = tpu.sort %max3A_1360, %max3A_1360 masked %masked_sort3A_1361 {descending = true} : (vector<16xf32>, vector<16xf32>, vector<16xi1>) -> (vector<16xi1>, vector<16xf32>, vector<16xf32>)
      %rev3A_1365 = arith.constant 15 : i32
      %rev3A_1366 = vector.broadcast %rev3A_1365 : i32 to vector<16xi32>
      %rev3A_1367 = tpu.iota {dimensions = array<i32: 0>} : vector<16xi32>
      %rev3A_1368 = arith.subi %rev3A_1366, %rev3A_1367 : vector<16xi32>
      %rev3A_1369 = tpu.dynamic_gather %masked_sort3A_1353[%rev3A_1368] in [0] : vector<16xf32>, vector<16xi32> -> vector<16xf32>
      %min3A_1370 = arith.minimumf %while3A_1328, %rev3A_1369 : vector<16xf32>
      %masked_sort3A_1371 = arith.constant dense<true> : vector<16xi1>
      %masked_sort3A_1372, %masked_sort3A_1373, %masked_sort3A_1374 = tpu.sort %min3A_1370, %min3A_1370 masked %masked_sort3A_1371 {descending = true} : (vector<16xf32>, vector<16xf32>, vector<16xi1>) -> (vector<16xi1>, vector<16xf32>, vector<16xf32>)
      scf.yield %masked_sort3A_1363, %masked_sort3A_1373 : vector<16xf32>, vector<16xf32>
    }
    %gt3A_1096 = arith.constant 0.000000e+00 : f32
    %gt3A_1097 = vector.broadcast %gt3A_1096 : f32 to vector<16xf32>
    %gt3A_1098 = arith.cmpf ogt, %while3A_1095#0, %gt3A_1097 : vector<16xf32>
    %bitcast_convert_type3A_1099 = tpu.bitcast %while3A_1095#0 : vector<16xf32> -> vector<16xi32>
    %shift_right_arithmetic3A_1100 = arith.constant 23 : i32
    %shift_right_arithmetic3A_1101 = vector.broadcast %shift_right_arithmetic3A_1100 : i32 to vector<16xi32>
    %shift_right_arithmetic3A_1102 = arith.shrsi %bitcast_convert_type3A_1099, %shift_right_arithmetic3A_1101 : vector<16xi32>
    %sub3A_1103 = arith.constant 127 : i32
    %sub3A_1104 = vector.broadcast %sub3A_1103 : i32 to vector<16xi32>
    %sub3A_1105 = arith.subi %shift_right_arithmetic3A_1102, %sub3A_1104 : vector<16xi32>
    %and3A_1106 = arith.constant 8388607 : i32
    %and3A_1107 = vector.broadcast %and3A_1106 : i32 to vector<16xi32>
    %and3A_1108 = arith.andi %bitcast_convert_type3A_1099, %and3A_1107 : vector<16xi32>
    %or3A_1109 = arith.constant 1065353216 : i32
    %or3A_1110 = vector.broadcast %or3A_1109 : i32 to vector<16xi32>
    %or3A_1111 = arith.ori %and3A_1108, %or3A_1110 : vector<16xi32>
    %bitcast_convert_type3A_1112 = tpu.bitcast %or3A_1111 : vector<16xi32> -> vector<16xf32>
    %sub3A_1113 = arith.constant 1.000000e+00 : f32
    %sub3A_1114 = vector.broadcast %sub3A_1113 : f32 to vector<16xf32>
    %sub3A_1115 = arith.subf %bitcast_convert_type3A_1112, %sub3A_1114 : vector<16xf32>
    %add3A_1116 = arith.constant 1.000000e+00 : f32
    %add3A_1117 = vector.broadcast %add3A_1116 : f32 to vector<16xf32>
    %add3A_1118 = arith.addf %bitcast_convert_type3A_1112, %add3A_1117 : vector<16xf32>
    %div3A_1119 = arith.divf %sub3A_1115, %add3A_1118 : vector<16xf32>
    %mul3A_1120 = arith.mulf %div3A_1119, %div3A_1119 : vector<16xf32>
    %mul3A_1121 = arith.constant 0.142857149 : f32
    %mul3A_1122 = vector.broadcast %mul3A_1121 : f32 to vector<16xf32>
    %mul3A_1123 = arith.mulf %mul3A_1120, %mul3A_1122 : vector<16xf32>
    %add3A_1124 = arith.constant 2.000000e-01 : f32
    %add3A_1125 = vector.broadcast %add3A_1124 : f32 to vector<16xf32>
    %add3A_1126 = arith.addf %add3A_1125, %mul3A_1123 : vector<16xf32>
    %mul3A_1127 = arith.mulf %mul3A_1120, %add3A_1126 : vector<16xf32>
    %add3A_1128 = arith.constant 0.333333343 : f32
    %add3A_1129 = vector.broadcast %add3A_1128 : f32 to vector<16xf32>
    %add3A_1130 = arith.addf %add3A_1129, %mul3A_1127 : vector<16xf32>
    %mul3A_1131 = arith.mulf %mul3A_1120, %add3A_1130 : vector<16xf32>
    %add3A_1132 = arith.constant 1.000000e+00 : f32
    %add3A_1133 = vector.broadcast %add3A_1132 : f32 to vector<16xf32>
    %add3A_1134 = arith.addf %add3A_1133, %mul3A_1131 : vector<16xf32>
    %convert_element_type3A_1135 = arith.sitofp %sub3A_1105 : vector<16xi32> to vector<16xf32>
    %mul3A_1136 = arith.constant 0.693147182 : f32
    %mul3A_1137 = vector.broadcast %mul3A_1136 : f32 to vector<16xf32>
    %mul3A_1138 = arith.mulf %convert_element_type3A_1135, %mul3A_1137 : vector<16xf32>
    %mul3A_1139 = arith.constant 2.000000e+00 : f32
    %mul3A_1140 = vector.broadcast %mul3A_1139 : f32 to vector<16xf32>
    %mul3A_1141 = arith.mulf %mul3A_1140, %div3A_1119 : vector<16xf32>
    %mul3A_1142 = arith.mulf %mul3A_1141, %add3A_1134 : vector<16xf32>
    %add3A_1143 = arith.addf %mul3A_1138, %mul3A_1142 : vector<16xf32>
    %mul3A_1144 = arith.mulf %exp3A, %add3A_1143 : vector<16xf32>
    %exp3A_1145 = math.exp %mul3A_1144 : vector<16xf32>
    %jit3A_1146 = arith.constant 0.000000e+00 : f32
    %broadcast_in_dim3A_1147 = vector.broadcast %jit3A_1146 : f32 to vector<16xf32>
    %select_n3A_1148 = arith.select %gt3A_1098, %exp3A_1145, %broadcast_in_dim3A_1147 : vector<16xi1>, vector<16xf32>
    %min3A_1149 = arith.constant 0.99999988 : f32
    %min3A_1150 = vector.broadcast %min3A_1149 : f32 to vector<16xf32>
    %min3A_1151 = arith.minimumf %select_n3A_1148, %min3A_1150 : vector<16xf32>
    %sub3A_1152 = arith.constant 1.000000e+00 : f32
    %sub3A_1153 = vector.broadcast %sub3A_1152 : f32 to vector<16xf32>
    %sub3A_1154 = arith.subf %sub3A_1153, %min3A_1151 : vector<16xf32>
    %bitcast_convert_type3A_1155 = tpu.bitcast %sub3A_1154 : vector<16xf32> -> vector<16xi32>
    %shift_right_arithmetic3A_1156 = arith.constant 23 : i32
    %shift_right_arithmetic3A_1157 = vector.broadcast %shift_right_arithmetic3A_1156 : i32 to vector<16xi32>
    %shift_right_arithmetic3A_1158 = arith.shrsi %bitcast_convert_type3A_1155, %shift_right_arithmetic3A_1157 : vector<16xi32>
    %sub3A_1159 = arith.constant 127 : i32
    %sub3A_1160 = vector.broadcast %sub3A_1159 : i32 to vector<16xi32>
    %sub3A_1161 = arith.subi %shift_right_arithmetic3A_1158, %sub3A_1160 : vector<16xi32>
    %and3A_1162 = arith.constant 8388607 : i32
    %and3A_1163 = vector.broadcast %and3A_1162 : i32 to vector<16xi32>
    %and3A_1164 = arith.andi %bitcast_convert_type3A_1155, %and3A_1163 : vector<16xi32>
    %or3A_1165 = arith.constant 1065353216 : i32
    %or3A_1166 = vector.broadcast %or3A_1165 : i32 to vector<16xi32>
    %or3A_1167 = arith.ori %and3A_1164, %or3A_1166 : vector<16xi32>
    %bitcast_convert_type3A_1168 = tpu.bitcast %or3A_1167 : vector<16xi32> -> vector<16xf32>
    %sub3A_1169 = arith.constant 1.000000e+00 : f32
    %sub3A_1170 = vector.broadcast %sub3A_1169 : f32 to vector<16xf32>
    %sub3A_1171 = arith.subf %bitcast_convert_type3A_1168, %sub3A_1170 : vector<16xf32>
    %add3A_1172 = arith.constant 1.000000e+00 : f32
    %add3A_1173 = vector.broadcast %add3A_1172 : f32 to vector<16xf32>
    %add3A_1174 = arith.addf %bitcast_convert_type3A_1168, %add3A_1173 : vector<16xf32>
    %div3A_1175 = arith.divf %sub3A_1171, %add3A_1174 : vector<16xf32>
    %mul3A_1176 = arith.mulf %div3A_1175, %div3A_1175 : vector<16xf32>
    %mul3A_1177 = arith.constant 0.142857149 : f32
    %mul3A_1178 = vector.broadcast %mul3A_1177 : f32 to vector<16xf32>
    %mul3A_1179 = arith.mulf %mul3A_1176, %mul3A_1178 : vector<16xf32>
    %add3A_1180 = arith.constant 2.000000e-01 : f32
    %add3A_1181 = vector.broadcast %add3A_1180 : f32 to vector<16xf32>
    %add3A_1182 = arith.addf %add3A_1181, %mul3A_1179 : vector<16xf32>
    %mul3A_1183 = arith.mulf %mul3A_1176, %add3A_1182 : vector<16xf32>
    %add3A_1184 = arith.constant 0.333333343 : f32
    %add3A_1185 = vector.broadcast %add3A_1184 : f32 to vector<16xf32>
    %add3A_1186 = arith.addf %add3A_1185, %mul3A_1183 : vector<16xf32>
    %mul3A_1187 = arith.mulf %mul3A_1176, %add3A_1186 : vector<16xf32>
    %add3A_1188 = arith.constant 1.000000e+00 : f32
    %add3A_1189 = vector.broadcast %add3A_1188 : f32 to vector<16xf32>
    %add3A_1190 = arith.addf %add3A_1189, %mul3A_1187 : vector<16xf32>
    %convert_element_type3A_1191 = arith.sitofp %sub3A_1161 : vector<16xi32> to vector<16xf32>
    %mul3A_1192 = arith.constant 0.693147182 : f32
    %mul3A_1193 = vector.broadcast %mul3A_1192 : f32 to vector<16xf32>
    %mul3A_1194 = arith.mulf %convert_element_type3A_1191, %mul3A_1193 : vector<16xf32>
    %mul3A_1195 = arith.constant 2.000000e+00 : f32
    %mul3A_1196 = vector.broadcast %mul3A_1195 : f32 to vector<16xf32>
    %mul3A_1197 = arith.mulf %mul3A_1196, %div3A_1175 : vector<16xf32>
    %mul3A_1198 = arith.mulf %mul3A_1197, %add3A_1190 : vector<16xf32>
    %add3A_1199 = arith.addf %mul3A_1194, %mul3A_1198 : vector<16xf32>
    %gt3A_1200 = arith.constant 0.000000e+00 : f32
    %gt3A_1201 = vector.broadcast %gt3A_1200 : f32 to vector<16xf32>
    %gt3A_1202 = arith.cmpf ogt, %while3A_1095#1, %gt3A_1201 : vector<16xf32>
    %bitcast_convert_type3A_1203 = tpu.bitcast %while3A_1095#1 : vector<16xf32> -> vector<16xi32>
    %shift_right_arithmetic3A_1204 = arith.constant 23 : i32
    %shift_right_arithmetic3A_1205 = vector.broadcast %shift_right_arithmetic3A_1204 : i32 to vector<16xi32>
    %shift_right_arithmetic3A_1206 = arith.shrsi %bitcast_convert_type3A_1203, %shift_right_arithmetic3A_1205 : vector<16xi32>
    %sub3A_1207 = arith.constant 127 : i32
    %sub3A_1208 = vector.broadcast %sub3A_1207 : i32 to vector<16xi32>
    %sub3A_1209 = arith.subi %shift_right_arithmetic3A_1206, %sub3A_1208 : vector<16xi32>
    %and3A_1210 = arith.constant 8388607 : i32
    %and3A_1211 = vector.broadcast %and3A_1210 : i32 to vector<16xi32>
    %and3A_1212 = arith.andi %bitcast_convert_type3A_1203, %and3A_1211 : vector<16xi32>
    %or3A_1213 = arith.constant 1065353216 : i32
    %or3A_1214 = vector.broadcast %or3A_1213 : i32 to vector<16xi32>
    %or3A_1215 = arith.ori %and3A_1212, %or3A_1214 : vector<16xi32>
    %bitcast_convert_type3A_1216 = tpu.bitcast %or3A_1215 : vector<16xi32> -> vector<16xf32>
    %sub3A_1217 = arith.constant 1.000000e+00 : f32
    %sub3A_1218 = vector.broadcast %sub3A_1217 : f32 to vector<16xf32>
    %sub3A_1219 = arith.subf %bitcast_convert_type3A_1216, %sub3A_1218 : vector<16xf32>
    %add3A_1220 = arith.constant 1.000000e+00 : f32
    %add3A_1221 = vector.broadcast %add3A_1220 : f32 to vector<16xf32>
    %add3A_1222 = arith.addf %bitcast_convert_type3A_1216, %add3A_1221 : vector<16xf32>
    %div3A_1223 = arith.divf %sub3A_1219, %add3A_1222 : vector<16xf32>
    %mul3A_1224 = arith.mulf %div3A_1223, %div3A_1223 : vector<16xf32>
    %mul3A_1225 = arith.constant 0.142857149 : f32
    %mul3A_1226 = vector.broadcast %mul3A_1225 : f32 to vector<16xf32>
    %mul3A_1227 = arith.mulf %mul3A_1224, %mul3A_1226 : vector<16xf32>
    %add3A_1228 = arith.constant 2.000000e-01 : f32
    %add3A_1229 = vector.broadcast %add3A_1228 : f32 to vector<16xf32>
    %add3A_1230 = arith.addf %add3A_1229, %mul3A_1227 : vector<16xf32>
    %mul3A_1231 = arith.mulf %mul3A_1224, %add3A_1230 : vector<16xf32>
    %add3A_1232 = arith.constant 0.333333343 : f32
    %add3A_1233 = vector.broadcast %add3A_1232 : f32 to vector<16xf32>
    %add3A_1234 = arith.addf %add3A_1233, %mul3A_1231 : vector<16xf32>
    %mul3A_1235 = arith.mulf %mul3A_1224, %add3A_1234 : vector<16xf32>
    %add3A_1236 = arith.constant 1.000000e+00 : f32
    %add3A_1237 = vector.broadcast %add3A_1236 : f32 to vector<16xf32>
    %add3A_1238 = arith.addf %add3A_1237, %mul3A_1235 : vector<16xf32>
    %convert_element_type3A_1239 = arith.sitofp %sub3A_1209 : vector<16xi32> to vector<16xf32>
    %mul3A_1240 = arith.constant 0.693147182 : f32
    %mul3A_1241 = vector.broadcast %mul3A_1240 : f32 to vector<16xf32>
    %mul3A_1242 = arith.mulf %convert_element_type3A_1239, %mul3A_1241 : vector<16xf32>
    %mul3A_1243 = arith.constant 2.000000e+00 : f32
    %mul3A_1244 = vector.broadcast %mul3A_1243 : f32 to vector<16xf32>
    %mul3A_1245 = arith.mulf %mul3A_1244, %div3A_1223 : vector<16xf32>
    %mul3A_1246 = arith.mulf %mul3A_1245, %add3A_1238 : vector<16xf32>
    %add3A_1247 = arith.addf %mul3A_1242, %mul3A_1246 : vector<16xf32>
    %mul3A_1248 = arith.mulf %exp3A, %add3A_1247 : vector<16xf32>
    %exp3A_1249 = math.exp %mul3A_1248 : vector<16xf32>
    %jit3A_1250 = arith.constant 0.000000e+00 : f32
    %broadcast_in_dim3A_1251 = vector.broadcast %jit3A_1250 : f32 to vector<16xf32>
    %select_n3A_1252 = arith.select %gt3A_1202, %exp3A_1249, %broadcast_in_dim3A_1251 : vector<16xi1>, vector<16xf32>
    %min3A_1253 = arith.constant 0.99999988 : f32
    %min3A_1254 = vector.broadcast %min3A_1253 : f32 to vector<16xf32>
    %min3A_1255 = arith.minimumf %select_n3A_1252, %min3A_1254 : vector<16xf32>
    %sub3A_1256 = arith.constant 1.000000e+00 : f32
    %sub3A_1257 = vector.broadcast %sub3A_1256 : f32 to vector<16xf32>
    %sub3A_1258 = arith.subf %sub3A_1257, %min3A_1255 : vector<16xf32>
    %bitcast_convert_type3A_1259 = tpu.bitcast %sub3A_1258 : vector<16xf32> -> vector<16xi32>
    %shift_right_arithmetic3A_1260 = arith.constant 23 : i32
    %shift_right_arithmetic3A_1261 = vector.broadcast %shift_right_arithmetic3A_1260 : i32 to vector<16xi32>
    %shift_right_arithmetic3A_1262 = arith.shrsi %bitcast_convert_type3A_1259, %shift_right_arithmetic3A_1261 : vector<16xi32>
    %sub3A_1263 = arith.constant 127 : i32
    %sub3A_1264 = vector.broadcast %sub3A_1263 : i32 to vector<16xi32>
    %sub3A_1265 = arith.subi %shift_right_arithmetic3A_1262, %sub3A_1264 : vector<16xi32>
    %and3A_1266 = arith.constant 8388607 : i32
    %and3A_1267 = vector.broadcast %and3A_1266 : i32 to vector<16xi32>
    %and3A_1268 = arith.andi %bitcast_convert_type3A_1259, %and3A_1267 : vector<16xi32>
    %or3A_1269 = arith.constant 1065353216 : i32
    %or3A_1270 = vector.broadcast %or3A_1269 : i32 to vector<16xi32>
    %or3A_1271 = arith.ori %and3A_1268, %or3A_1270 : vector<16xi32>
    %bitcast_convert_type3A_1272 = tpu.bitcast %or3A_1271 : vector<16xi32> -> vector<16xf32>
    %sub3A_1273 = arith.constant 1.000000e+00 : f32
    %sub3A_1274 = vector.broadcast %sub3A_1273 : f32 to vector<16xf32>
    %sub3A_1275 = arith.subf %bitcast_convert_type3A_1272, %sub3A_1274 : vector<16xf32>
    %add3A_1276 = arith.constant 1.000000e+00 : f32
    %add3A_1277 = vector.broadcast %add3A_1276 : f32 to vector<16xf32>
    %add3A_1278 = arith.addf %bitcast_convert_type3A_1272, %add3A_1277 : vector<16xf32>
    %div3A_1279 = arith.divf %sub3A_1275, %add3A_1278 : vector<16xf32>
    %mul3A_1280 = arith.mulf %div3A_1279, %div3A_1279 : vector<16xf32>
    %mul3A_1281 = arith.constant 0.142857149 : f32
    %mul3A_1282 = vector.broadcast %mul3A_1281 : f32 to vector<16xf32>
    %mul3A_1283 = arith.mulf %mul3A_1280, %mul3A_1282 : vector<16xf32>
    %add3A_1284 = arith.constant 2.000000e-01 : f32
    %add3A_1285 = vector.broadcast %add3A_1284 : f32 to vector<16xf32>
    %add3A_1286 = arith.addf %add3A_1285, %mul3A_1283 : vector<16xf32>
    %mul3A_1287 = arith.mulf %mul3A_1280, %add3A_1286 : vector<16xf32>
    %add3A_1288 = arith.constant 0.333333343 : f32
    %add3A_1289 = vector.broadcast %add3A_1288 : f32 to vector<16xf32>
    %add3A_1290 = arith.addf %add3A_1289, %mul3A_1287 : vector<16xf32>
    %mul3A_1291 = arith.mulf %mul3A_1280, %add3A_1290 : vector<16xf32>
    %add3A_1292 = arith.constant 1.000000e+00 : f32
    %add3A_1293 = vector.broadcast %add3A_1292 : f32 to vector<16xf32>
    %add3A_1294 = arith.addf %add3A_1293, %mul3A_1291 : vector<16xf32>
    %convert_element_type3A_1295 = arith.sitofp %sub3A_1265 : vector<16xi32> to vector<16xf32>
    %mul3A_1296 = arith.constant 0.693147182 : f32
    %mul3A_1297 = vector.broadcast %mul3A_1296 : f32 to vector<16xf32>
    %mul3A_1298 = arith.mulf %convert_element_type3A_1295, %mul3A_1297 : vector<16xf32>
    %mul3A_1299 = arith.constant 2.000000e+00 : f32
    %mul3A_1300 = vector.broadcast %mul3A_1299 : f32 to vector<16xf32>
    %mul3A_1301 = arith.mulf %mul3A_1300, %div3A_1279 : vector<16xf32>
    %mul3A_1302 = arith.mulf %mul3A_1301, %add3A_1294 : vector<16xf32>
    %add3A_1303 = arith.addf %mul3A_1298, %mul3A_1302 : vector<16xf32>
    %lt3A_1304 = arith.constant 4 : i32
    %lt3A_1305 = vector.broadcast %lt3A_1304 : i32 to vector<16xi32>
    %lt3A_1306 = arith.cmpi slt, %iota3A, %lt3A_1305 : vector<16xi32>
    %jit3A_1307 = arith.constant 0.000000e+00 : f32
    %broadcast_in_dim3A_1308 = vector.broadcast %jit3A_1307 : f32 to vector<16xf32>
    %select_n3A_1309 = arith.select %lt3A_1306, %add3A_1303, %broadcast_in_dim3A_1308 : vector<16xi1>, vector<16xf32>
    %add3A_1310 = arith.addf %add3A_1199, %select_n3A_1309 : vector<16xf32>
    %reduce_sum3A_1311 = arith.constant true
    %reduce_sum3A_1312 = vector.broadcast %reduce_sum3A_1311 : i1 to vector<16xi1>
    %reduce_sum3A_1313 = tpu.scan <sum>, %add3A_1310 masked %reduce_sum3A_1312 : vector<16xf32>, vector<16xi1> -> vector<16xf32>
    %reduce_sum3A_1314 = vector.extract %reduce_sum3A_1313[15] : f32 from vector<16xf32>
    %broadcast_in_dim3A_1315 = vector.broadcast %reduce_sum3A_1314 : f32 to vector<16xf32>
    %exp3A_1316 = math.exp %broadcast_in_dim3A_1315 : vector<16xf32>
    %sub3A_1317 = arith.constant 1.000000e+00 : f32
    %sub3A_1318 = vector.broadcast %sub3A_1317 : f32 to vector<16xf32>
    %sub3A_1319 = arith.subf %sub3A_1318, %exp3A_1316 : vector<16xf32>
    %eq3A_1320 = arith.constant 3 : i32
    %eq3A_1321 = vector.broadcast %eq3A_1320 : i32 to vector<16xi32>
    %eq3A_1322 = arith.cmpi eq, %iota3A, %eq3A_1321 : vector<16xi32>
    %select_n3A_1323 = arith.select %eq3A_1322, %sub3A_1319, %select_n3A_1005 : vector<16xi1>, vector<16xf32>
    %swap3A = arith.constant 0 : index
    %swap3A_1324 = tpu.vector_load %arg7[%swap3A] {strides = array<i32>} : memref<16xf32, #tpu.memory_space<vmem>>, vector<16xf32>,
    tpu.vector_store %arg7[%swap3A], %select_n3A_1323 {strides = array<i32>} : memref<16xf32, #tpu.memory_space<vmem>>, vector<16xf32>,
    %mul3A_1325 = arith.constant 16 : i32
    %mul3A_1326 = arith.muli %add3A, %mul3A_1325 : i32
    "tpu.region"() ({
      %run_scoped3A = tpu.sem_alloc : memref<!tpu.dma_semaphore, #tpu.memory_space<semaphore_mem>>
      %dma_start3A_1327 = tpu.memref_slice %arg4[%mul3A_1326] : memref<512xf32, #tpu.memory_space<hbm>> -> memref<16xf32, #tpu.memory_space<hbm>>
      %dma_start3A_1328 = tpu.memref_slice %arg4[%mul3A_1326] : memref<512xf32, #tpu.memory_space<hbm>> -> memref<16xf32, #tpu.memory_space<hbm>>
      tpu.enqueue_dma source(%arg7 : memref<16xf32, #tpu.memory_space<vmem>>) target(%dma_start3A_1328 : memref<16xf32, #tpu.memory_space<hbm>>) target_semaphore(%run_scoped3A : memref<!tpu.dma_semaphore, #tpu.memory_space<semaphore_mem>>)
      %dma_wait3A_1329 = tpu.memref_slice %arg4[%mul3A_1326] : memref<512xf32, #tpu.memory_space<hbm>> -> memref<16xf32, #tpu.memory_space<hbm>>
      %dma_wait3A_1330 = tpu.memref_slice %arg4[%mul3A_1326] : memref<512xf32, #tpu.memory_space<hbm>> -> memref<16xf32, #tpu.memory_space<hbm>>
      tpu.wait_dma2 semaphore(%run_scoped3A : memref<!tpu.dma_semaphore, #tpu.memory_space<semaphore_mem>>) src(%arg7 : memref<16xf32, #tpu.memory_space<vmem>>) dst(%dma_wait3A_1330 : memref<16xf32, #tpu.memory_space<hbm>>)
      tpu.yield
    }) : () -> ()
    return
  }
}

</mosaic_0001>

<sc_bundles>
// kernel: kernel.3.cloned.1.call-start
scs
__scs_entry_jumppad:
0x0: {  	(pc) =	sbr.rel $0x88, $3  }
0x1: {  	(tag) =	ssettag $0x0;
	lr =	simm.s32 $0x1  }
0x2: {  	[smem:$0x3F9F] =	sst lr;
	_ =	strace $0xD0000000  }
0x3: {  	_ = 	snop  }
0x4: {  	_ = 	snop  }
0x5: {  	_ = 	snop  }
0x6: {  	_ = 	snop  }
0x7: {  	_ = 	snop  }
__scs_overlays_trampoline_lowered:
0x8: {  	[smem:$0x3FAE] =	sst s0  }
0x9: {  	[smem:$0x3FAF] =	sst s1  }
0xa: {  	[smem:$0x3FB0] =	sst s2  }
0xb: {  	[smem:$0x3FB1] =	sst s3  }
0xc: {  	[smem:$0x3FB2] =	sst s4  }
0xd: {  	[smem:$0x3FB3] =	sst s5  }
0xe: {  	[smem:$0x3FB4] =	sst s6  }
0xf: {  	[smem:$0x3FB5] =	sst s7  }
0x10: {  	[smem:$0x3FB6] =	sst s8  }
0x11: {  	[smem:$0x3FB7] =	sst s9;
	s0 =	simm.s32 @!p0 $0x0  }
0x12: {  	s1 =	sld [smem:$0x3F9D];
	s0 =	simm.s32 @p0 $0x1  }
0x13: {  	[smem:$0x3FB8] =	sst s0;
	s0 =	simm.s32 @!p1 $0x0  }
0x14: {  	s2 =	sld [smem:$0x3F9C];
	s0 =	simm.s32 @p1 $0x1  }
0x15: {  	[smem:$0x3FB9] =	sst s0;
	s0 =	simm.s32 @!p2 $0x0  }
0x16: {  	s3 =	sld [smem:$0x3FDB];
	s0 =	simm.s32 @p2 $0x1  }
0x17: {  	s4 =	simm.s32 $0x1BF5;
	[smem:$0x3FBB] =	sst s0  }
0x18: {  	s0 =	sld [smem:$0x3F9E];
	_ =	swait.ge [sflag:s4], $0x0  }
0x19: {  	s7 =	sld [smem:$0x3F9F]  }
0x1a: {  	s8 =	sadd.s32 $0xFFFFE003, lr  }
0x1b: {  	s9 =	sadd.s32 $0xFFFFFEF7, lr;
	s5 =	simm.s32 $0xFFFFFFFF;
	p2 =	slt.u32 s8, $0xFFFFF086  }
0x1c: {  	p1 =	slt.u32 s9, $0xF7A;
	s5 =	simm.s32 @!p2 $0x0  }
0x1d: {  	s5 =	simm.s32 @p1 $0x1;
	p0 =	seq.s32 s7, s2  }
0x1e: {  	s7 =	smul.u32 @!p0 $0xF7A, s2;
	p2 =	seq.s32 @!p0 s5, $0x0  }
0x1f: {  	s9 =	smul.u32 $0xF7A, s1;
	s8 =	simm.s32 @!p0 $0x1BF5;
	p2 =	por !p2, p0  }
0x20: {  	[sflag:s8] =	ssyncset.s32 @!p0 $0xFFFFF086;
	s6 =	sadd.s32 @!p0 s3, s7;
	s7 =	simm.s32 @!p0 $0x108  }
0x21: {  	s3 =	sadd.s32 s3, s9;
	s6 =	sadd.s32 @!p0 $0x88, s6;
	s7 =	simm.s32 @p2 $0x1082  }
0x22: {  	[simem:s7], [sflag:s8] =	dma.local @!p0 [hbm:s6], $0xF7A  }
0x23: {  	s9 =	sor.u32 $0xD0000000, s2;
	s6 =	simm.s32 $0x108;
	_ =	swait.ge @!p0 [sflag:s8], $0x0  }
0x24: {  	s3 =	sadd.s32 $0x88, s3;
	s6 =	simm.s32 @!p1 $0x1082;
	[sflag:s4] =	ssyncset.s32 $0xFFFFF086  }
0x25: {  	[simem:s6], [sflag:s4] =	dma.local [hbm:s3], $0xF7A  }
0x26: {  	[smem:$0x3F9F] =	sst s1;
	(tag) =	ssettag s2;
	_ =	strace s9  }
0x27: {  	s1 =	sld [smem:$0x3FAF]  }
0x28: {  	s2 =	sld [smem:$0x3FB0]  }
0x29: {  	s4 =	sld [smem:$0x3FB2]  }
0x2a: {  	p0 =	seq.s32 s5, $0x0;
	s5 =	sld [smem:$0x3FB3]  }
0x2b: {  	s6 =	sld [smem:$0x3FB4]  }
0x2c: {  	s7 =	sld [smem:$0x3FB5]  }
0x2d: {  	s3 =	simm.s32 $0x108;
	s8 =	sld [smem:$0x3FB6]  }
0x2e: {  	s3 =	simm.s32 @!p0 $0x1082;
	s9 =	sld [smem:$0x3FB7]  }
0x2f: {  	lr =	sadd.s32 s0, s3;
	s0 =	sld [smem:$0x3FAE]  }
0x30: {  	s3 =	sld [smem:$0x3FB1]  }
0x31: {  	[smem:$0x3FBA] =	sst s10  }
0x32: {  	s10 =	sld [smem:$0x3FB8];
	_ =	sdelay $0x3  }
0x33: {  	p0 =	seq.s32 s10, $0x1;
	s10 =	sld [smem:$0x3FBA];
	_ =	sdelay $0x3  }
0x34: {  	[smem:$0x3FBA] =	sst s10  }
0x35: {  	s10 =	sld [smem:$0x3FB9];
	_ =	sdelay $0x3  }
0x36: {  	p1 =	seq.s32 s10, $0x1;
	s10 =	sld [smem:$0x3FBA];
	_ =	sdelay $0x3  }
0x37: {  	[smem:$0x3FBA] =	sst s10  }
0x38: {  	s10 =	sld [smem:$0x3FBB]  }
0x39: {  	_ = 	snop;
	(pc) =	sbr.ind lr, $3  }
0x3a: {  	_ = 	snop  }
0x3b: {  	_ = 	snop  }
0x3c: {  	p2 =	seq.s32 s10, $0x1;
	s10 =	sld [smem:$0x3FBA]  }
0x3d: {  	_ =	shalt  }
0x3e: {  	_ =	shalt  }
0x3f: {  	_ =	shalt  }
0x40: {  	_ =	shalt  }
0x41: {  	_ =	shalt  }
0x42: {  	_ =	shalt  }
0x43: {  	_ =	shalt  }
0x44: {  	_ =	shalt  }
0x45: {  	_ =	shalt  }
0x46: {  	_ =	shalt  }
0x47: {  	_ =	shalt  }
0x48: {  	_ =	shalt  }
0x49: {  	_ =	shalt  }
0x4a: {  	_ =	shalt  }
0x4b: {  	_ =	shalt  }
0x4c: {  	_ =	shalt  }
0x4d: {  	_ =	shalt  }
0x4e: {  	_ =	shalt  }
0x4f: {  	_ =	shalt  }
0x50: {  	_ =	shalt  }
0x51: {  	_ =	shalt  }
0x52: {  	_ =	shalt  }
0x53: {  	_ =	shalt  }
0x54: {  	_ =	shalt  }
0x55: {  	_ =	shalt  }
0x56: {  	_ =	shalt  }
0x57: {  	_ =	shalt  }
0x58: {  	_ =	shalt  }
0x59: {  	_ =	shalt  }
0x5a: {  	_ =	shalt  }
0x5b: {  	_ =	shalt  }
0x5c: {  	_ =	shalt  }
0x5d: {  	_ =	shalt  }
0x5e: {  	_ =	shalt  }
0x5f: {  	_ =	shalt  }
0x60: {  	_ =	shalt  }
0x61: {  	_ =	shalt  }
0x62: {  	_ =	shalt  }
0x63: {  	_ =	shalt  }
0x64: {  	_ =	shalt  }
0x65: {  	_ =	shalt  }
0x66: {  	_ =	shalt  }
0x67: {  	_ =	shalt  }
0x68: {  	_ =	shalt  }
0x69: {  	_ =	shalt  }
0x6a: {  	_ =	shalt  }
0x6b: {  	_ =	shalt  }
0x6c: {  	_ =	shalt  }
0x6d: {  	_ =	shalt  }
0x6e: {  	_ =	shalt  }
0x6f: {  	_ =	shalt  }
0x70: {  	_ =	shalt  }
0x71: {  	_ =	shalt  }
0x72: {  	_ =	shalt  }
0x73: {  	_ =	shalt  }
0x74: {  	_ =	shalt  }
0x75: {  	_ =	shalt  }
0x76: {  	_ =	shalt  }
0x77: {  	_ =	shalt  }
0x78: {  	_ =	shalt  }
0x79: {  	_ =	shalt  }
0x7a: {  	_ =	shalt  }
0x7b: {  	_ =	shalt  }
0x7c: {  	_ =	shalt  }
0x7d: {  	_ =	shalt  }
0x7e: {  	_ =	shalt  }
0x7f: {  	_ =	shalt  }
0x80: {  	_ =	shalt  }
0x81: {  	_ =	shalt  }
0x82: {  	_ =	shalt  }
0x83: {  	_ =	shalt  }
0x84: {  	_ =	shalt  }
0x85: {  	_ =	shalt  }
0x86: {  	_ =	shalt  }
0x87: {  	_ =	shalt  }
.Lfunc_end0:
.L_simem_size_0:
called_computation_lowered:
.L_overlay_start_0:
0x88: {  	s2 =	sld [smem:$0x3FD9]  }
0x89: {  	s3 =	sld [smem:$0x3FFE];
	_ =	sdelay $0x1  }
0x8a: {  	s1 =	srdreg.scid  }
0x8b: {  	s0 =	sand.u32 $0x1, s1  }
0x8c: {  	s17 =	sshll.u32 s0, $0xA;
	s2 =	sadd.s32 s3, s2  }
0x8d: {  	s2 =	sadd.s32 s2, s17  }
0x8e: {  	[smem:$0x3FC6] =	sst s2  }
0x8f: {  	_ = 	snop  }
0x90: {  	s2 =	sld [smem:$0x3FC9]  }
0x91: {  	s18 =	sld [smem:$0x3FC8];
	(tm) =	ssettm $0x1  }
0x92: {  	s4 =	sld [smem:$0x3FFB];
	_ =	sdelay $0x3  }
0x93: {  	_ =	strace s4  }
0x94: {  	s4 =	sld [smem:$0x3FFC];
	_ =	sdelay $0x3  }
0x95: {  	_ =	strace s4  }
0x96: {  	s4 =	sld [smem:$0x3FFD];
	_ =	sdelay $0x3  }
0x97: {  	_ =	strace s4  }
0x98: {  	_ =	strace $0x8FFFFFFF  }
0x99: {  	s19 =	sld [smem:$0x3FDB];
	_ =	sdelay $0x1  }
0x9a: {  	s5 =	simm.s32 $_scs_section_size  }
0x9b: {  	s6 =	simm.s32 $_size__tile_overlayer_lowered;
	s7 =	simm.s32 $_tile_overlayer_lowered  }
0x9c: {  	s22 =	simm.s32 $0x1BFF;
	s21 =	sshll.u32 s7, $0x1;
	s4 =	sadd.s32 s5, s19  }
0x9d: {  	s8 =	simm.s32 $0x0;
	s20 =	sshll.u32 s6, $0x1;
	s6 =	sadd.s32 s21, s4  }
0x9e: {  	[timem:s8], [sflag:s22] =	dma.local [hbm:s6], s20  }
0x9f: {  	_ =	swait.ge [sflag:s22], s20  }
0xa0: {  	s5 =	ssub.s32 $0x0, s20;
	[sflag:s22] =	ssyncset.done $0x0  }
0xa1: {  	[sflag:s22] =	ssyncadd.s32 s5;
	_ =	sdelay $0x1  }
0xa2: {  	s23 =	simm.s32 $0x1B8B  }
0xa3: {  	_ =	swait.ge [sflag:s23], $0x1  }
0xa4: {  	[sflag:s23] =	ssyncset.done $0x0  }
0xa5: {  	s25 =	simm.s32 $0x1B8E;
	s24 =	sld [smem:$0x3FFE];
	[sflag:s23] =	ssyncadd.s32 $0xFFFFFFFF  }
0xa6: {  	s26 =	simm.s32 $execute0_lowered;
	[smem:$0x3FD2] =	sst s25  }
0xa7: {  	s6 =	sshll.u32 s26, $0x1;
	_ =	strace $0x80000046;
	[dreg:$0x1] =	wrdreg $0xFFFFFFFF  }
0xa8: {  	s28 =	simm.s32 $_size_execute0_lowered;
	s4 =	sadd.s32 s4, s6;
	[dreg:$0x0] =	wrdreg $0x0  }
0xa9: {  	s6 =	sshll.u32 s28, $0x1;
	[dreg:$0x2] =	wrdreg s4  }
0xaa: {  	[dreg:$0x3] =	wrdreg s6  }
0xab: {  	[dreg:$0x4] =	wrdreg $0xC0  }
0xac: {  	_ =	task [dreg:s8], $0x5FFFF  }
0xad: {  	[dreg:$0x1] =	wrdreg $0xFFFFFFFF  }
0xae: {  	[dreg:$0x0] =	wrdreg $0x60  }
0xaf: {  	[dreg:$0x2] =	wrdreg s2  }
0xb0: {  	[dreg:$0x3] =	wrdreg s18  }
0xb1: {  	[dreg:$0x4] =	wrdreg s24  }
0xb2: {  	[dreg:$0x5] =	wrdreg $0x9  }
0xb3: {  	_ =	task.clear_ibuf [dreg:s8], $0x6FFFF;
	_ =	strace $0x90000046  }
0xb4: {  	s29 =	simm.s32 $0x9;
	_ =	strace $0x80000048  }
0xb5: {  	_ =	swait.ge [sflag:s29], $0x1  }
0xb6: {  	[sflag:s29] =	ssyncadd.s32 $0xFFFFFFFF  }
0xb7: {  	_ =	strace $0x90000048  }
0xb8: {  	_ =	sfence  }
0xb9: {  	s30 =	sld [smem:$0x0];
	_ =	sdelay $0x2  }
0xba: {  	s31 =	sshll.u32 s1, $0xD;
	s1 =	sshrl.u32 s1, $0x2  }
0xbb: {  	s3 =	sand.u32 $0x4000, s31;
	s1 =	sadd.s32 s1, s30  }
0xbc: {  	s0 =	sor.u32 s3, s0;
	s1 =	sshll.u32 s1, $0x11  }
0xbd: {  	s0 =	sor.u32 s1, s0  }
0xbe: {  	s0 =	sadd.s32 $0x8F2B, s0  }
0xbf: {  	[sflag:s0] =	ssyncadd.remote.s32 $0x1  }
0xc0: {  	_ =	sfence.sel $0xFFFF  }
0xc1: {  	[dreg:$0x0] =	wrdreg $0xFFFFFFFF;
	(pc) =	sbr.abs _section_cstart, $3  }
0xc2: {  	[dreg:$0x1] =	wrdreg $0xFFFFFFFF  }
0xc3: {  	_ =	task.clear_ibuf [dreg:s8], $0x2FFFF;
	_ =	strace $0x9FFFFFFF  }
0xc4: {  	(tm) =	ssettm $0x7FFFFFFF  }
0xc5: {  	_ =	shalt  }
tec
execute0_lowered:
.L_overlay_start_1:
0x0: {  	(tag) =	ssettag $0x1  }
0x1: {  	s4 =	rddreg [dreg:$0x0]  }
0x2: {  	s1 =	rddreg [dreg:$0x1]  }
0x3: {  	s5 =	rddreg [dreg:$0x2]  }
0x4: {  	s0 =	rddreg [dreg:$0x3];
	s2 =	simm.s32 $0x0;
	s3 =	srdreg.scid  }
0x5: {  	s10 =	simm.s32 $0xA100;
	s11 =	simm.s32 $0x5;
	s12 =	simm.s32 $0x1  }
0x6: {  	s13 =	simm.s32 $0x8000;
	s14 =	simm.s32 $0x2;
	s15 =	simm.s32 $0x3  }
0x7: {  	s16 =	simm.s32 $0x4;
	s17 =	simm.s32 $0xA080;
	s18 =	simm.s32 $0x0  }
0x8: {  	[smem:$0x7FF] =	sst s2;
	s6 =	sand.u32 $0x1, s3;
	s3 =	stileid.u32  }
0x9: {  	_ =	strace $0x80000047;
	s7 =	sshll.u32 s6, $0x1;
	s8 =	ssub.s32 $0x2, s6  }
.Ltmp0:
0xa: {  	s6 =	sshll.u32 s6, $0x6;
	s9 =	sshll.u32 s3, $0xD;
	(pc) =	sbr.rel .LBB2_1-.Ltmp0, $4  }
0xb: {  	v0 =	vlaneseq.u32;
	s31 =	sshll.u32 s3, $0x2;
	s29 =	sshrl.u32 s8, $0x1;
	s6 =	sor.u32 s6, s9  }
0xc: {  	v1 =	vmul.u32 $0xFFFFFFFF, v0;
	s7 =	sadd.s32 s7, s5;
	s30 =	ssub.s32 s8, s29;
	s4 =	sadd.s32 s4, s6  }
0xd: {  	v2 =	vimm.s32 $0x1;
	vm0 =	vcmask $0x310;
	s8 =	sadd.s32 s31, s7;
	s5 =	sadd.s32 $0x10, s4;
	s6 =	sadd.s32 $0x20, s4  }
0xe: {  	vm1 =	vcmask $0x710;
	vm2 =	vcmask $0xB10;
	v1 =	vadd.s32 $0xF, v1;
	s7 =	sadd.s32 $0x30, s4;
	s8 =	sadd.s32 $0x400, s8;
	s9 =	smax.u32 s30, $0x1  }
.LBB2_50:
0xf: {  	v7 =	vimm.f32 $0.0e+00  }
.LBB2_58:
0x10: {  	v8 =	vand.u32 $0x7FFFFF, v6  }
0x11: {  	v8 =	vor.u32 $0x3F800000, v8  }
0x12: {  	v9 =	vadd.f32 $1.000000000e+00, v8;
	_ =	sdelay $0x1  }
0x13: {  	(erf) = vrcp.f32 v9;
	_ =	sdelay $0x7  }
0x14: {  	v8 =	vadd.f32 $-1.000000000e+00, v8  }
0x15: {  	v9 =	vpop (erf)  }
0x16: {  	v8 =	vmul.f32 v9, v8;
	_ =	sdelay $0x1  }
0x17: {  	v9 =	vmul.f32 v8, v8;
	_ =	sdelay $0x1  }
0x18: {  	v10 =	vmul.f32 $1.428571490e-01, v9;
	_ =	sdelay $0x1  }
0x19: {  	v10 =	vadd.f32 $2.000000030e-01, v10;
	_ =	sdelay $0x1  }
0x1a: {  	v10 =	vmul.f32 v10, v9;
	_ =	sdelay $0x1  }
0x1b: {  	v10 =	vadd.f32 $3.333333430e-01, v10;
	_ =	sdelay $0x1  }
0x1c: {  	v11 =	vshra.s32 v6, $0x17;
	v9 =	vmul.f32 v10, v9  }
0x1d: {  	v54 =	vadd.s32 $0xFFFFFF81, v11  }
0x1e: {  	v8 =	vadd.f32 v8, v8;
	v10 =	vcvt.s32.f32 v54;
	v9 =	vadd.f32 $1.000000000e+00, v9;
	_ =	sdelay $0x1  }
0x1f: {  	v10 =	vmul.f32 $6.931471820e-01, v10;
	v8 =	vmul.f32 v9, v8;
	_ =	sdelay $0x1  }
0x20: {  	v8 =	vadd.f32 v8, v10;
	_ =	sdelay $0x1  }
0x21: {  	v8 =	vmul.f32 v8, v3;
	_ =	sdelay $0x1  }
0x22: {  	v8 =	vmul.f32 $1.442695020e+00, v8;
	_ =	sdelay $0x1  }
0x23: {  	(erf) = vpow2.f32 v8;
	_ =	sdelay $0x8  }
0x24: {  	v8 =	vpop (erf)  }
0x25: {  	v8 =	vmin.f32 v8, $9.999998800e-01  }
0x26: {  	v8 =	vsub.f32 $1.000000000e+00, v8  }
0x27: {  	vm4 =	vgt.f32 v6, $0.0e+00  }
0x28: {  	v6 =	vnsel vm4, $0x3F800000, v8  }
0x29: {  	v8 =	vand.u32 $0x7FFFFF, v6  }
0x2a: {  	v55 =	vand.u32 $0x7FFFFF, v7;
	v8 =	vor.u32 $0x3F800000, v8  }
0x2b: {  	v9 =	vor.u32 $0x3F800000, v55;
	v56 =	vadd.f32 $1.000000000e+00, v8  }
0x2c: {  	v57 =	vadd.f32 $1.000000000e+00, v9  }
0x2d: {  	(erf) = vrcp.f32 v56  }
0x2e: {  	(erf) = vrcp.f32 v57;
	_ =	sdelay $0x7  }
0x2f: {  	v9 =	vadd.f32 $-1.000000000e+00, v9;
	v10 =	vpop (erf)  }
0x30: {  	v11 =	vpop (erf)  }
0x31: {  	v9 =	vmul.f32 v11, v9;
	_ =	sdelay $0x1  }
0x32: {  	v11 =	vmul.f32 v9, v9;
	_ =	sdelay $0x1  }
0x33: {  	v12 =	vmul.f32 $1.428571490e-01, v11;
	_ =	sdelay $0x1  }
0x34: {  	v12 =	vadd.f32 $2.000000030e-01, v12;
	_ =	sdelay $0x1  }
0x35: {  	v12 =	vmul.f32 v12, v11;
	_ =	sdelay $0x1  }
0x36: {  	v12 =	vadd.f32 $3.333333430e-01, v12;
	_ =	sdelay $0x1  }
0x37: {  	v58 =	vshra.s32 v7, $0x17;
	v11 =	vmul.f32 v12, v11  }
0x38: {  	v12 =	vadd.s32 $0xFFFFFF81, v58  }
0x39: {  	v9 =	vadd.f32 v9, v9;
	v12 =	vcvt.s32.f32 v12;
	v11 =	vadd.f32 $1.000000000e+00, v11;
	_ =	sdelay $0x1  }
0x3a: {  	v12 =	vmul.f32 $6.931471820e-01, v12;
	v9 =	vmul.f32 v11, v9;
	_ =	sdelay $0x1  }
0x3b: {  	v9 =	vadd.f32 v9, v12;
	_ =	sdelay $0x1  }
0x3c: {  	v3 =	vmul.f32 v9, v3;
	_ =	sdelay $0x1  }
0x3d: {  	v3 =	vmul.f32 $1.442695020e+00, v3;
	_ =	sdelay $0x1  }
0x3e: {  	(erf) = vpow2.f32 v3;
	_ =	sdelay $0x8  }
0x3f: {  	v3 =	vpop (erf)  }
0x40: {  	v3 =	vmin.f32 v3, $9.999998800e-01  }
0x41: {  	v3 =	vsub.f32 $1.000000000e+00, v3  }
0x42: {  	vm15 =	vgt.f32 v7, $0.0e+00  }
0x43: {  	v3 =	vnsel vm15, $0x3F800000, v3  }
0x44: {  	v59 =	vand.u32 $0x7FFFFF, v3  }
0x45: {  	v7 =	vor.u32 $0x3F800000, v59  }
0x46: {  	v60 =	vadd.f32 $1.000000000e+00, v7;
	_ =	sdelay $0x1  }
0x47: {  	(erf) = vrcp.f32 v60;
	_ =	sdelay $0x7  }
0x48: {  	v7 =	vadd.f32 $-1.000000000e+00, v7  }
0x49: {  	v8 =	vadd.f32 $-1.000000000e+00, v8;
	v9 =	vpop (erf)  }
0x4a: {  	v7 =	vmul.f32 v9, v7  }
0x4b: {  	v8 =	vmul.f32 v10, v8  }
0x4c: {  	v9 =	vmul.f32 v7, v7  }
0x4d: {  	v10 =	vmul.f32 v8, v8  }
0x4e: {  	v61 =	vmul.f32 $1.428571490e-01, v9  }
0x4f: {  	v62 =	vmul.f32 $1.428571490e-01, v10  }
0x50: {  	v11 =	vadd.f32 $2.000000030e-01, v61  }
0x51: {  	v12 =	vadd.f32 $2.000000030e-01, v62  }
0x52: {  	v11 =	vmul.f32 v11, v9  }
0x53: {  	v12 =	vmul.f32 v12, v10  }
0x54: {  	v11 =	vadd.f32 $3.333333430e-01, v11  }
0x55: {  	v12 =	vadd.f32 $3.333333430e-01, v12  }
0x56: {  	v6 =	vshra.s32 v6, $0x17;
	v3 =	vshra.s32 v3, $0x17;
	v9 =	vmul.f32 v11, v9  }
0x57: {  	v6 =	vadd.s32 $0xFFFFFF81, v6;
	v10 =	vmul.f32 v12, v10;
	v3 =	vadd.s32 $0xFFFFFF81, v3  }
0x58: {  	v3 =	vcvt.s32.f32 v3;
	v7 =	vadd.f32 v7, v7;
	v9 =	vadd.f32 $1.000000000e+00, v9  }
0x59: {  	v6 =	vcvt.s32.f32 v6;
	v8 =	vadd.f32 v8, v8;
	v10 =	vadd.f32 $1.000000000e+00, v10  }
0x5a: {  	v3 =	vmul.f32 $6.931471820e-01, v3;
	v7 =	vmul.f32 v9, v7  }
0x5b: {  	v6 =	vmul.f32 $6.931471820e-01, v6;
	v8 =	vmul.f32 v10, v8  }
0x5c: {  	v3 =	vadd.f32 v7, v3  }
0x5d: {  	v6 =	vadd.f32 v8, v6  }
0x5e: {  	v3 =	vnsel vm3, $0x0, v3  }
0x5f: {  	v3 =	vadd.f32 v3, v6;
	_ =	sdelay $0x1  }
0x60: {  	(xrf2) =	vadd.scan.msk.f32 $0xffff, v3;
	_ =	sdelay $0x9  }
0x61: {  	v3, _, _ =	vpop (xrf2)  }
0x62: {  	v3 =	vmul.f32 $1.442695020e+00, v3;
	_ =	sdelay $0x1  }
0x63: {  	v3 =	vbroadcast v3, $0xF;
	_ =	sdelay $0x1  }
0x64: {  	(erf) = vpow2.f32 v3;
	_ =	sdelay $0x8  }
0x65: {  	v3 =	vsub.f32 $1.000000000e+00, v5;
	v63 =	vpop (erf)  }
0x66: {  	v5 =	vsub.f32 $1.000000000e+00, v63  }
0x67: {  	s18 =	sadd.s32 $0x1, s18;
	v3 =	vsel vm1, v4, v3  }
0x68: {  	p0 =	sne.s32 s18, s9;
	v3 =	vsel vm2, v3, v5  }
.Ltmp1:
0x69: {  	[tilespmem:$0xA080] =	vst v3;
	(pc) =	sbr.rel @!p0 .LBB2_59-.Ltmp1, $4  }
0x6a: {  	[hbm4b:s8+s2] =	stream.linear.scatter [tilespmem:s17], [sflag:$0x5], $0x10, $0x38;
	[tilespmem:$0xA180] =	vst v63  }
0x6b: {  	_ =	swait.ge [sflag:s11], $0x10  }
0x6c: {  	[sflag:s11] =	ssyncset.done $0x0  }
0x6d: {  	[sflag:s11] =	ssyncadd.s32 $0xFFFFFFF0  }
.LBB2_1:
0x6e: {  	s19 =	simm.s32 $0x80  }
0x6f: {  	s22 =	sadd.s32 $0x0, s4;
	s20 =	simm.s32 $0x200;
	s21 =	simm.s32 $0x0  }
.LBB2_2:
0x70: {  	[tilespmem:s21], [sflag:$0x1] =	stream.linear.gather [hbm4b:s22+s2], $0x80, $0x38;
	[tilespmem:$0xA180] =	vst v63  }
0x71: {  	s22 =	smov.u32 s19;
	s21 =	smov.u32 s20;
	p0 =	sne.s32 s19, $0x1F80  }
.Ltmp2:
0x72: {  	s19 =	sadd.s32 $0x80, s19;
	(pc) =	sbr.rel @p0 .LBB2_2-.Ltmp2, $2  }
0x73: {  	_ =	sdelay $0x2  }
0x74: {  	s20 =	sadd.s32 $0x200, s20;
	s22 =	sadd.s32 s22, s4  }
0x75: {  	[tilespmem:s21], [sflag:$0x1] =	stream.linear.gather [hbm4b:s22+s2], $0x80, $0x38;
	[tilespmem:$0xA180] =	vst v63  }
0x76: {  	s19 =	simm.s32 $0x80  }
0x77: {  	s20 =	simm.s32 $0x80;
	s22 =	sadd.s32 $0x0, s5;
	s21 =	simm.s32 $0x280  }
.LBB2_4:
0x78: {  	[tilespmem:s19], [sflag:$0x2] =	stream.linear.gather [hbm4b:s22+s2], $0x80, $0x38;
	[tilespmem:$0xA180] =	vst v63  }
0x79: {  	s22 =	smov.u32 s20;
	s19 =	smov.u32 s21;
	p0 =	sne.s32 s20, $0x1F80  }
.Ltmp3:
0x7a: {  	s20 =	sadd.s32 $0x80, s20;
	(pc) =	sbr.rel @p0 .LBB2_4-.Ltmp3, $2  }
0x7b: {  	_ =	sdelay $0x2  }
0x7c: {  	s21 =	sadd.s32 $0x200, s21;
	s22 =	sadd.s32 s22, s5  }
0x7d: {  	[tilespmem:s19], [sflag:$0x2] =	stream.linear.gather [hbm4b:s22+s2], $0x80, $0x38;
	[tilespmem:$0xA180] =	vst v63  }
0x7e: {  	s19 =	simm.s32 $0x100  }
0x7f: {  	s20 =	simm.s32 $0x80;
	s22 =	sadd.s32 $0x0, s6;
	s21 =	simm.s32 $0x300  }
.LBB2_6:
0x80: {  	[tilespmem:s19], [sflag:$0x3] =	stream.linear.gather [hbm4b:s22+s2], $0x80, $0x38;
	[tilespmem:$0xA180] =	vst v63  }
0x81: {  	s22 =	smov.u32 s20;
	s19 =	smov.u32 s21;
	p0 =	sne.s32 s20, $0x1F80  }
.Ltmp4:
0x82: {  	s20 =	sadd.s32 $0x80, s20;
	(pc) =	sbr.rel @p0 .LBB2_6-.Ltmp4, $2  }
0x83: {  	_ =	sdelay $0x2  }
0x84: {  	s21 =	sadd.s32 $0x200, s21;
	s22 =	sadd.s32 s22, s6  }
0x85: {  	[tilespmem:s19], [sflag:$0x3] =	stream.linear.gather [hbm4b:s22+s2], $0x80, $0x38;
	[tilespmem:$0xA180] =	vst v63  }
0x86: {  	s19 =	simm.s32 $0x180  }
0x87: {  	s20 =	simm.s32 $0x80;
	s22 =	sadd.s32 $0x0, s7;
	s21 =	simm.s32 $0x380  }
.LBB2_8:
0x88: {  	[tilespmem:s19], [sflag:$0x4] =	stream.linear.gather [hbm4b:s22+s2], $0x80, $0x38;
	[tilespmem:$0xA180] =	vst v63  }
0x89: {  	s22 =	smov.u32 s20;
	s19 =	smov.u32 s21;
	p0 =	sne.s32 s20, $0x1F80  }
.Ltmp5:
0x8a: {  	s20 =	sadd.s32 $0x80, s20;
	(pc) =	sbr.rel @p0 .LBB2_8-.Ltmp5, $2  }
0x8b: {  	_ =	sdelay $0x2  }
0x8c: {  	s21 =	sadd.s32 $0x200, s21;
	s22 =	sadd.s32 s22, s7  }
0x8d: {  	[tilespmem:s19], [sflag:$0x4] =	stream.linear.gather [hbm4b:s22+s2], $0x80, $0x38;
	[tilespmem:$0xA180] =	vst v63  }
0x8e: {  	_ = 	snop  }
0x8f: {  	[tilespmem:s10], [sflag:$0x5] =	stream.linear.gather [hbm4b:s1+s2], $0x1, $0x38;
	[tilespmem:$0xA180] =	vst v63  }
0x90: {  	_ =	swait.ge [sflag:s11], $0x1  }
0x91: {  	[sflag:s11] =	ssyncset.done $0x0  }
0x92: {  	[sflag:s11] =	ssyncadd.s32 $0xFFFFFFFF  }
0x93: {  	v3 =	vld [tilespmem:$0xA100];
	_ =	swait.ge [sflag:s12], $0x2000  }
0x94: {  	[sflag:s12] =	ssyncset.done $0x0  }
0x95: {  	s20 =	simm.s32 $0x400;
	[sflag:s12] =	ssyncadd.s32 $0xFFFFE000  }
0x96: {  	v4 =	vld [tilespmem:s20+$0x240]  }
0x97: {  	v6 =	vld [tilespmem:s20+$0x200]  }
0x98: {  	v5 =	vld [tilespmem:s20+$0x40]  }
0x99: {  	v7 =	vld [tilespmem:s20+$0x0]  }
0x9a: {  	v8 =	vld [tilespmem:s20+$0xFFFFFE40]  }
0x9b: {  	v13 =	vld [tilespmem:s20+$0xFFFFFE00]  }
0x9c: {  	v12 =	vld [tilespmem:s20+$0xFFFFFC40]  }
0x9d: {  	v10 =	vld [tilespmem:s20+$0xFFFFFC00]  }
0x9e: {  	v14 =	vld [tilespmem:s20+$0xFFFFFC10]  }
0x9f: {  	v15 =	vld [tilespmem:s20+$0xFFFFFC50]  }
0xa0: {  	v16 =	vld [tilespmem:s20+$0xFFFFFE10]  }
0xa1: {  	v11 =	vld [tilespmem:s20+$0xFFFFFE50]  }
0xa2: {  	v17 =	vimm.f32 $0.0e+00;
	v9 =	vld [tilespmem:s20+$0x10]  }
0xa3: {  	v18 =	vmax.f32 v17, v10;
	v14 =	vmax.f32 v17, v14;
	v10 =	vld [tilespmem:s20+$0x50]  }
0xa4: {  	v17 =	vmax.f32 v18, v12;
	v15 =	vmax.f32 v14, v15;
	v12 =	vld [tilespmem:s20+$0x210]  }
0xa5: {  	s19 =	simm.s32 $0x0;
	v14 =	vmax.f32 v17, v13;
	v15 =	vmax.f32 v15, v16;
	v13 =	vld [tilespmem:s20+$0x250];
	s20 =	simm.s32 $0xC00  }
.LBB2_10:
0xa6: {  	v16 =	vld [tilespmem:s20+$0x240];
	v8 =	vmax.f32 v14, v8;
	v11 =	vmax.f32 v15, v11  }
0xa7: {  	v14 =	vld [tilespmem:s20+$0x200];
	v7 =	vmax.f32 v8, v7;
	v8 =	vmax.f32 v11, v9  }
0xa8: {  	v9 =	vmax.f32 v7, v5;
	v5 =	vld [tilespmem:s20+$0x40];
	v8 =	vmax.f32 v8, v10  }
0xa9: {  	v7 =	vld [tilespmem:s20+$0x0];
	v6 =	vmax.f32 v9, v6;
	v9 =	vmax.f32 v8, v12  }
0xaa: {  	v8 =	vld [tilespmem:s20+$0xFFFFFE40];
	v10 =	vmax.f32 v6, v4;
	v12 =	vmax.f32 v9, v13  }
0xab: {  	v13 =	vld [tilespmem:s20+$0xFFFFFE00];
	v4 =	vmov v16  }
0xac: {  	v15 =	vld [tilespmem:s20+$0xFFFFFC40];
	v6 =	vmov v14  }
0xad: {  	v14 =	vld [tilespmem:s20+$0xFFFFFC00]  }
0xae: {  	s19 =	sadd.s32 $0x8, s19;
	v16 =	vld [tilespmem:s20+$0xFFFFFC10]  }
0xaf: {  	p0 =	slt.u32 s19, $0x78;
	v17 =	vld [tilespmem:s20+$0xFFFFFC50]  }
0xb0: {  	v18 =	vld [tilespmem:s20+$0xFFFFFE10]  }
.Ltmp6:
0xb1: {  	v11 =	vld [tilespmem:s20+$0xFFFFFE50];
	(pc) =	sbr.rel @p0 .LBB2_10-.Ltmp6, $4  }
0xb2: {  	v9 =	vld [tilespmem:s20+$0x10]  }
0xb3: {  	v14 =	vmax.f32 v10, v14;
	v12 =	vmax.f32 v12, v16;
	v10 =	vld [tilespmem:s20+$0x50]  }
0xb4: {  	v14 =	vmax.f32 v14, v15;
	v15 =	vmax.f32 v12, v17;
	v12 =	vld [tilespmem:s20+$0x210]  }
0xb5: {  	v14 =	vmax.f32 v14, v13;
	v15 =	vmax.f32 v15, v18;
	v13 =	vld [tilespmem:s20+$0x250];
	s20 =	sadd.s32 $0x800, s20  }
0xb6: {  	v8 =	vmax.f32 v14, v8  }
0xb7: {  	v11 =	vmax.f32 v15, v11;
	v7 =	vmax.f32 v8, v7  }
0xb8: {  	v8 =	vmax.f32 v11, v9;
	v5 =	vmax.f32 v7, v5  }
0xb9: {  	v7 =	vmax.f32 v8, v10;
	v5 =	vmax.f32 v5, v6  }
0xba: {  	v6 =	vmax.f32 v7, v12;
	v4 =	vmax.f32 v5, v4  }
0xbb: {  	v5 =	vmax.f32 v6, v13;
	(xrf1) =	vsort.dscd.msk.f32 $0xffff, v4, v4  }
0xbc: {  	(xrf1) =	vsort.dscd.msk.f32 $0xffff, v5, v5;
	_ =	sdelay $0xc  }
0xbd: {  	v4, _, _ =	vpop (xrf1)  }
0xbe: {  	v5, _, _ =	vpop (xrf1)  }
0xbf: {  	v5 =	vperm.xlane v5, v1;
	_ =	sdelay $0x1  }
0xc0: {  	v4 =	vmin.f32 v4, v5  }
0xc1: {  	(xrf1) =	vsort.dscd.msk.f32 $0xffff, v4, v4;
	_ =	sdelay $0x9  }
0xc2: {  	s19 =	simm.s32 $0x40  }
0xc3: {  	v11 =	vld [tilespmem:s19+$0xFFFFFFC0]  }
0xc4: {  	v16 =	vld [tilespmem:s19+$0xFFFFFFE0]  }
0xc5: {  	v18 =	vld [tilespmem:s19+$0xFFFFFFF0]  }
0xc6: {  	v13 =	vld [tilespmem:s19+$0xFFFFFFD0];
	v4, _, _ =	vpop (xrf1)  }
0xc7: {  	v20 =	vld [tilespmem:s19+$0x0];
	v7 =	vbroadcast v4, $0x3  }
0xc8: {  	v6 =	vld [tilespmem:s19+$0x30]  }
0xc9: {  	v5 =	vld [tilespmem:s19+$0x20];
	vm8 =	vge.f32 v11, v7  }
0xca: {  	v4 =	vld [tilespmem:s19+$0x10];
	(xrf0) =	vadd.scan.msk.s32 vm8, v2  }
0xcb: {  	vm4 =	vge.f32 v13, v7  }
0xcc: {  	vm5 =	vge.f32 v16, v7;
	(xrf0) =	vadd.scan.msk.s32 vm4, v2  }
0xcd: {  	v9 =	vimm.s32 $0xFFFFFFFF;
	vm6 =	vge.f32 v18, v7;
	(xrf0) =	vadd.scan.msk.s32 vm5, v2  }
0xce: {  	vm7 =	vge.f32 v20, v7;
	vm9 =	vge.f32 v5, v7;
	v8 =	vmpcnt.ones.xlane vm8;
	(xrf0) =	vadd.scan.msk.s32 vm6, v2  }
0xcf: {  	vm10 =	vge.f32 v6, v7;
	v10 =	vmpcnt.ones.xlane vm4;
	vm3 =	vge.f32 v4, v7;
	(xrf0) =	vadd.scan.msk.s32 vm7, v2  }
0xd0: {  	v12 =	vmpcnt.ones.xlane vm5;
	v14 =	vmpcnt.ones.xlane vm6;
	v8 =	vadd.s32 v9, v8;
	(xrf0) =	vadd.scan.msk.s32 vm3, v2;
	v15, _, _ =	vpop (xrf0)  }
0xd1: {  	v10 =	vadd.s32 v8, v10;
	(xrf0) =	vadd.scan.msk.s32 vm9, v2;
	v19 =	vadd.s32 v9, v15;
	v15 =	vmpcnt.ones.xlane vm3  }
0xd2: {  	s19 =	simm.s32 $0x240;
	v17 =	vadd.s32 v10, v12;
	v12 =	vmpcnt.ones.xlane vm7;
	v9, _, _ =	vpop (xrf0);
	(xrf0) =	vadd.scan.msk.s32 vm10, v2  }
0xd3: {  	v14 =	vadd.s32 v17, v14;
	v21 =	vadd.s32 v8, v9;
	v9, _, _ =	vpop (xrf0);
	v8 =	vld [tilespmem:s19+$0xFFFFFFC0]  }
0xd4: {  	v23 =	vmpcnt.ones.xlane vm9;
	v22 =	vadd.s32 v14, v12;
	v24 =	vadd.s32 v10, v9;
	v9, _, _ =	vpop (xrf0)  }
0xd5: {  	v12 =	vld [tilespmem:s19+$0xFFFFFFD0];
	v25 =	vadd.s32 v22, v15;
	v10 =	vmpcnt.ones.xlane vm10;
	v26 =	vadd.s32 v17, v9;
	v15, _, _ =	vpop (xrf0)  }
0xd6: {  	v23 =	vadd.s32 v25, v23;
	v9 =	vld [tilespmem:s19+$0xFFFFFFE0];
	v27 =	vadd.s32 v14, v15;
	v14, _, _ =	vpop (xrf0)  }
0xd7: {  	vm9 =	vmmov vm9;
	v15 =	vadd.s32 v23, v10;
	v10 =	vld [tilespmem:s19+$0xFFFFFFF0];
	[tilespmem:v19+s13+$0x0] =	vst.idx.msk vm8, v11;
	v17, _, _ =	vpop (xrf0)  }
0xd8: {  	vm3 =	vmmov vm3;
	vm10 =	vmmov vm10;
	v11 =	vld [tilespmem:s19+$0x0];
	[tilespmem:v21+s13+$0x0] =	vst.idx.msk vm4, v13;
	vm4 =	vge.f32 v8, v7;
	v13, _, _ =	vpop (xrf0)  }
0xd9: {  	v14 =	vadd.s32 v22, v14;
	[tilespmem:v24+s13+$0x0] =	vst.idx.msk vm5, v16;
	v21 =	vmpcnt.ones.xlane vm4;
	v19 =	vadd.s32 v23, v13;
	v13 =	vld [tilespmem:s19+$0x10]  }
0xda: {  	v17 =	vadd.s32 v25, v17;
	vm5 =	vge.f32 v12, v7;
	(xrf0) =	vadd.scan.msk.s32 vm4, v2;
	v16 =	vld [tilespmem:s19+$0x20];
	[tilespmem:v26+s13+$0x0] =	vst.idx.msk vm6, v18  }
0xdb: {  	v23 =	vmpcnt.ones.xlane vm5;
	vm6 =	vge.f32 v9, v7;
	(xrf0) =	vadd.scan.msk.s32 vm5, v2;
	v18 =	vld [tilespmem:s19+$0x30];
	v21 =	vadd.s32 v15, v21  }
0xdc: {  	v22 =	vmpcnt.ones.xlane vm6;
	(xrf0) =	vadd.scan.msk.s32 vm6, v2;
	[tilespmem:v27+s13+$0x0] =	vst.idx.msk vm7, v20;
	vm7 =	vge.f32 v10, v7  }
0xdd: {  	s20 =	simm.s32 $0x8;
	v20 =	vadd.s32 v21, v23;
	vm8 =	vge.f32 v11, v7;
	v23 =	vmpcnt.ones.xlane vm7;
	(xrf0) =	vadd.scan.msk.s32 vm7, v2  }
.LBB2_12:
0xde: {  	s20 =	sadd.s32 $0x8, s20;
	v22 =	vadd.s32 v20, v22;
	v24 =	vmpcnt.ones.xlane vm8;
	vm11 =	vge.f32 v13, v7;
	(xrf0) =	vadd.scan.msk.s32 vm8, v2  }
0xdf: {  	p0 =	slt.u32 s20, $0x1F8;
	v23 =	vadd.s32 v22, v23;
	v25 =	vmpcnt.ones.xlane vm11;
	vm12 =	vge.f32 v16, v7;
	(xrf0) =	vadd.scan.msk.s32 vm11, v2  }
0xe0: {  	v24 =	vadd.s32 v23, v24;
	v26 =	vmpcnt.ones.xlane vm12;
	vm13 =	vge.f32 v18, v7;
	v27, _, _ =	vpop (xrf0);
	(xrf0) =	vadd.scan.msk.s32 vm12, v2  }
0xe1: {  	v27 =	vadd.s32 v15, v27;
	v25 =	vadd.s32 v24, v25;
	v15 =	vmpcnt.ones.xlane vm13;
	v28, _, _ =	vpop (xrf0);
	(xrf0) =	vadd.scan.msk.s32 vm13, v2  }
0xe2: {  	s19 =	sadd.s32 $0x200, s19;
	v21 =	vadd.s32 v21, v28;
	v26 =	vadd.s32 v25, v26;
	v28, _, _ =	vpop (xrf0);
	[tilespmem:v19+s13+$0x0] =	vst.idx.msk vm10, v6;
	v6 =	vmov v18  }
0xe3: {  	v18 =	vld [tilespmem:s19+$0xFFFFFFC0];
	v19 =	vadd.s32 v20, v28;
	v15 =	vadd.s32 v26, v15;
	v20, _, _ =	vpop (xrf0);
	[tilespmem:v17+s13+$0x0] =	vst.idx.msk vm9, v5;
	v5 =	vmov v16  }
0xe4: {  	v28 =	vld [tilespmem:s19+$0xFFFFFFD0];
	v20 =	vadd.s32 v22, v20;
	v16, _, _ =	vpop (xrf0);
	[tilespmem:v14+s13+$0x0] =	vst.idx.msk vm3, v4;
	v4 =	vmov v13;
	vm3 =	vmmov vm11  }
0xe5: {  	vm10 =	vmmov vm13;
	vm9 =	vmmov vm12;
	v22 =	vld [tilespmem:s19+$0xFFFFFFE0];
	v23 =	vadd.s32 v23, v16;
	v13, _, _ =	vpop (xrf0)  }
0xe6: {  	v29 =	vld [tilespmem:s19+$0xFFFFFFF0];
	[tilespmem:v27+s13+$0x0] =	vst.idx.msk vm4, v8;
	v14 =	vadd.s32 v24, v13;
	v8, _, _ =	vpop (xrf0)  }
0xe7: {  	v24 =	vld [tilespmem:s19+$0x0];
	[tilespmem:v21+s13+$0x0] =	vst.idx.msk vm5, v12;
	v17 =	vadd.s32 v25, v8;
	v8, _, _ =	vpop (xrf0)  }
.Ltmp7:
0xe8: {  	vm4 =	vge.f32 v18, v7;
	v13 =	vld [tilespmem:s19+$0x10];
	[tilespmem:v19+s13+$0x0] =	vst.idx.msk vm6, v9;
	v19 =	vadd.s32 v26, v8;
	v8 =	vmov v18;
	(pc) =	sbr.rel @p0 .LBB2_12-.Ltmp7, $4  }
0xe9: {  	v21 =	vmpcnt.ones.xlane vm4;
	vm5 =	vge.f32 v28, v7;
	v16 =	vld [tilespmem:s19+$0x20];
	(xrf0) =	vadd.scan.msk.s32 vm4, v2;
	[tilespmem:v20+s13+$0x0] =	vst.idx.msk vm7, v10;
	v12 =	vmovc v28  }
0xea: {  	v20 =	vmpcnt.ones.xlane vm5;
	vm6 =	vge.f32 v22, v7;
	v18 =	vld [tilespmem:s19+$0x30];
	(xrf0) =	vadd.scan.msk.s32 vm5, v2;
	[tilespmem:v23+s13+$0x0] =	vst.idx.msk vm8, v11;
	v9 =	vmovc v22  }
0xeb: {  	v21 =	vadd.s32 v15, v21;
	v22 =	vmpcnt.ones.xlane vm6;
	vm7 =	vge.f32 v29, v7;
	(xrf0) =	vadd.scan.msk.s32 vm6, v2;
	v10 =	vmovc v29  }
0xec: {  	v20 =	vadd.s32 v21, v20;
	v23 =	vmpcnt.ones.xlane vm7;
	vm8 =	vge.f32 v24, v7;
	(xrf0) =	vadd.scan.msk.s32 vm7, v2;
	v11 =	vmovc v24  }
0xed: {  	(v2sf) =	vpush v3, $0x0  }
0xee: {  	v3 =	vadd.s32 v20, v22;
	v58 =	vmpcnt.ones.xlane vm8;
	vm11 =	vge.f32 v13, v7  }
0xef: {  	v23 =	vadd.s32 v3, v23;
	v24 =	vmpcnt.ones.xlane vm11;
	vm12 =	vge.f32 v16, v7  }
0xf0: {  	v22 =	vadd.s32 v23, v58;
	v25 =	vmpcnt.ones.xlane vm12;
	vm13 =	vge.f32 v18, v7  }
0xf1: {  	v24 =	vadd.s32 v22, v24;
	v7 =	vmpcnt.ones.xlane vm13  }
0xf2: {  	v25 =	vadd.s32 v24, v25  }
0xf3: {  	v7 =	vadd.s32 v25, v7  }
0xf4: {  	(v2sf) =	vpush v7, $0x0;
	_ =	sdelay $0x9  }
0xf5: {  	s19 =	spop (v2sf)  }
0xf6: {  	s19 =	ssub.f32 $0.0e+00, s19  }
0xf7: {  	(xrf0) =	vadd.scan.msk.s32 vm8, v2  }
0xf8: {  	(xrf0) =	vadd.scan.msk.s32 vm11, v2;
	v28 =	vmov s19  }
0xf9: {  	v26, _, _ =	vpop (xrf0);
	(xrf0) =	vadd.scan.msk.s32 vm12, v2;
	v28 =	vmul.f32 $1.442695020e+00, v28  }
0xfa: {  	v27, _, _ =	vpop (xrf0);
	(xrf0) =	vadd.scan.msk.s32 vm13, v2;
	v15 =	vadd.s32 v15, v26;
	s30 =	spop (v2sf)  }
0xfb: {  	v29, _, _ =	vpop (xrf0);
	v21 =	vadd.s32 v21, v27;
	v28 =	vbroadcast v28, $0x0;
	s20 =	sadd.s32 $0x10, s30;
	s19 =	sand.u32 $0xF, s30  }
0xfc: {  	[tilespmem:v19+s13+$0x0] =	vst.idx.msk vm10, v6;
	v59, _, _ =	vpop (xrf0);
	v6 =	vadd.s32 v20, v29;
	s21 =	sshra.s32 s20, $0x1F;
	p0 =	slt.s32 s20, $0x1;
	p1 =	sne.s32 s19, $0x0  }
0xfd: {  	[tilespmem:v17+s13+$0x0] =	vst.idx.msk vm9, v5;
	v60, _, _ =	vpop (xrf0);
	v3 =	vadd.s32 v3, v59;
	(erf) = vpow2.f32 v28;
	s31 =	sshrl.u32 s21, $0x1C;
	p0 =	por !p0, !p1  }
0xfe: {  	[tilespmem:v14+s13+$0x0] =	vst.idx.msk vm3, v4;
	v61, _, _ =	vpop (xrf0);
	v4 =	vadd.s32 v23, v60;
	s19 =	sadd.s32 s31, s20;
	p0 =	por !p0, !p0;
	s20 =	simm.s32 $0x1  }
0xff: {  	v5, _, _ =	vpop (xrf0);
	[tilespmem:v15+s13+$0x0] =	vst.idx.msk vm4, v8;
	v63 =	vadd.s32 v22, v61;
	s19 =	sshra.s32 s19, $0x4;
	s20 =	simm.s32 @!p0 $0x0  }
0x100: {  	v62, _, _ =	vpop (xrf0);
	[tilespmem:v21+s13+$0x0] =	vst.idx.msk vm5, v12;
	v5 =	vadd.s32 v24, v5;
	s20 =	ssub.s32 s19, s20  }
0x101: {  	v8 =	vadd.s32 v25, v62;
	[tilespmem:v6+s13+$0x0] =	vst.idx.msk vm6, v9;
	p0 =	slt.s32 s20, $0x1  }
.Ltmp8:
0x102: {  	[tilespmem:v3+s13+$0x0] =	vst.idx.msk vm7, v10;
	(pc) =	sbr.rel @p0 .LBB2_21-.Ltmp8, $4  }
0x103: {  	[tilespmem:v4+s13+$0x0] =	vst.idx.msk vm8, v11  }
0x104: {  	[tilespmem:v63+s13+$0x0] =	vst.idx.msk vm11, v13  }
0x105: {  	vm15 =	vmmov vm11;
	vm14 =	vmmov vm12;
	vm3 =	vmmov vm13;
	[tilespmem:v5+s13+$0x0] =	vst.idx.msk vm12, v16  }
0x106: {  	v6 =	vimm.f32 $0.0e+00;
	v4 =	vimm.f32 $0.0e+00;
	v5 =	vimm.f32 $0.0e+00;
	[tilespmem:v8+s13+$0x0] =	vst.idx.msk vm13, v18;
	v3 =	vpop (erf)  }
0x107: {  	p2 =	sne.s32 s20, $0x1  }
.Ltmp9:
0x108: {  	_ = 	snop;
	(pc) =	sbr.rel @!p2 .LBB2_15-.Ltmp9, $3  }
0x109: {  	_ =	sdelay $0x1  }
0x10a: {  	s21 =	simm.s32 $0x8000;
	s19 =	simm.s32 $0x0  }
0x10b: {  	v4 =	vadd.s32 $0x1, v7;
	s20 =	sadd.s32 $0xFFFFFFFF, s20;
	p0 =	por $0x0, $0x0;
	p1 =	por $0x0, $0x0;
	v5 =	vld [tilespmem:s21+$0x0]  }
0x10c: {  	_ =	sdelay $0x1  }
0x10d: {  	v7 =	vor.u32 s19, v0  }
0x10e: {  	vm3 =	vlt.s32 v7, v4  }
0x10f: {  	v5 =	vnsel vm3, $0x0, v5  }
0x110: {  	(xrf1) =	vsort.dscd.msk.f32 $0xffff, v5, v5;
	_ =	sdelay $0xc  }
0x111: {  	p2 =	sne.s32 s20, $0x1  }
.Ltmp10:
0x112: {  	v5, _, _ =	vpop (xrf1);
	(pc) =	sbr.rel @!p2 .LBB2_17-.Ltmp10, $3  }
0x113: {  	v5 =	vperm.xlane v5, v1;
	_ =	sdelay $0x1  }
0x114: {  	s21 =	simm.s32 $0x8010;
	v5 =	vmax.f32 v6, v5  }
0x115: {  	s22 =	sadd.s32 $0xFFFFFFFF, s20;
	p0 =	por $0x1, $0x1;
	(xrf1) =	vsort.dscd.msk.f32 $0xffff, v5, v5;
	v5 =	vld [tilespmem:s21+$0x0]  }
0x116: {  	_ =	sdelay $0x8  }
0x117: {  	s20 =	simm.s32 $0x10  }
0x118: {  	v7 =	vor.u32 s20, v0;
	_ =	sdelay $0x2  }
0x119: {  	vm3 =	vlt.s32 v7, v4;
	v7, _, _ =	vpop (xrf1)  }
0x11a: {  	v5 =	vnsel vm3, $0x0, v5;
	v7 =	vperm.xlane v7, v1  }
0x11b: {  	(xrf1) =	vsort.dscd.msk.f32 $0xffff, v5, v5  }
0x11c: {  	v5 =	vmin.f32 v6, v7  }
0x11d: {  	(xrf1) =	vsort.dscd.msk.f32 $0xffff, v5, v5;
	_ =	sdelay $0xb  }
0x11e: {  	v5, _, _ =	vpop (xrf1)  }
0x11f: {  	v5 =	vperm.xlane v5, v1  }
0x120: {  	v8, _, _ =	vpop (xrf1)  }
0x121: {  	v5 =	vmax.f32 v8, v5  }
0x122: {  	(xrf1) =	vsort.dscd.msk.f32 $0xffff, v5, v5  }
0x123: {  	v5 =	vmax.f32 v6, v7  }
0x124: {  	(xrf1) =	vsort.dscd.msk.f32 $0xffff, v5, v5;
	_ =	sdelay $0x2  }
0x125: {  	p2 =	sne.s32 s22, $0x1  }
.Ltmp11:
0x126: {  	_ = 	snop;
	(pc) =	sbr.rel @!p2 .LBB2_20-.Ltmp11, $3  }
0x127: {  	_ =	sdelay $0x1  }
0x128: {  	s21 =	simm.s32 $0x8020  }
0x129: {  	s22 =	sadd.s32 $0xFFFFFFFF, s22;
	p1 =	por $0x1, $0x1;
	v5 =	vld [tilespmem:s21+$0x0]  }
.LBB2_19:
0x12a: {  	p2 =	sne.s32 s22, $0x1  }
0x12b: {  	s20 =	sadd.s32 $0x10, s20  }
0x12c: {  	v8 =	vor.u32 s20, v0  }
0x12d: {  	vm3 =	vlt.s32 v8, v4;
	v7, _, _ =	vpop (xrf1)  }
0x12e: {  	v8 =	vnsel vm3, $0x0, v5;
	v7 =	vperm.xlane v7, v1  }
0x12f: {  	(xrf1) =	vsort.dscd.msk.f32 $0xffff, v8, v8;
	v5, _, _ =	vpop (xrf1)  }
0x130: {  	v8 =	vmin.f32 v5, v7  }
0x131: {  	(xrf1) =	vsort.dscd.msk.f32 $0xffff, v8, v8;
	_ =	sdelay $0xb  }
0x132: {  	v8, _, _ =	vpop (xrf1)  }
0x133: {  	v8 =	vperm.xlane v8, v1  }
0x134: {  	v9, _, _ =	vpop (xrf1)  }
0x135: {  	v8 =	vmax.f32 v9, v8  }
0x136: {  	(xrf1) =	vsort.dscd.msk.f32 $0xffff, v8, v8  }
0x137: {  	v5 =	vmax.f32 v5, v7  }
0x138: {  	(xrf1) =	vsort.dscd.msk.f32 $0xffff, v5, v5;
	_ =	sdelay $0x3  }
.Ltmp12:
0x139: {  	(pc) =	sbr.rel @p2 .LBB2_19-.Ltmp12, $3  }
0x13a: {  	_ =	sdelay $0x1  }
0x13b: {  	s21 =	sadd.s32 $0x10, s21  }
0x13c: {  	s22 =	sadd.s32 $0xFFFFFFFF, s22;
	v5 =	vld [tilespmem:s21+$0x0]  }
.LBB2_20:
0x13d: {  	s20 =	sadd.s32 @p0 $0x10, s20  }
0x13e: {  	s19 =	smov.u32 @p0 s20  }
0x13f: {  	v7 =	vor.u32 s19, v0;
	_ =	sdelay $0x1  }
0x140: {  	v8, _, _ =	vpop @p0 (xrf1)  }
0x141: {  	vm3 =	vlt.s32 v7, v4;
	v4 =	vperm.xlane @p0 v8, v1;
	v7, _, _ =	vpop @p1 (xrf1)  }
0x142: {  	v5 =	vnsel vm3, $0x0, v5;
	v7 =	vpsel p1, v7, v6  }
0x143: {  	(xrf1) =	vsort.dscd.msk.f32 $0xffff, v5, v5;
	v5 =	vmin.f32 @p0 v7, v4  }
0x144: {  	(xrf1) =	vsort.dscd.msk.f32 @p0 $0xffff, v5, v5;
	_ =	sdelay $0xc  }
0x145: {  	v5, _, _ =	vpop (xrf1)  }
0x146: {  	v5 =	vperm.xlane v5, v1;
	v8, _, _ =	vpop @p0 (xrf1)  }
0x147: {  	v8 =	vpsel p0, v8, v6  }
0x148: {  	v5 =	vmax.f32 v8, v5  }
0x149: {  	v4 =	vmax.f32 @p0 v7, v4;
	(xrf1) =	vsort.dscd.msk.f32 $0xffff, v5, v5  }
0x14a: {  	(xrf1) =	vsort.dscd.msk.f32 @p0 $0xffff, v4, v4;
	_ =	sdelay $0xc  }
0x14b: {  	v4, _, _ =	vpop (xrf1)  }
0x14c: {  	v4 =	vperm.xlane v4, v1;
	v5, _, _ =	vpop @p0 (xrf1)  }
0x14d: {  	v5 =	vpsel p0, v5, v6  }
0x14e: {  	v7 =	vmin.f32 v5, v4  }
0x14f: {  	v4 =	vmax.f32 v5, v4;
	(xrf1) =	vsort.dscd.msk.f32 $0xffff, v7, v7  }
0x150: {  	(xrf1) =	vsort.dscd.msk.f32 $0xffff, v4, v4;
	_ =	sdelay $0xc  }
0x151: {  	v4, _, _ =	vpop (xrf1)  }
0x152: {  	v5, _, _ =	vpop (xrf1)  }
.LBB2_21:
0x153: {  	_ =	swait.ge [sflag:s14], $0x2000  }
0x154: {  	[sflag:s14] =	ssyncset.done $0x0  }
0x155: {  	s20 =	simm.s32 $0x480;
	[sflag:s14] =	ssyncadd.s32 $0xFFFFE000  }
0x156: {  	v7 =	vld [tilespmem:s20+$0x240]  }
0x157: {  	v9 =	vld [tilespmem:s20+$0x200]  }
0x158: {  	v8 =	vld [tilespmem:s20+$0x40]  }
0x159: {  	v10 =	vld [tilespmem:s20+$0x0]  }
0x15a: {  	v11 =	vld [tilespmem:s20+$0xFFFFFE40]  }
0x15b: {  	v15 =	vld [tilespmem:s20+$0xFFFFFE00]  }
0x15c: {  	v13 =	vld [tilespmem:s20+$0xFFFFFC40]  }
0x15d: {  	v16 =	vld [tilespmem:s20+$0xFFFFFC00]  }
0x15e: {  	v17 =	vld [tilespmem:s20+$0xFFFFFC10]  }
0x15f: {  	v18 =	vld [tilespmem:s20+$0xFFFFFC50]  }
0x160: {  	v19 =	vld [tilespmem:s20+$0xFFFFFE10]  }
0x161: {  	v14 =	vld [tilespmem:s20+$0xFFFFFE50]  }
0x162: {  	v12 =	vld [tilespmem:s20+$0x10]  }
0x163: {  	v16 =	vmax.f32 v6, v16;
	v17 =	vmax.f32 v6, v17;
	v6 =	vld [tilespmem:s20+$0x50]  }
0x164: {  	v16 =	vmax.f32 v16, v13;
	v17 =	vmax.f32 v17, v18;
	v13 =	vld [tilespmem:s20+$0x210]  }
0x165: {  	s19 =	simm.s32 $0x0;
	v16 =	vmax.f32 v16, v15;
	v17 =	vmax.f32 v17, v19;
	v15 =	vld [tilespmem:s20+$0x250];
	s20 =	simm.s32 $0xC80  }
.LBB2_22:
0x166: {  	v18 =	vld [tilespmem:s20+$0x240];
	v11 =	vmax.f32 v16, v11;
	v14 =	vmax.f32 v17, v14  }
0x167: {  	v16 =	vld [tilespmem:s20+$0x200];
	v10 =	vmax.f32 v11, v10;
	v11 =	vmax.f32 v14, v12  }
0x168: {  	v12 =	vmax.f32 v10, v8;
	v8 =	vld [tilespmem:s20+$0x40];
	v6 =	vmax.f32 v11, v6  }
0x169: {  	v10 =	vld [tilespmem:s20+$0x0];
	v9 =	vmax.f32 v12, v9;
	v6 =	vmax.f32 v6, v13  }
0x16a: {  	v11 =	vld [tilespmem:s20+$0xFFFFFE40];
	v13 =	vmax.f32 v9, v7;
	v6 =	vmax.f32 v6, v15  }
0x16b: {  	v15 =	vld [tilespmem:s20+$0xFFFFFE00];
	v7 =	vmov v18  }
0x16c: {  	v17 =	vld [tilespmem:s20+$0xFFFFFC40];
	v9 =	vmov v16  }
0x16d: {  	v16 =	vld [tilespmem:s20+$0xFFFFFC00]  }
0x16e: {  	s19 =	sadd.s32 $0x8, s19;
	v18 =	vld [tilespmem:s20+$0xFFFFFC10]  }
0x16f: {  	p0 =	slt.u32 s19, $0x78;
	v19 =	vld [tilespmem:s20+$0xFFFFFC50]  }
0x170: {  	v20 =	vld [tilespmem:s20+$0xFFFFFE10]  }
.Ltmp13:
0x171: {  	v14 =	vld [tilespmem:s20+$0xFFFFFE50];
	(pc) =	sbr.rel @p0 .LBB2_22-.Ltmp13, $4  }
0x172: {  	v12 =	vld [tilespmem:s20+$0x10]  }
0x173: {  	v13 =	vmax.f32 v13, v16;
	v16 =	vmax.f32 v6, v18;
	v6 =	vld [tilespmem:s20+$0x50]  }
0x174: {  	v17 =	vmax.f32 v13, v17;
	v18 =	vmax.f32 v16, v19;
	v13 =	vld [tilespmem:s20+$0x210]  }
0x175: {  	v16 =	vmax.f32 v17, v15;
	v17 =	vmax.f32 v18, v20;
	v15 =	vld [tilespmem:s20+$0x250];
	s20 =	sadd.s32 $0x800, s20  }
0x176: {  	v11 =	vmax.f32 v16, v11  }
0x177: {  	v14 =	vmax.f32 v17, v14;
	v10 =	vmax.f32 v11, v10  }
0x178: {  	v11 =	vmax.f32 v14, v12;
	v8 =	vmax.f32 v10, v8  }
0x179: {  	v6 =	vmax.f32 v11, v6;
	v8 =	vmax.f32 v8, v9  }
0x17a: {  	v6 =	vmax.f32 v6, v13;
	v7 =	vmax.f32 v8, v7  }
0x17b: {  	v6 =	vmax.f32 v6, v15;
	(xrf1) =	vsort.dscd.msk.f32 $0xffff, v7, v7  }
0x17c: {  	(xrf1) =	vsort.dscd.msk.f32 $0xffff, v6, v6;
	_ =	sdelay $0xc  }
0x17d: {  	v6, _, _ =	vpop (xrf1)  }
0x17e: {  	v7, _, _ =	vpop (xrf1)  }
0x17f: {  	v7 =	vperm.xlane v7, v1;
	_ =	sdelay $0x1  }
0x180: {  	v6 =	vmin.f32 v6, v7  }
0x181: {  	(xrf1) =	vsort.dscd.msk.f32 $0xffff, v6, v6;
	_ =	sdelay $0x9  }
0x182: {  	s19 =	simm.s32 $0xF0  }
0x183: {  	v18 =	vld [tilespmem:s19+$0xFFFFFFB0]  }
0x184: {  	v13 =	vld [tilespmem:s19+$0xFFFFFF90]  }
0x185: {  	v20 =	vld [tilespmem:s19+$0xFFFFFFC0]  }
0x186: {  	v15 =	vld [tilespmem:s19+$0xFFFFFFA0];
	v6, _, _ =	vpop (xrf1)  }
0x187: {  	v22 =	vld [tilespmem:s19+$0xFFFFFFD0];
	v9 =	vbroadcast v6, $0x3  }
0x188: {  	v8 =	vld [tilespmem:s19+$0x0]  }
0x189: {  	v7 =	vld [tilespmem:s19+$0xFFFFFFF0];
	vm8 =	vge.f32 v13, v9  }
0x18a: {  	v6 =	vld [tilespmem:s19+$0xFFFFFFE0];
	(xrf0) =	vadd.scan.msk.s32 vm8, v2  }
0x18b: {  	vm5 =	vge.f32 v15, v9  }
0x18c: {  	vm6 =	vge.f32 v18, v9;
	(xrf0) =	vadd.scan.msk.s32 vm5, v2  }
0x18d: {  	v11 =	vimm.s32 $0xFFFFFFFF;
	vm7 =	vge.f32 v20, v9;
	(xrf0) =	vadd.scan.msk.s32 vm6, v2  }
0x18e: {  	vm3 =	vge.f32 v22, v9;
	vm10 =	vge.f32 v7, v9;
	v10 =	vmpcnt.ones.xlane vm8;
	(xrf0) =	vadd.scan.msk.s32 vm7, v2  }
0x18f: {  	vm9 =	vge.f32 v8, v9;
	v12 =	vmpcnt.ones.xlane vm5;
	vm4 =	vge.f32 v6, v9;
	(xrf0) =	vadd.scan.msk.s32 vm3, v2  }
0x190: {  	v14 =	vmpcnt.ones.xlane vm6;
	v16 =	vmpcnt.ones.xlane vm7;
	v10 =	vadd.s32 v11, v10;
	(xrf0) =	vadd.scan.msk.s32 vm4, v2;
	v17, _, _ =	vpop (xrf0)  }
0x191: {  	v12 =	vadd.s32 v10, v12;
	(xrf0) =	vadd.scan.msk.s32 vm10, v2;
	v21 =	vadd.s32 v11, v17;
	v17 =	vmpcnt.ones.xlane vm4  }
0x192: {  	s19 =	simm.s32 $0x2F0;
	v19 =	vadd.s32 v12, v14;
	v14 =	vmpcnt.ones.xlane vm3;
	v11, _, _ =	vpop (xrf0);
	(xrf0) =	vadd.scan.msk.s32 vm9, v2  }
0x193: {  	v16 =	vadd.s32 v19, v16;
	v23 =	vadd.s32 v10, v11;
	v11, _, _ =	vpop (xrf0);
	v10 =	vld [tilespmem:s19+$0xFFFFFF90]  }
0x194: {  	v25 =	vmpcnt.ones.xlane vm10;
	v24 =	vadd.s32 v16, v14;
	v26 =	vadd.s32 v12, v11;
	v11, _, _ =	vpop (xrf0)  }
0x195: {  	v14 =	vld [tilespmem:s19+$0xFFFFFFA0];
	v27 =	vadd.s32 v24, v17;
	v12 =	vmpcnt.ones.xlane vm9;
	v28 =	vadd.s32 v19, v11;
	v17, _, _ =	vpop (xrf0)  }
0x196: {  	v25 =	vadd.s32 v27, v25;
	v11 =	vld [tilespmem:s19+$0xFFFFFFB0];
	v29 =	vadd.s32 v16, v17;
	v16, _, _ =	vpop (xrf0)  }
0x197: {  	vm11 =	vmmov vm9;
	v17 =	vadd.s32 v25, v12;
	v12 =	vld [tilespmem:s19+$0xFFFFFFC0];
	[tilespmem:v21+s13+$0x0] =	vst.idx.msk vm8, v13;
	v19, _, _ =	vpop (xrf0)  }
0x198: {  	vm10 =	vmmov vm10;
	vm4 =	vmmov vm4;
	v13 =	vld [tilespmem:s19+$0xFFFFFFD0];
	[tilespmem:v23+s13+$0x0] =	vst.idx.msk vm5, v15;
	vm5 =	vge.f32 v10, v9;
	v15, _, _ =	vpop (xrf0)  }
0x199: {  	v16 =	vadd.s32 v24, v16;
	[tilespmem:v26+s13+$0x0] =	vst.idx.msk vm6, v18;
	v23 =	vmpcnt.ones.xlane vm5;
	v21 =	vadd.s32 v25, v15;
	v15 =	vld [tilespmem:s19+$0xFFFFFFE0]  }
0x19a: {  	v19 =	vadd.s32 v27, v19;
	vm6 =	vge.f32 v14, v9;
	(xrf0) =	vadd.scan.msk.s32 vm5, v2;
	v18 =	vld [tilespmem:s19+$0xFFFFFFF0];
	[tilespmem:v28+s13+$0x0] =	vst.idx.msk vm7, v20  }
0x19b: {  	v24 =	vmpcnt.ones.xlane vm6;
	vm7 =	vge.f32 v11, v9;
	(xrf0) =	vadd.scan.msk.s32 vm6, v2;
	v20 =	vld [tilespmem:s19+$0x0];
	v23 =	vadd.s32 v17, v23  }
0x19c: {  	v25 =	vmpcnt.ones.xlane vm7;
	(xrf0) =	vadd.scan.msk.s32 vm7, v2;
	[tilespmem:v29+s13+$0x0] =	vst.idx.msk vm3, v22;
	vm8 =	vge.f32 v12, v9  }
0x19d: {  	s20 =	simm.s32 $0x8;
	v22 =	vadd.s32 v23, v24;
	vm9 =	vge.f32 v13, v9;
	v24 =	vmpcnt.ones.xlane vm8;
	(xrf0) =	vadd.scan.msk.s32 vm8, v2  }
.LBB2_24:
0x19e: {  	s20 =	sadd.s32 $0x8, s20;
	v25 =	vadd.s32 v22, v25;
	v26 =	vmpcnt.ones.xlane vm9;
	vm3 =	vge.f32 v15, v9;
	(xrf0) =	vadd.scan.msk.s32 vm9, v2  }
0x19f: {  	p0 =	slt.u32 s20, $0x1F8;
	v24 =	vadd.s32 v25, v24;
	v27 =	vmpcnt.ones.xlane vm3;
	vm12 =	vge.f32 v18, v9;
	(xrf0) =	vadd.scan.msk.s32 vm3, v2  }
0x1a0: {  	v26 =	vadd.s32 v24, v26;
	v28 =	vmpcnt.ones.xlane vm12;
	vm13 =	vge.f32 v20, v9;
	v29, _, _ =	vpop (xrf0);
	(xrf0) =	vadd.scan.msk.s32 vm12, v2  }
0x1a1: {  	v29 =	vadd.s32 v17, v29;
	v27 =	vadd.s32 v26, v27;
	v17 =	vmpcnt.ones.xlane vm13;
	v30, _, _ =	vpop (xrf0);
	(xrf0) =	vadd.scan.msk.s32 vm13, v2  }
0x1a2: {  	s19 =	sadd.s32 $0x200, s19;
	v23 =	vadd.s32 v23, v30;
	v28 =	vadd.s32 v27, v28;
	v30, _, _ =	vpop (xrf0);
	[tilespmem:v21+s13+$0x0] =	vst.idx.msk vm11, v8;
	v8 =	vmov v20  }
0x1a3: {  	v20 =	vld [tilespmem:s19+$0xFFFFFF90];
	v21 =	vadd.s32 v22, v30;
	v17 =	vadd.s32 v28, v17;
	v22, _, _ =	vpop (xrf0);
	[tilespmem:v19+s13+$0x0] =	vst.idx.msk vm10, v7;
	v7 =	vmov v18  }
0x1a4: {  	v30 =	vld [tilespmem:s19+$0xFFFFFFA0];
	v22 =	vadd.s32 v25, v22;
	v18, _, _ =	vpop (xrf0);
	[tilespmem:v16+s13+$0x0] =	vst.idx.msk vm4, v6;
	v6 =	vmov v15;
	vm4 =	vmmov vm3  }
0x1a5: {  	vm11 =	vmmov vm13;
	vm10 =	vmmov vm12;
	v25 =	vld [tilespmem:s19+$0xFFFFFFB0];
	v24 =	vadd.s32 v24, v18;
	v15, _, _ =	vpop (xrf0)  }
0x1a6: {  	v31 =	vld [tilespmem:s19+$0xFFFFFFC0];
	[tilespmem:v29+s13+$0x0] =	vst.idx.msk vm5, v10;
	v16 =	vadd.s32 v26, v15;
	v10, _, _ =	vpop (xrf0)  }
0x1a7: {  	v26 =	vld [tilespmem:s19+$0xFFFFFFD0];
	[tilespmem:v23+s13+$0x0] =	vst.idx.msk vm6, v14;
	v19 =	vadd.s32 v27, v10;
	v10, _, _ =	vpop (xrf0)  }
.Ltmp14:
0x1a8: {  	vm5 =	vge.f32 v20, v9;
	v15 =	vld [tilespmem:s19+$0xFFFFFFE0];
	[tilespmem:v21+s13+$0x0] =	vst.idx.msk vm7, v11;
	v21 =	vadd.s32 v28, v10;
	v10 =	vmov v20;
	(pc) =	sbr.rel @p0 .LBB2_24-.Ltmp14, $4  }
0x1a9: {  	v23 =	vmpcnt.ones.xlane vm5;
	vm6 =	vge.f32 v30, v9;
	v18 =	vld [tilespmem:s19+$0xFFFFFFF0];
	(xrf0) =	vadd.scan.msk.s32 vm5, v2;
	[tilespmem:v22+s13+$0x0] =	vst.idx.msk vm8, v12;
	v14 =	vmovc v30  }
0x1aa: {  	v22 =	vmpcnt.ones.xlane vm6;
	vm7 =	vge.f32 v25, v9;
	v20 =	vld [tilespmem:s19+$0x0];
	(xrf0) =	vadd.scan.msk.s32 vm6, v2;
	[tilespmem:v24+s13+$0x0] =	vst.idx.msk vm9, v13;
	v11 =	vmovc v25  }
0x1ab: {  	v23 =	vadd.s32 v17, v23;
	v25 =	vmpcnt.ones.xlane vm7;
	vm8 =	vge.f32 v31, v9;
	(xrf0) =	vadd.scan.msk.s32 vm7, v2;
	v12 =	vmovc v31  }
0x1ac: {  	v22 =	vadd.s32 v23, v22;
	v24 =	vmpcnt.ones.xlane vm8;
	vm9 =	vge.f32 v26, v9;
	(xrf0) =	vadd.scan.msk.s32 vm8, v2;
	v13 =	vmovc v26  }
0x1ad: {  	v26 =	vand.u32 $0x7FFFFF, v5  }
0x1ae: {  	v26 =	vor.u32 $0x3F800000, v26  }
0x1af: {  	v27 =	vadd.f32 $1.000000000e+00, v26;
	_ =	sdelay $0x1  }
0x1b0: {  	(erf) = vrcp.f32 v27;
	_ =	sdelay $0x7  }
0x1b1: {  	v26 =	vadd.f32 $-1.000000000e+00, v26  }
0x1b2: {  	v27 =	vpop (erf)  }
0x1b3: {  	v26 =	vmul.f32 v27, v26;
	_ =	sdelay $0x1  }
0x1b4: {  	v27 =	vmul.f32 v26, v26;
	_ =	sdelay $0x1  }
0x1b5: {  	v28 =	vmul.f32 $1.428571490e-01, v27;
	_ =	sdelay $0x1  }
0x1b6: {  	v28 =	vadd.f32 $2.000000030e-01, v28;
	_ =	sdelay $0x1  }
0x1b7: {  	v28 =	vmul.f32 v28, v27;
	_ =	sdelay $0x1  }
0x1b8: {  	v28 =	vadd.f32 $3.333333430e-01, v28;
	_ =	sdelay $0x1  }
0x1b9: {  	v29 =	vshra.s32 v5, $0x17;
	v27 =	vmul.f32 v28, v27  }
0x1ba: {  	v41 =	vadd.s32 $0xFFFFFF81, v29  }
0x1bb: {  	v26 =	vadd.f32 v26, v26;
	v28 =	vcvt.s32.f32 v41;
	v27 =	vadd.f32 $1.000000000e+00, v27;
	_ =	sdelay $0x1  }
0x1bc: {  	v28 =	vmul.f32 $6.931471820e-01, v28;
	v26 =	vmul.f32 v27, v26;
	_ =	sdelay $0x1  }
0x1bd: {  	v26 =	vadd.f32 v26, v28;
	_ =	sdelay $0x1  }
0x1be: {  	v26 =	vmul.f32 v26, v3;
	_ =	sdelay $0x1  }
0x1bf: {  	v26 =	vmul.f32 $1.442695020e+00, v26;
	_ =	sdelay $0x1  }
0x1c0: {  	(erf) = vpow2.f32 v26;
	_ =	sdelay $0x8  }
0x1c1: {  	v26 =	vpop (erf)  }
0x1c2: {  	v26 =	vmin.f32 v26, $9.999998800e-01  }
0x1c3: {  	v26 =	vsub.f32 $1.000000000e+00, v26  }
0x1c4: {  	vm3 =	vgt.f32 v5, $0.0e+00  }
0x1c5: {  	v5 =	vnsel vm3, $0x3F800000, v26  }
0x1c6: {  	v26 =	vand.u32 $0x7FFFFF, v5  }
0x1c7: {  	v42 =	vand.u32 $0x7FFFFF, v4;
	v26 =	vor.u32 $0x3F800000, v26  }
0x1c8: {  	v27 =	vor.u32 $0x3F800000, v42;
	v43 =	vadd.f32 $1.000000000e+00, v26  }
0x1c9: {  	v44 =	vadd.f32 $1.000000000e+00, v27  }
0x1ca: {  	(erf) = vrcp.f32 v43  }
0x1cb: {  	(erf) = vrcp.f32 v44;
	_ =	sdelay $0x7  }
0x1cc: {  	v27 =	vadd.f32 $-1.000000000e+00, v27;
	v28 =	vpop (erf)  }
0x1cd: {  	v29 =	vpop (erf)  }
0x1ce: {  	v27 =	vmul.f32 v29, v27;
	_ =	sdelay $0x1  }
0x1cf: {  	v29 =	vmul.f32 v27, v27;
	_ =	sdelay $0x1  }
0x1d0: {  	v30 =	vmul.f32 $1.428571490e-01, v29;
	_ =	sdelay $0x1  }
0x1d1: {  	v30 =	vadd.f32 $2.000000030e-01, v30;
	_ =	sdelay $0x1  }
0x1d2: {  	v30 =	vmul.f32 v30, v29;
	_ =	sdelay $0x1  }
0x1d3: {  	v30 =	vadd.f32 $3.333333430e-01, v30;
	_ =	sdelay $0x1  }
0x1d4: {  	v31 =	vshra.s32 v4, $0x17;
	v29 =	vmul.f32 v30, v29  }
0x1d5: {  	v45 =	vadd.s32 $0xFFFFFF81, v31  }
0x1d6: {  	v27 =	vadd.f32 v27, v27;
	v30 =	vcvt.s32.f32 v45;
	v29 =	vadd.f32 $1.000000000e+00, v29;
	_ =	sdelay $0x1  }
0x1d7: {  	v30 =	vmul.f32 $6.931471820e-01, v30;
	v27 =	vmul.f32 v29, v27;
	_ =	sdelay $0x1  }
0x1d8: {  	v27 =	vadd.f32 v27, v30;
	_ =	sdelay $0x1  }
0x1d9: {  	v27 =	vmul.f32 v27, v3;
	_ =	sdelay $0x1  }
0x1da: {  	v27 =	vmul.f32 $1.442695020e+00, v27;
	_ =	sdelay $0x1  }
0x1db: {  	(erf) = vpow2.f32 v27;
	_ =	sdelay $0x8  }
0x1dc: {  	v27 =	vpop (erf)  }
0x1dd: {  	v27 =	vmin.f32 v27, $9.999998800e-01  }
0x1de: {  	v27 =	vsub.f32 $1.000000000e+00, v27  }
0x1df: {  	vm3 =	vgt.f32 v4, $0.0e+00  }
0x1e0: {  	v4 =	vnsel vm3, $0x3F800000, v27  }
0x1e1: {  	v27 =	vand.u32 $0x7FFFFF, v4  }
0x1e2: {  	v27 =	vor.u32 $0x3F800000, v27  }
0x1e3: {  	v46 =	vadd.f32 $1.000000000e+00, v27;
	_ =	sdelay $0x1  }
0x1e4: {  	(erf) = vrcp.f32 v46;
	_ =	sdelay $0x7  }
0x1e5: {  	v27 =	vadd.f32 $-1.000000000e+00, v27  }
0x1e6: {  	v26 =	vadd.f32 $-1.000000000e+00, v26;
	v47 =	vpop (erf)  }
0x1e7: {  	v27 =	vmul.f32 v47, v27  }
0x1e8: {  	v26 =	vmul.f32 v28, v26  }
0x1e9: {  	v49 =	vmul.f32 v27, v27  }
0x1ea: {  	v48 =	vmul.f32 v26, v26  }
0x1eb: {  	v51 =	vmul.f32 $1.428571490e-01, v49  }
0x1ec: {  	v50 =	vmul.f32 $1.428571490e-01, v48  }
0x1ed: {  	v31 =	vadd.f32 $2.000000030e-01, v51  }
0x1ee: {  	v30 =	vadd.f32 $2.000000030e-01, v50  }
0x1ef: {  	v31 =	vmul.f32 v31, v49  }
0x1f0: {  	v30 =	vmul.f32 v30, v48  }
0x1f1: {  	v25 =	vadd.s32 v22, v25;
	vm12 =	vge.f32 v15, v9;
	v31 =	vadd.f32 $3.333333430e-01, v31  }
0x1f2: {  	v52 =	vmpcnt.ones.xlane vm9;
	v53 =	vmpcnt.ones.xlane vm12;
	v30 =	vadd.f32 $3.333333430e-01, v30  }
0x1f3: {  	v5 =	vshra.s32 v5, $0x17;
	v4 =	vshra.s32 v4, $0x17;
	v29 =	vmul.f32 v31, v49  }
0x1f4: {  	v5 =	vadd.s32 $0xFFFFFF81, v5;
	v28 =	vmul.f32 v30, v48;
	v4 =	vadd.s32 $0xFFFFFF81, v4  }
0x1f5: {  	v4 =	vcvt.s32.f32 v4;
	v27 =	vadd.f32 v27, v27;
	v29 =	vadd.f32 $1.000000000e+00, v29  }
0x1f6: {  	v5 =	vcvt.s32.f32 v5;
	v26 =	vadd.f32 v26, v26;
	v28 =	vadd.f32 $1.000000000e+00, v28  }
0x1f7: {  	v24 =	vadd.s32 v25, v24;
	v4 =	vmul.f32 $6.931471820e-01, v4;
	v27 =	vmul.f32 v29, v27  }
0x1f8: {  	vm13 =	vge.f32 v18, v9;
	v5 =	vmul.f32 $6.931471820e-01, v5;
	v26 =	vmul.f32 v28, v26  }
0x1f9: {  	v54 =	vadd.s32 v24, v52;
	v55 =	vmpcnt.ones.xlane vm13;
	v4 =	vadd.f32 v27, v4  }
0x1fa: {  	vm14 =	vge.f32 v20, v9;
	v5 =	vadd.f32 v26, v5;
	vm3 =	vmmov $0xf  }
0x1fb: {  	v9 =	vmpcnt.ones.xlane vm14;
	v28 =	vadd.s32 v54, v53;
	v4 =	vnsel vm3, $0x0, v4  }
0x1fc: {  	v4 =	vadd.f32 v4, v5;
	v5 =	vadd.s32 v28, v55  }
0x1fd: {  	v9 =	vadd.s32 v5, v9  }
0x1fe: {  	(v2sf) =	vpush v9, $0x0;
	_ =	sdelay $0x2  }
0x1ff: {  	(xrf2) =	vadd.scan.msk.f32 $0xffff, v4;
	_ =	sdelay $0x7  }
0x200: {  	(xrf0) =	vadd.scan.msk.s32 vm9, v2  }
0x201: {  	(xrf0) =	vadd.scan.msk.s32 vm12, v2;
	v4, _, _ =	vpop (xrf0)  }
0x202: {  	(xrf0) =	vadd.scan.msk.s32 vm13, v2;
	v57, _, _ =	vpop (xrf2)  }
0x203: {  	v56, _, _ =	vpop (xrf0);
	(xrf0) =	vadd.scan.msk.s32 vm14, v2;
	v29 =	vmul.f32 $1.442695020e+00, v57  }
0x204: {  	v4 =	vadd.s32 v17, v4;
	v58, _, _ =	vpop (xrf0);
	s19 =	spop (v2sf)  }
0x205: {  	v23 =	vadd.s32 v23, v56;
	v59, _, _ =	vpop (xrf0);
	v29 =	vbroadcast v29, $0xF;
	s20 =	sadd.s32 $0x10, s19;
	s19 =	sand.u32 $0xF, s19  }
0x206: {  	[tilespmem:v21+s13+$0x0] =	vst.idx.msk vm11, v8;
	v8 =	vadd.s32 v22, v58;
	v60, _, _ =	vpop (xrf0);
	s21 =	sshra.s32 s20, $0x1F;
	p0 =	slt.s32 s20, $0x1;
	p1 =	sne.s32 s19, $0x0  }
0x207: {  	[tilespmem:v19+s13+$0x0] =	vst.idx.msk vm10, v7;
	v7 =	vadd.s32 v25, v59;
	v61, _, _ =	vpop (xrf0);
	(erf) = vpow2.f32 v29;
	s31 =	sshrl.u32 s21, $0x1C;
	p0 =	por !p0, !p1  }
0x208: {  	[tilespmem:v16+s13+$0x0] =	vst.idx.msk vm4, v6;
	v6 =	vadd.s32 v24, v60;
	v62, _, _ =	vpop (xrf0);
	s19 =	sadd.s32 s31, s20;
	p0 =	por !p0, !p0;
	s20 =	simm.s32 $0x1  }
0x209: {  	[tilespmem:v4+s13+$0x0] =	vst.idx.msk vm5, v10;
	v10 =	vadd.s32 v54, v61;
	v63, _, _ =	vpop (xrf0);
	s19 =	sshra.s32 s19, $0x4;
	s20 =	simm.s32 @!p0 $0x0  }
0x20a: {  	[tilespmem:v23+s13+$0x0] =	vst.idx.msk vm6, v14;
	v4 =	vadd.s32 v5, v63;
	s20 =	ssub.s32 s19, s20  }
0x20b: {  	v5 =	vadd.s32 v28, v62;
	[tilespmem:v8+s13+$0x0] =	vst.idx.msk vm7, v11;
	p0 =	slt.s32 s20, $0x1  }
.Ltmp15:
0x20c: {  	[tilespmem:v7+s13+$0x0] =	vst.idx.msk vm8, v12;
	(pc) =	sbr.rel @p0 .LBB2_33-.Ltmp15, $4  }
0x20d: {  	[tilespmem:v6+s13+$0x0] =	vst.idx.msk vm9, v13  }
0x20e: {  	[tilespmem:v10+s13+$0x0] =	vst.idx.msk vm12, v15  }
0x20f: {  	vm15 =	vmmov vm13;
	vm4 =	vmmov vm14;
	vm5 =	vmmov vm12;
	[tilespmem:v4+s13+$0x0] =	vst.idx.msk vm14, v20  }
0x210: {  	v6 =	vimm.f32 $0.0e+00;
	[tilespmem:v5+s13+$0x0] =	vst.idx.msk vm13, v18;
	v4 =	vimm.f32 $0.0e+00;
	v5 =	vimm.f32 $0.0e+00;
	v7 =	vpop (erf)  }
0x211: {  	p2 =	sne.s32 s20, $0x1  }
.Ltmp16:
0x212: {  	_ = 	snop;
	(pc) =	sbr.rel @!p2 .LBB2_27-.Ltmp16, $3  }
0x213: {  	_ =	sdelay $0x1  }
0x214: {  	s21 =	simm.s32 $0x8000;
	s19 =	simm.s32 $0x0  }
0x215: {  	v5 =	vadd.s32 $0x1, v9;
	s20 =	sadd.s32 $0xFFFFFFFF, s20;
	p0 =	por $0x0, $0x0;
	p1 =	por $0x0, $0x0;
	v6 =	vld [tilespmem:s21+$0x0]  }
0x216: {  	_ =	sdelay $0x1  }
0x217: {  	v8 =	vor.u32 s19, v0  }
0x218: {  	vm4 =	vlt.s32 v8, v5  }
0x219: {  	v6 =	vnsel vm4, $0x0, v6  }
0x21a: {  	(xrf1) =	vsort.dscd.msk.f32 $0xffff, v6, v6;
	_ =	sdelay $0xc  }
0x21b: {  	p2 =	sne.s32 s20, $0x1  }
.Ltmp17:
0x21c: {  	v6, _, _ =	vpop (xrf1);
	(pc) =	sbr.rel @!p2 .LBB2_29-.Ltmp17, $3  }
0x21d: {  	v6 =	vperm.xlane v6, v1;
	_ =	sdelay $0x1  }
0x21e: {  	s21 =	simm.s32 $0x8010;
	v6 =	vmax.f32 v4, v6  }
0x21f: {  	s22 =	sadd.s32 $0xFFFFFFFF, s20;
	p0 =	por $0x1, $0x1;
	(xrf1) =	vsort.dscd.msk.f32 $0xffff, v6, v6;
	v6 =	vld [tilespmem:s21+$0x0]  }
0x220: {  	_ =	sdelay $0x8  }
0x221: {  	s20 =	simm.s32 $0x10  }
0x222: {  	v8 =	vor.u32 s20, v0;
	_ =	sdelay $0x2  }
0x223: {  	vm4 =	vlt.s32 v8, v5;
	v8, _, _ =	vpop (xrf1)  }
0x224: {  	v6 =	vnsel vm4, $0x0, v6;
	v8 =	vperm.xlane v8, v1  }
0x225: {  	(xrf1) =	vsort.dscd.msk.f32 $0xffff, v6, v6  }
0x226: {  	v6 =	vmin.f32 v4, v8  }
0x227: {  	(xrf1) =	vsort.dscd.msk.f32 $0xffff, v6, v6;
	_ =	sdelay $0xb  }
0x228: {  	v6, _, _ =	vpop (xrf1)  }
0x229: {  	v6 =	vperm.xlane v6, v1  }
0x22a: {  	v9, _, _ =	vpop (xrf1)  }
0x22b: {  	v6 =	vmax.f32 v9, v6  }
0x22c: {  	(xrf1) =	vsort.dscd.msk.f32 $0xffff, v6, v6  }
0x22d: {  	v6 =	vmax.f32 v4, v8  }
0x22e: {  	(xrf1) =	vsort.dscd.msk.f32 $0xffff, v6, v6;
	_ =	sdelay $0x2  }
0x22f: {  	p2 =	sne.s32 s22, $0x1  }
.Ltmp18:
0x230: {  	_ = 	snop;
	(pc) =	sbr.rel @!p2 .LBB2_32-.Ltmp18, $3  }
0x231: {  	_ =	sdelay $0x1  }
0x232: {  	s21 =	simm.s32 $0x8020  }
0x233: {  	s22 =	sadd.s32 $0xFFFFFFFF, s22;
	p1 =	por $0x1, $0x1;
	v6 =	vld [tilespmem:s21+$0x0]  }
.LBB2_31:
0x234: {  	p2 =	sne.s32 s22, $0x1  }
0x235: {  	s20 =	sadd.s32 $0x10, s20  }
0x236: {  	v9 =	vor.u32 s20, v0  }
0x237: {  	vm4 =	vlt.s32 v9, v5;
	v8, _, _ =	vpop (xrf1)  }
0x238: {  	v9 =	vnsel vm4, $0x0, v6;
	v8 =	vperm.xlane v8, v1  }
0x239: {  	(xrf1) =	vsort.dscd.msk.f32 $0xffff, v9, v9;
	v6, _, _ =	vpop (xrf1)  }
0x23a: {  	v9 =	vmin.f32 v6, v8  }
0x23b: {  	(xrf1) =	vsort.dscd.msk.f32 $0xffff, v9, v9;
	_ =	sdelay $0xb  }
0x23c: {  	v9, _, _ =	vpop (xrf1)  }
0x23d: {  	v9 =	vperm.xlane v9, v1  }
0x23e: {  	v10, _, _ =	vpop (xrf1)  }
0x23f: {  	v9 =	vmax.f32 v10, v9  }
0x240: {  	(xrf1) =	vsort.dscd.msk.f32 $0xffff, v9, v9  }
0x241: {  	v6 =	vmax.f32 v6, v8  }
0x242: {  	(xrf1) =	vsort.dscd.msk.f32 $0xffff, v6, v6;
	_ =	sdelay $0x3  }
.Ltmp19:
0x243: {  	(pc) =	sbr.rel @p2 .LBB2_31-.Ltmp19, $3  }
0x244: {  	_ =	sdelay $0x1  }
0x245: {  	s21 =	sadd.s32 $0x10, s21  }
0x246: {  	s22 =	sadd.s32 $0xFFFFFFFF, s22;
	v6 =	vld [tilespmem:s21+$0x0]  }
.LBB2_32:
0x247: {  	s20 =	sadd.s32 @p0 $0x10, s20  }
0x248: {  	s19 =	smov.u32 @p0 s20  }
0x249: {  	v8 =	vor.u32 s19, v0;
	_ =	sdelay $0x1  }
0x24a: {  	v9, _, _ =	vpop @p0 (xrf1)  }
0x24b: {  	vm4 =	vlt.s32 v8, v5;
	v5 =	vperm.xlane @p0 v9, v1;
	v8, _, _ =	vpop @p1 (xrf1)  }
0x24c: {  	v6 =	vnsel vm4, $0x0, v6;
	v8 =	vpsel p1, v8, v4  }
0x24d: {  	(xrf1) =	vsort.dscd.msk.f32 $0xffff, v6, v6;
	v6 =	vmin.f32 @p0 v8, v5  }
0x24e: {  	(xrf1) =	vsort.dscd.msk.f32 @p0 $0xffff, v6, v6;
	_ =	sdelay $0xc  }
0x24f: {  	v6, _, _ =	vpop (xrf1)  }
0x250: {  	v6 =	vperm.xlane v6, v1;
	v9, _, _ =	vpop @p0 (xrf1)  }
0x251: {  	v9 =	vpsel p0, v9, v4  }
0x252: {  	v6 =	vmax.f32 v9, v6  }
0x253: {  	v5 =	vmax.f32 @p0 v8, v5;
	(xrf1) =	vsort.dscd.msk.f32 $0xffff, v6, v6  }
0x254: {  	(xrf1) =	vsort.dscd.msk.f32 @p0 $0xffff, v5, v5;
	_ =	sdelay $0xc  }
0x255: {  	v5, _, _ =	vpop (xrf1)  }
0x256: {  	v5 =	vperm.xlane v5, v1;
	v6, _, _ =	vpop @p0 (xrf1)  }
0x257: {  	v6 =	vpsel p0, v6, v4  }
0x258: {  	v8 =	vmin.f32 v6, v5  }
0x259: {  	v5 =	vmax.f32 v6, v5;
	(xrf1) =	vsort.dscd.msk.f32 $0xffff, v8, v8  }
0x25a: {  	(xrf1) =	vsort.dscd.msk.f32 $0xffff, v5, v5;
	_ =	sdelay $0xc  }
0x25b: {  	v5, _, _ =	vpop (xrf1)  }
0x25c: {  	v6, _, _ =	vpop (xrf1)  }
.LBB2_33:
0x25d: {  	_ =	swait.ge [sflag:s15], $0x2000  }
0x25e: {  	[sflag:s15] =	ssyncset.done $0x0  }
0x25f: {  	s20 =	simm.s32 $0x500;
	[sflag:s15] =	ssyncadd.s32 $0xFFFFE000  }
0x260: {  	v8 =	vld [tilespmem:s20+$0x240]  }
0x261: {  	v10 =	vld [tilespmem:s20+$0x200]  }
0x262: {  	v9 =	vld [tilespmem:s20+$0x40]  }
0x263: {  	v11 =	vld [tilespmem:s20+$0x0]  }
0x264: {  	v12 =	vld [tilespmem:s20+$0xFFFFFE40]  }
0x265: {  	v16 =	vld [tilespmem:s20+$0xFFFFFE00]  }
0x266: {  	v15 =	vld [tilespmem:s20+$0xFFFFFC40]  }
0x267: {  	v17 =	vld [tilespmem:s20+$0xFFFFFC00]  }
0x268: {  	v18 =	vld [tilespmem:s20+$0xFFFFFC10]  }
0x269: {  	v19 =	vld [tilespmem:s20+$0xFFFFFC50]  }
0x26a: {  	v20 =	vld [tilespmem:s20+$0xFFFFFE10]  }
0x26b: {  	v14 =	vld [tilespmem:s20+$0xFFFFFE50]  }
0x26c: {  	v13 =	vld [tilespmem:s20+$0x10]  }
0x26d: {  	v21 =	vsub.f32 $1.000000000e+00, v7;
	v7 =	vld [tilespmem:s20+$0x50];
	v17 =	vmax.f32 v4, v17;
	v4 =	vmax.f32 v4, v18  }
0x26e: {  	vm4 =	vmmov $0x1;
	v17 =	vmax.f32 v17, v15;
	v18 =	vmax.f32 v4, v19;
	v15 =	vld [tilespmem:s20+$0x210]  }
0x26f: {  	s19 =	simm.s32 $0x0;
	v4 =	vnsel vm4, $0x0, v21;
	v17 =	vmax.f32 v17, v16;
	v18 =	vmax.f32 v18, v20;
	v16 =	vld [tilespmem:s20+$0x250];
	s20 =	simm.s32 $0xD00  }
.LBB2_34:
0x270: {  	v19 =	vld [tilespmem:s20+$0x240];
	v12 =	vmax.f32 v17, v12;
	v14 =	vmax.f32 v18, v14  }
0x271: {  	v17 =	vld [tilespmem:s20+$0x200];
	v11 =	vmax.f32 v12, v11;
	v12 =	vmax.f32 v14, v13  }
0x272: {  	v13 =	vmax.f32 v11, v9;
	v9 =	vld [tilespmem:s20+$0x40];
	v7 =	vmax.f32 v12, v7  }
0x273: {  	v11 =	vld [tilespmem:s20+$0x0];
	v10 =	vmax.f32 v13, v10;
	v7 =	vmax.f32 v7, v15  }
0x274: {  	v12 =	vld [tilespmem:s20+$0xFFFFFE40];
	v15 =	vmax.f32 v10, v8;
	v7 =	vmax.f32 v7, v16  }
0x275: {  	v16 =	vld [tilespmem:s20+$0xFFFFFE00];
	v8 =	vmov v19  }
0x276: {  	v18 =	vld [tilespmem:s20+$0xFFFFFC40];
	v10 =	vmov v17  }
0x277: {  	v17 =	vld [tilespmem:s20+$0xFFFFFC00]  }
0x278: {  	s19 =	sadd.s32 $0x8, s19;
	v19 =	vld [tilespmem:s20+$0xFFFFFC10]  }
0x279: {  	p0 =	slt.u32 s19, $0x78;
	v20 =	vld [tilespmem:s20+$0xFFFFFC50]  }
0x27a: {  	v21 =	vld [tilespmem:s20+$0xFFFFFE10]  }
.Ltmp20:
0x27b: {  	v14 =	vld [tilespmem:s20+$0xFFFFFE50];
	(pc) =	sbr.rel @p0 .LBB2_34-.Ltmp20, $4  }
0x27c: {  	v13 =	vld [tilespmem:s20+$0x10]  }
0x27d: {  	v15 =	vmax.f32 v15, v17;
	v17 =	vmax.f32 v7, v19;
	v7 =	vld [tilespmem:s20+$0x50]  }
0x27e: {  	v18 =	vmax.f32 v15, v18;
	v19 =	vmax.f32 v17, v20;
	v15 =	vld [tilespmem:s20+$0x210]  }
0x27f: {  	v17 =	vmax.f32 v18, v16;
	v18 =	vmax.f32 v19, v21;
	v16 =	vld [tilespmem:s20+$0x250];
	s20 =	sadd.s32 $0x800, s20  }
0x280: {  	v12 =	vmax.f32 v17, v12  }
0x281: {  	v14 =	vmax.f32 v18, v14;
	v11 =	vmax.f32 v12, v11  }
0x282: {  	v12 =	vmax.f32 v14, v13;
	v9 =	vmax.f32 v11, v9  }
0x283: {  	v7 =	vmax.f32 v12, v7;
	v9 =	vmax.f32 v9, v10  }
0x284: {  	v7 =	vmax.f32 v7, v15;
	v8 =	vmax.f32 v9, v8  }
0x285: {  	v7 =	vmax.f32 v7, v16;
	(xrf1) =	vsort.dscd.msk.f32 $0xffff, v8, v8  }
0x286: {  	(xrf1) =	vsort.dscd.msk.f32 $0xffff, v7, v7;
	_ =	sdelay $0xc  }
0x287: {  	v7, _, _ =	vpop (xrf1)  }
0x288: {  	v8, _, _ =	vpop (xrf1)  }
0x289: {  	v8 =	vperm.xlane v8, v1;
	_ =	sdelay $0x1  }
0x28a: {  	v7 =	vmin.f32 v7, v8  }
0x28b: {  	(xrf1) =	vsort.dscd.msk.f32 $0xffff, v7, v7;
	_ =	sdelay $0x9  }
0x28c: {  	s19 =	simm.s32 $0x170  }
0x28d: {  	v14 =	vld [tilespmem:s19+$0xFFFFFF90]  }
0x28e: {  	v19 =	vld [tilespmem:s19+$0xFFFFFFB0]  }
0x28f: {  	v21 =	vld [tilespmem:s19+$0xFFFFFFC0]  }
0x290: {  	v16 =	vld [tilespmem:s19+$0xFFFFFFA0];
	v7, _, _ =	vpop (xrf1)  }
0x291: {  	v23 =	vld [tilespmem:s19+$0xFFFFFFD0];
	v10 =	vbroadcast v7, $0x3  }
0x292: {  	v9 =	vld [tilespmem:s19+$0x0]  }
0x293: {  	v8 =	vld [tilespmem:s19+$0xFFFFFFF0];
	vm9 =	vge.f32 v14, v10  }
0x294: {  	v7 =	vld [tilespmem:s19+$0xFFFFFFE0];
	(xrf0) =	vadd.scan.msk.s32 vm9, v2  }
0x295: {  	vm5 =	vge.f32 v16, v10  }
0x296: {  	vm6 =	vge.f32 v19, v10;
	(xrf0) =	vadd.scan.msk.s32 vm5, v2  }
0x297: {  	v12 =	vimm.s32 $0xFFFFFFFF;
	vm7 =	vge.f32 v21, v10;
	(xrf0) =	vadd.scan.msk.s32 vm6, v2  }
0x298: {  	vm8 =	vge.f32 v23, v10;
	vm10 =	vge.f32 v8, v10;
	v11 =	vmpcnt.ones.xlane vm9;
	(xrf0) =	vadd.scan.msk.s32 vm7, v2  }
0x299: {  	vm11 =	vge.f32 v9, v10;
	v13 =	vmpcnt.ones.xlane vm5;
	vm4 =	vge.f32 v7, v10;
	(xrf0) =	vadd.scan.msk.s32 vm8, v2  }
0x29a: {  	v15 =	vmpcnt.ones.xlane vm6;
	v17 =	vmpcnt.ones.xlane vm7;
	v11 =	vadd.s32 v12, v11;
	(xrf0) =	vadd.scan.msk.s32 vm4, v2;
	v18, _, _ =	vpop (xrf0)  }
0x29b: {  	v13 =	vadd.s32 v11, v13;
	(xrf0) =	vadd.scan.msk.s32 vm10, v2;
	v22 =	vadd.s32 v12, v18;
	v18 =	vmpcnt.ones.xlane vm4  }
0x29c: {  	s19 =	simm.s32 $0x370;
	v20 =	vadd.s32 v13, v15;
	v15 =	vmpcnt.ones.xlane vm8;
	v12, _, _ =	vpop (xrf0);
	(xrf0) =	vadd.scan.msk.s32 vm11, v2  }
0x29d: {  	v17 =	vadd.s32 v20, v17;
	v24 =	vadd.s32 v11, v12;
	v12, _, _ =	vpop (xrf0);
	v11 =	vld [tilespmem:s19+$0xFFFFFF90]  }
0x29e: {  	v26 =	vmpcnt.ones.xlane vm10;
	v25 =	vadd.s32 v17, v15;
	v27 =	vadd.s32 v13, v12;
	v12, _, _ =	vpop (xrf0)  }
0x29f: {  	v15 =	vld [tilespmem:s19+$0xFFFFFFA0];
	v28 =	vadd.s32 v25, v18;
	v13 =	vmpcnt.ones.xlane vm11;
	v29 =	vadd.s32 v20, v12;
	v18, _, _ =	vpop (xrf0)  }
0x2a0: {  	v26 =	vadd.s32 v28, v26;
	v12 =	vld [tilespmem:s19+$0xFFFFFFB0];
	v30 =	vadd.s32 v17, v18;
	v17, _, _ =	vpop (xrf0)  }
0x2a1: {  	vm10 =	vmmov vm10;
	v18 =	vadd.s32 v26, v13;
	v13 =	vld [tilespmem:s19+$0xFFFFFFC0];
	[tilespmem:v22+s13+$0x0] =	vst.idx.msk vm9, v14;
	v20, _, _ =	vpop (xrf0)  }
0x2a2: {  	vm4 =	vmmov vm4;
	vm11 =	vmmov vm11;
	v14 =	vld [tilespmem:s19+$0xFFFFFFD0];
	[tilespmem:v24+s13+$0x0] =	vst.idx.msk vm5, v16;
	vm5 =	vge.f32 v11, v10;
	v16, _, _ =	vpop (xrf0)  }
0x2a3: {  	v17 =	vadd.s32 v25, v17;
	[tilespmem:v27+s13+$0x0] =	vst.idx.msk vm6, v19;
	v24 =	vmpcnt.ones.xlane vm5;
	v22 =	vadd.s32 v26, v16;
	v16 =	vld [tilespmem:s19+$0xFFFFFFE0]  }
0x2a4: {  	v20 =	vadd.s32 v28, v20;
	vm6 =	vge.f32 v15, v10;
	(xrf0) =	vadd.scan.msk.s32 vm5, v2;
	v19 =	vld [tilespmem:s19+$0xFFFFFFF0];
	[tilespmem:v29+s13+$0x0] =	vst.idx.msk vm7, v21  }
0x2a5: {  	v26 =	vmpcnt.ones.xlane vm6;
	vm7 =	vge.f32 v12, v10;
	(xrf0) =	vadd.scan.msk.s32 vm6, v2;
	v21 =	vld [tilespmem:s19+$0x0];
	v24 =	vadd.s32 v18, v24  }
0x2a6: {  	v25 =	vmpcnt.ones.xlane vm7;
	(xrf0) =	vadd.scan.msk.s32 vm7, v2;
	[tilespmem:v30+s13+$0x0] =	vst.idx.msk vm8, v23;
	vm8 =	vge.f32 v13, v10  }
0x2a7: {  	s20 =	simm.s32 $0x8;
	v23 =	vadd.s32 v24, v26;
	vm9 =	vge.f32 v14, v10;
	v26 =	vmpcnt.ones.xlane vm8;
	(xrf0) =	vadd.scan.msk.s32 vm8, v2  }
.LBB2_36:
0x2a8: {  	s20 =	sadd.s32 $0x8, s20;
	v25 =	vadd.s32 v23, v25;
	v27 =	vmpcnt.ones.xlane vm9;
	vm12 =	vge.f32 v16, v10;
	(xrf0) =	vadd.scan.msk.s32 vm9, v2  }
0x2a9: {  	p0 =	slt.u32 s20, $0x1F8;
	v26 =	vadd.s32 v25, v26;
	v28 =	vmpcnt.ones.xlane vm12;
	vm13 =	vge.f32 v19, v10;
	(xrf0) =	vadd.scan.msk.s32 vm12, v2  }
0x2aa: {  	v27 =	vadd.s32 v26, v27;
	v29 =	vmpcnt.ones.xlane vm13;
	vm14 =	vge.f32 v21, v10;
	v30, _, _ =	vpop (xrf0);
	(xrf0) =	vadd.scan.msk.s32 vm13, v2  }
0x2ab: {  	v30 =	vadd.s32 v18, v30;
	v28 =	vadd.s32 v27, v28;
	v18 =	vmpcnt.ones.xlane vm14;
	v31, _, _ =	vpop (xrf0);
	(xrf0) =	vadd.scan.msk.s32 vm14, v2  }
0x2ac: {  	s19 =	sadd.s32 $0x200, s19;
	v24 =	vadd.s32 v24, v31;
	v29 =	vadd.s32 v28, v29;
	v31, _, _ =	vpop (xrf0);
	[tilespmem:v22+s13+$0x0] =	vst.idx.msk vm11, v9;
	v9 =	vmov v21  }
0x2ad: {  	v21 =	vld [tilespmem:s19+$0xFFFFFF90];
	v22 =	vadd.s32 v23, v31;
	v18 =	vadd.s32 v29, v18;
	v23, _, _ =	vpop (xrf0);
	[tilespmem:v20+s13+$0x0] =	vst.idx.msk vm10, v8;
	v8 =	vmov v19  }
0x2ae: {  	v31 =	vld [tilespmem:s19+$0xFFFFFFA0];
	v23 =	vadd.s32 v25, v23;
	v19, _, _ =	vpop (xrf0);
	[tilespmem:v17+s13+$0x0] =	vst.idx.msk vm4, v7;
	v7 =	vmov v16;
	vm4 =	vmmov vm12  }
0x2af: {  	vm11 =	vmmov vm14;
	vm10 =	vmmov vm13;
	v25 =	vld [tilespmem:s19+$0xFFFFFFB0];
	v26 =	vadd.s32 v26, v19;
	v16, _, _ =	vpop (xrf0)  }
0x2b0: {  	v32 =	vld [tilespmem:s19+$0xFFFFFFC0];
	[tilespmem:v30+s13+$0x0] =	vst.idx.msk vm5, v11;
	v17 =	vadd.s32 v27, v16;
	v11, _, _ =	vpop (xrf0)  }
0x2b1: {  	v27 =	vld [tilespmem:s19+$0xFFFFFFD0];
	[tilespmem:v24+s13+$0x0] =	vst.idx.msk vm6, v15;
	v20 =	vadd.s32 v28, v11;
	v11, _, _ =	vpop (xrf0)  }
.Ltmp21:
0x2b2: {  	vm5 =	vge.f32 v21, v10;
	v16 =	vld [tilespmem:s19+$0xFFFFFFE0];
	[tilespmem:v22+s13+$0x0] =	vst.idx.msk vm7, v12;
	v22 =	vadd.s32 v29, v11;
	v11 =	vmov v21;
	(pc) =	sbr.rel @p0 .LBB2_36-.Ltmp21, $4  }
0x2b3: {  	v24 =	vmpcnt.ones.xlane vm5;
	vm6 =	vge.f32 v31, v10;
	v19 =	vld [tilespmem:s19+$0xFFFFFFF0];
	(xrf0) =	vadd.scan.msk.s32 vm5, v2;
	[tilespmem:v23+s13+$0x0] =	vst.idx.msk vm8, v13;
	v15 =	vmovc v31  }
0x2b4: {  	v23 =	vmpcnt.ones.xlane vm6;
	vm7 =	vge.f32 v25, v10;
	v21 =	vld [tilespmem:s19+$0x0];
	(xrf0) =	vadd.scan.msk.s32 vm6, v2;
	[tilespmem:v26+s13+$0x0] =	vst.idx.msk vm9, v14;
	v12 =	vmovc v25  }
0x2b5: {  	v24 =	vadd.s32 v18, v24;
	v25 =	vmpcnt.ones.xlane vm7;
	vm8 =	vge.f32 v32, v10;
	(xrf0) =	vadd.scan.msk.s32 vm7, v2;
	v13 =	vmovc v32  }
0x2b6: {  	v23 =	vadd.s32 v24, v23;
	v26 =	vmpcnt.ones.xlane vm8;
	vm9 =	vge.f32 v27, v10;
	(xrf0) =	vadd.scan.msk.s32 vm8, v2;
	v14 =	vmovc v27  }
0x2b7: {  	v27 =	vand.u32 $0x7FFFFF, v6  }
0x2b8: {  	v27 =	vor.u32 $0x3F800000, v27  }
0x2b9: {  	v28 =	vadd.f32 $1.000000000e+00, v27;
	_ =	sdelay $0x1  }
0x2ba: {  	(erf) = vrcp.f32 v28;
	_ =	sdelay $0x7  }
0x2bb: {  	v27 =	vadd.f32 $-1.000000000e+00, v27  }
0x2bc: {  	v28 =	vpop (erf)  }
0x2bd: {  	v27 =	vmul.f32 v28, v27;
	_ =	sdelay $0x1  }
0x2be: {  	v28 =	vmul.f32 v27, v27;
	_ =	sdelay $0x1  }
0x2bf: {  	v29 =	vmul.f32 $1.428571490e-01, v28;
	_ =	sdelay $0x1  }
0x2c0: {  	v29 =	vadd.f32 $2.000000030e-01, v29;
	_ =	sdelay $0x1  }
0x2c1: {  	v29 =	vmul.f32 v29, v28;
	_ =	sdelay $0x1  }
0x2c2: {  	v29 =	vadd.f32 $3.333333430e-01, v29;
	_ =	sdelay $0x1  }
0x2c3: {  	v30 =	vshra.s32 v6, $0x17;
	v28 =	vmul.f32 v29, v28  }
0x2c4: {  	v41 =	vadd.s32 $0xFFFFFF81, v30  }
0x2c5: {  	v27 =	vadd.f32 v27, v27;
	v29 =	vcvt.s32.f32 v41;
	v28 =	vadd.f32 $1.000000000e+00, v28;
	_ =	sdelay $0x1  }
0x2c6: {  	v29 =	vmul.f32 $6.931471820e-01, v29;
	v27 =	vmul.f32 v28, v27;
	_ =	sdelay $0x1  }
0x2c7: {  	v27 =	vadd.f32 v27, v29;
	_ =	sdelay $0x1  }
0x2c8: {  	v27 =	vmul.f32 v27, v3;
	_ =	sdelay $0x1  }
0x2c9: {  	v27 =	vmul.f32 $1.442695020e+00, v27;
	_ =	sdelay $0x1  }
0x2ca: {  	(erf) = vpow2.f32 v27;
	_ =	sdelay $0x8  }
0x2cb: {  	v27 =	vpop (erf)  }
0x2cc: {  	v27 =	vmin.f32 v27, $9.999998800e-01  }
0x2cd: {  	v27 =	vsub.f32 $1.000000000e+00, v27  }
0x2ce: {  	vm12 =	vgt.f32 v6, $0.0e+00  }
0x2cf: {  	v6 =	vnsel vm12, $0x3F800000, v27  }
0x2d0: {  	v27 =	vand.u32 $0x7FFFFF, v6  }
0x2d1: {  	v42 =	vand.u32 $0x7FFFFF, v5;
	v27 =	vor.u32 $0x3F800000, v27  }
0x2d2: {  	v28 =	vor.u32 $0x3F800000, v42;
	v43 =	vadd.f32 $1.000000000e+00, v27  }
0x2d3: {  	v44 =	vadd.f32 $1.000000000e+00, v28  }
0x2d4: {  	(erf) = vrcp.f32 v43  }
0x2d5: {  	(erf) = vrcp.f32 v44;
	_ =	sdelay $0x7  }
0x2d6: {  	v28 =	vadd.f32 $-1.000000000e+00, v28;
	v29 =	vpop (erf)  }
0x2d7: {  	v30 =	vpop (erf)  }
0x2d8: {  	v28 =	vmul.f32 v30, v28;
	_ =	sdelay $0x1  }
0x2d9: {  	v30 =	vmul.f32 v28, v28;
	_ =	sdelay $0x1  }
0x2da: {  	v31 =	vmul.f32 $1.428571490e-01, v30;
	_ =	sdelay $0x1  }
0x2db: {  	v31 =	vadd.f32 $2.000000030e-01, v31;
	_ =	sdelay $0x1  }
0x2dc: {  	v31 =	vmul.f32 v31, v30;
	_ =	sdelay $0x1  }
0x2dd: {  	v31 =	vadd.f32 $3.333333430e-01, v31;
	_ =	sdelay $0x1  }
0x2de: {  	v32 =	vshra.s32 v5, $0x17;
	v30 =	vmul.f32 v31, v30  }
0x2df: {  	v45 =	vadd.s32 $0xFFFFFF81, v32  }
0x2e0: {  	v28 =	vadd.f32 v28, v28;
	v31 =	vcvt.s32.f32 v45;
	v30 =	vadd.f32 $1.000000000e+00, v30;
	_ =	sdelay $0x1  }
0x2e1: {  	v31 =	vmul.f32 $6.931471820e-01, v31;
	v28 =	vmul.f32 v30, v28;
	_ =	sdelay $0x1  }
0x2e2: {  	v28 =	vadd.f32 v28, v31;
	_ =	sdelay $0x1  }
0x2e3: {  	v28 =	vmul.f32 v28, v3;
	_ =	sdelay $0x1  }
0x2e4: {  	v28 =	vmul.f32 $1.442695020e+00, v28;
	_ =	sdelay $0x1  }
0x2e5: {  	(erf) = vpow2.f32 v28;
	_ =	sdelay $0x8  }
0x2e6: {  	v28 =	vpop (erf)  }
0x2e7: {  	v28 =	vmin.f32 v28, $9.999998800e-01  }
0x2e8: {  	v28 =	vsub.f32 $1.000000000e+00, v28  }
0x2e9: {  	vm12 =	vgt.f32 v5, $0.0e+00  }
0x2ea: {  	v5 =	vnsel vm12, $0x3F800000, v28  }
0x2eb: {  	v28 =	vand.u32 $0x7FFFFF, v5  }
0x2ec: {  	v28 =	vor.u32 $0x3F800000, v28  }
0x2ed: {  	v46 =	vadd.f32 $1.000000000e+00, v28;
	_ =	sdelay $0x1  }
0x2ee: {  	(erf) = vrcp.f32 v46;
	_ =	sdelay $0x7  }
0x2ef: {  	v28 =	vadd.f32 $-1.000000000e+00, v28  }
0x2f0: {  	v27 =	vadd.f32 $-1.000000000e+00, v27;
	v47 =	vpop (erf)  }
0x2f1: {  	v28 =	vmul.f32 v47, v28  }
0x2f2: {  	v27 =	vmul.f32 v29, v27  }
0x2f3: {  	v49 =	vmul.f32 v28, v28  }
0x2f4: {  	v48 =	vmul.f32 v27, v27  }
0x2f5: {  	v51 =	vmul.f32 $1.428571490e-01, v49  }
0x2f6: {  	v50 =	vmul.f32 $1.428571490e-01, v48  }
0x2f7: {  	v32 =	vadd.f32 $2.000000030e-01, v51  }
0x2f8: {  	v31 =	vadd.f32 $2.000000030e-01, v50  }
0x2f9: {  	v32 =	vmul.f32 v32, v49  }
0x2fa: {  	v31 =	vmul.f32 v31, v48  }
0x2fb: {  	v25 =	vadd.s32 v23, v25;
	v32 =	vadd.f32 $3.333333430e-01, v32  }
0x2fc: {  	v52 =	vmpcnt.ones.xlane vm9;
	v26 =	vadd.s32 v25, v26;
	v31 =	vadd.f32 $3.333333430e-01, v31  }
0x2fd: {  	v6 =	vshra.s32 v6, $0x17;
	v5 =	vshra.s32 v5, $0x17;
	v30 =	vmul.f32 v32, v49  }
0x2fe: {  	v6 =	vadd.s32 $0xFFFFFF81, v6;
	v29 =	vmul.f32 v31, v48;
	v5 =	vadd.s32 $0xFFFFFF81, v5  }
0x2ff: {  	v5 =	vcvt.s32.f32 v5;
	v28 =	vadd.f32 v28, v28;
	v30 =	vadd.f32 $1.000000000e+00, v30  }
0x300: {  	v6 =	vcvt.s32.f32 v6;
	v27 =	vadd.f32 v27, v27;
	v29 =	vadd.f32 $1.000000000e+00, v29  }
0x301: {  	vm13 =	vge.f32 v19, v10;
	v5 =	vmul.f32 $6.931471820e-01, v5;
	v28 =	vmul.f32 v30, v28  }
0x302: {  	v6 =	vmul.f32 $6.931471820e-01, v6;
	v27 =	vmul.f32 v29, v27;
	vm12 =	vge.f32 v16, v10  }
0x303: {  	v54 =	vadd.s32 v26, v52;
	v53 =	vmpcnt.ones.xlane vm12;
	v5 =	vadd.f32 v28, v5  }
0x304: {  	v55 =	vmpcnt.ones.xlane vm13;
	vm14 =	vge.f32 v21, v10;
	v6 =	vadd.f32 v27, v6  }
0x305: {  	v10 =	vmpcnt.ones.xlane vm14;
	v29 =	vadd.s32 v54, v53;
	v5 =	vnsel vm3, $0x0, v5  }
0x306: {  	v5 =	vadd.f32 v5, v6;
	v6 =	vadd.s32 v29, v55  }
0x307: {  	v10 =	vadd.s32 v6, v10  }
0x308: {  	(v2sf) =	vpush v10, $0x0;
	_ =	sdelay $0x2  }
0x309: {  	(xrf2) =	vadd.scan.msk.f32 $0xffff, v5;
	_ =	sdelay $0x7  }
0x30a: {  	(xrf0) =	vadd.scan.msk.s32 vm9, v2  }
0x30b: {  	(xrf0) =	vadd.scan.msk.s32 vm12, v2;
	v5, _, _ =	vpop (xrf0)  }
0x30c: {  	(xrf0) =	vadd.scan.msk.s32 vm13, v2;
	v57, _, _ =	vpop (xrf2)  }
0x30d: {  	v56, _, _ =	vpop (xrf0);
	(xrf0) =	vadd.scan.msk.s32 vm14, v2;
	v30 =	vmul.f32 $1.442695020e+00, v57  }
0x30e: {  	v5 =	vadd.s32 v18, v5;
	v58, _, _ =	vpop (xrf0);
	s19 =	spop (v2sf)  }
0x30f: {  	v24 =	vadd.s32 v24, v56;
	v59, _, _ =	vpop (xrf0);
	v30 =	vbroadcast v30, $0xF;
	s20 =	sadd.s32 $0x10, s19;
	s19 =	sand.u32 $0xF, s19  }
0x310: {  	[tilespmem:v22+s13+$0x0] =	vst.idx.msk vm11, v9;
	v9 =	vadd.s32 v23, v58;
	v60, _, _ =	vpop (xrf0);
	s21 =	sshra.s32 s20, $0x1F;
	p0 =	slt.s32 s20, $0x1;
	p1 =	sne.s32 s19, $0x0  }
0x311: {  	[tilespmem:v20+s13+$0x0] =	vst.idx.msk vm10, v8;
	v8 =	vadd.s32 v25, v59;
	v61, _, _ =	vpop (xrf0);
	(erf) = vpow2.f32 v30;
	s31 =	sshrl.u32 s21, $0x1C;
	p0 =	por !p0, !p1  }
0x312: {  	[tilespmem:v17+s13+$0x0] =	vst.idx.msk vm4, v7;
	v7 =	vadd.s32 v26, v60;
	v62, _, _ =	vpop (xrf0);
	s19 =	sadd.s32 s31, s20;
	p0 =	por !p0, !p0;
	s20 =	simm.s32 $0x1  }
0x313: {  	[tilespmem:v5+s13+$0x0] =	vst.idx.msk vm5, v11;
	v11 =	vadd.s32 v54, v61;
	v63, _, _ =	vpop (xrf0);
	s19 =	sshra.s32 s19, $0x4;
	s20 =	simm.s32 @!p0 $0x0  }
0x314: {  	[tilespmem:v24+s13+$0x0] =	vst.idx.msk vm6, v15;
	v5 =	vadd.s32 v6, v63;
	s20 =	ssub.s32 s19, s20  }
0x315: {  	v6 =	vadd.s32 v29, v62;
	[tilespmem:v9+s13+$0x0] =	vst.idx.msk vm7, v12;
	p0 =	slt.s32 s20, $0x1  }
.Ltmp22:
0x316: {  	[tilespmem:v8+s13+$0x0] =	vst.idx.msk vm8, v13;
	(pc) =	sbr.rel @p0 .LBB2_45-.Ltmp22, $4  }
0x317: {  	[tilespmem:v7+s13+$0x0] =	vst.idx.msk vm9, v14  }
0x318: {  	[tilespmem:v11+s13+$0x0] =	vst.idx.msk vm12, v16  }
0x319: {  	vm15 =	vmmov vm13;
	vm4 =	vmmov vm14;
	vm5 =	vmmov vm12;
	[tilespmem:v5+s13+$0x0] =	vst.idx.msk vm14, v21  }
0x31a: {  	v7 =	vimm.f32 $0.0e+00;
	[tilespmem:v6+s13+$0x0] =	vst.idx.msk vm13, v19;
	v6 =	vimm.f32 $0.0e+00;
	v5 =	vimm.f32 $0.0e+00;
	v8 =	vpop (erf)  }
0x31b: {  	p2 =	sne.s32 s20, $0x1  }
.Ltmp23:
0x31c: {  	_ = 	snop;
	(pc) =	sbr.rel @!p2 .LBB2_39-.Ltmp23, $3  }
0x31d: {  	_ =	sdelay $0x1  }
0x31e: {  	s21 =	simm.s32 $0x8000;
	s19 =	simm.s32 $0x0  }
0x31f: {  	v5 =	vadd.s32 $0x1, v10;
	s20 =	sadd.s32 $0xFFFFFFFF, s20;
	p0 =	por $0x0, $0x0;
	p1 =	por $0x0, $0x0;
	v6 =	vld [tilespmem:s21+$0x0]  }
0x320: {  	_ =	sdelay $0x1  }
0x321: {  	v9 =	vor.u32 s19, v0  }
0x322: {  	vm4 =	vlt.s32 v9, v5  }
0x323: {  	v6 =	vnsel vm4, $0x0, v6  }
0x324: {  	(xrf1) =	vsort.dscd.msk.f32 $0xffff, v6, v6;
	_ =	sdelay $0xc  }
0x325: {  	p2 =	sne.s32 s20, $0x1  }
.Ltmp24:
0x326: {  	v6, _, _ =	vpop (xrf1);
	(pc) =	sbr.rel @!p2 .LBB2_41-.Ltmp24, $3  }
0x327: {  	v6 =	vperm.xlane v6, v1;
	_ =	sdelay $0x1  }
0x328: {  	s21 =	simm.s32 $0x8010;
	v6 =	vmax.f32 v7, v6  }
0x329: {  	s22 =	sadd.s32 $0xFFFFFFFF, s20;
	p0 =	por $0x1, $0x1;
	(xrf1) =	vsort.dscd.msk.f32 $0xffff, v6, v6;
	v6 =	vld [tilespmem:s21+$0x0]  }
0x32a: {  	_ =	sdelay $0x8  }
0x32b: {  	s20 =	simm.s32 $0x10  }
0x32c: {  	v9 =	vor.u32 s20, v0;
	_ =	sdelay $0x2  }
0x32d: {  	vm4 =	vlt.s32 v9, v5;
	v9, _, _ =	vpop (xrf1)  }
0x32e: {  	v6 =	vnsel vm4, $0x0, v6;
	v9 =	vperm.xlane v9, v1  }
0x32f: {  	(xrf1) =	vsort.dscd.msk.f32 $0xffff, v6, v6  }
0x330: {  	v6 =	vmin.f32 v7, v9  }
0x331: {  	(xrf1) =	vsort.dscd.msk.f32 $0xffff, v6, v6;
	_ =	sdelay $0xb  }
0x332: {  	v6, _, _ =	vpop (xrf1)  }
0x333: {  	v6 =	vperm.xlane v6, v1  }
0x334: {  	v10, _, _ =	vpop (xrf1)  }
0x335: {  	v6 =	vmax.f32 v10, v6  }
0x336: {  	(xrf1) =	vsort.dscd.msk.f32 $0xffff, v6, v6  }
0x337: {  	v6 =	vmax.f32 v7, v9  }
0x338: {  	(xrf1) =	vsort.dscd.msk.f32 $0xffff, v6, v6;
	_ =	sdelay $0x2  }
0x339: {  	p2 =	sne.s32 s22, $0x1  }
.Ltmp25:
0x33a: {  	_ = 	snop;
	(pc) =	sbr.rel @!p2 .LBB2_44-.Ltmp25, $3  }
0x33b: {  	_ =	sdelay $0x1  }
0x33c: {  	s21 =	simm.s32 $0x8020  }
0x33d: {  	s22 =	sadd.s32 $0xFFFFFFFF, s22;
	p1 =	por $0x1, $0x1;
	v6 =	vld [tilespmem:s21+$0x0]  }
.LBB2_43:
0x33e: {  	p2 =	sne.s32 s22, $0x1  }
0x33f: {  	s20 =	sadd.s32 $0x10, s20  }
0x340: {  	v10 =	vor.u32 s20, v0  }
0x341: {  	vm4 =	vlt.s32 v10, v5;
	v9, _, _ =	vpop (xrf1)  }
0x342: {  	v10 =	vnsel vm4, $0x0, v6;
	v9 =	vperm.xlane v9, v1  }
0x343: {  	(xrf1) =	vsort.dscd.msk.f32 $0xffff, v10, v10;
	v6, _, _ =	vpop (xrf1)  }
0x344: {  	v10 =	vmin.f32 v6, v9  }
0x345: {  	(xrf1) =	vsort.dscd.msk.f32 $0xffff, v10, v10;
	_ =	sdelay $0xb  }
0x346: {  	v10, _, _ =	vpop (xrf1)  }
0x347: {  	v10 =	vperm.xlane v10, v1  }
0x348: {  	v11, _, _ =	vpop (xrf1)  }
0x349: {  	v10 =	vmax.f32 v11, v10  }
0x34a: {  	(xrf1) =	vsort.dscd.msk.f32 $0xffff, v10, v10  }
0x34b: {  	v6 =	vmax.f32 v6, v9  }
0x34c: {  	(xrf1) =	vsort.dscd.msk.f32 $0xffff, v6, v6;
	_ =	sdelay $0x3  }
.Ltmp26:
0x34d: {  	(pc) =	sbr.rel @p2 .LBB2_43-.Ltmp26, $3  }
0x34e: {  	_ =	sdelay $0x1  }
0x34f: {  	s21 =	sadd.s32 $0x10, s21  }
0x350: {  	s22 =	sadd.s32 $0xFFFFFFFF, s22;
	v6 =	vld [tilespmem:s21+$0x0]  }
.LBB2_44:
0x351: {  	s20 =	sadd.s32 @p0 $0x10, s20  }
0x352: {  	s19 =	smov.u32 @p0 s20  }
0x353: {  	v9 =	vor.u32 s19, v0;
	_ =	sdelay $0x1  }
0x354: {  	v10, _, _ =	vpop @p0 (xrf1)  }
0x355: {  	vm4 =	vlt.s32 v9, v5;
	v5 =	vperm.xlane @p0 v10, v1;
	v9, _, _ =	vpop @p1 (xrf1)  }
0x356: {  	v6 =	vnsel vm4, $0x0, v6;
	v9 =	vpsel p1, v9, v7  }
0x357: {  	(xrf1) =	vsort.dscd.msk.f32 $0xffff, v6, v6;
	v6 =	vmin.f32 @p0 v9, v5  }
0x358: {  	(xrf1) =	vsort.dscd.msk.f32 @p0 $0xffff, v6, v6;
	_ =	sdelay $0xc  }
0x359: {  	v6, _, _ =	vpop (xrf1)  }
0x35a: {  	v6 =	vperm.xlane v6, v1;
	v10, _, _ =	vpop @p0 (xrf1)  }
0x35b: {  	v10 =	vpsel p0, v10, v7  }
0x35c: {  	v6 =	vmax.f32 v10, v6  }
0x35d: {  	v5 =	vmax.f32 @p0 v9, v5;
	(xrf1) =	vsort.dscd.msk.f32 $0xffff, v6, v6  }
0x35e: {  	(xrf1) =	vsort.dscd.msk.f32 @p0 $0xffff, v5, v5;
	_ =	sdelay $0xc  }
0x35f: {  	v5, _, _ =	vpop (xrf1)  }
0x360: {  	v5 =	vperm.xlane v5, v1;
	v6, _, _ =	vpop @p0 (xrf1)  }
0x361: {  	v6 =	vpsel p0, v6, v7  }
0x362: {  	v9 =	vmin.f32 v6, v5  }
0x363: {  	v5 =	vmax.f32 v6, v5;
	(xrf1) =	vsort.dscd.msk.f32 $0xffff, v9, v9  }
0x364: {  	(xrf1) =	vsort.dscd.msk.f32 $0xffff, v5, v5;
	_ =	sdelay $0xc  }
0x365: {  	v5, _, _ =	vpop (xrf1)  }
0x366: {  	v6, _, _ =	vpop (xrf1)  }
.LBB2_45:
0x367: {  	_ =	swait.ge [sflag:s16], $0x2000  }
0x368: {  	[sflag:s16] =	ssyncset.done $0x0  }
0x369: {  	s20 =	simm.s32 $0x580;
	[sflag:s16] =	ssyncadd.s32 $0xFFFFE000  }
0x36a: {  	v9 =	vld [tilespmem:s20+$0x240]  }
0x36b: {  	v11 =	vld [tilespmem:s20+$0x200]  }
0x36c: {  	v10 =	vld [tilespmem:s20+$0x40]  }
0x36d: {  	v12 =	vld [tilespmem:s20+$0x0]  }
0x36e: {  	v13 =	vld [tilespmem:s20+$0xFFFFFE40]  }
0x36f: {  	v16 =	vld [tilespmem:s20+$0xFFFFFE00]  }
0x370: {  	v17 =	vld [tilespmem:s20+$0xFFFFFC40]  }
0x371: {  	v18 =	vld [tilespmem:s20+$0xFFFFFC00]  }
0x372: {  	v19 =	vld [tilespmem:s20+$0xFFFFFC10]  }
0x373: {  	v20 =	vld [tilespmem:s20+$0xFFFFFC50]  }
0x374: {  	v21 =	vld [tilespmem:s20+$0xFFFFFE10]  }
0x375: {  	v15 =	vld [tilespmem:s20+$0xFFFFFE50]  }
0x376: {  	v14 =	vld [tilespmem:s20+$0x10]  }
0x377: {  	v22 =	vsub.f32 $1.000000000e+00, v8;
	v8 =	vmax.f32 v7, v18;
	v18 =	vmax.f32 v7, v19;
	v7 =	vld [tilespmem:s20+$0x50]  }
0x378: {  	v17 =	vmax.f32 v8, v17;
	v18 =	vmax.f32 v18, v20;
	v8 =	vld [tilespmem:s20+$0x210]  }
0x379: {  	s19 =	simm.s32 $0x0;
	v4 =	vsel vm0, v4, v22;
	v17 =	vmax.f32 v17, v16;
	v18 =	vmax.f32 v18, v21;
	v16 =	vld [tilespmem:s20+$0x250];
	s20 =	simm.s32 $0xD80  }
.LBB2_46:
0x37a: {  	v19 =	vld [tilespmem:s20+$0x240];
	v13 =	vmax.f32 v17, v13;
	v15 =	vmax.f32 v18, v15  }
0x37b: {  	v17 =	vld [tilespmem:s20+$0x200];
	v12 =	vmax.f32 v13, v12;
	v13 =	vmax.f32 v15, v14  }
0x37c: {  	v14 =	vmax.f32 v12, v10;
	v10 =	vld [tilespmem:s20+$0x40];
	v7 =	vmax.f32 v13, v7  }
0x37d: {  	v12 =	vld [tilespmem:s20+$0x0];
	v11 =	vmax.f32 v14, v11;
	v7 =	vmax.f32 v7, v8  }
0x37e: {  	v13 =	vld [tilespmem:s20+$0xFFFFFE40];
	v8 =	vmax.f32 v11, v9;
	v7 =	vmax.f32 v7, v16  }
0x37f: {  	v16 =	vld [tilespmem:s20+$0xFFFFFE00];
	v9 =	vmov v19  }
0x380: {  	v18 =	vld [tilespmem:s20+$0xFFFFFC40];
	v11 =	vmov v17  }
0x381: {  	v17 =	vld [tilespmem:s20+$0xFFFFFC00]  }
0x382: {  	s19 =	sadd.s32 $0x8, s19;
	v19 =	vld [tilespmem:s20+$0xFFFFFC10]  }
0x383: {  	p0 =	slt.u32 s19, $0x78;
	v20 =	vld [tilespmem:s20+$0xFFFFFC50]  }
0x384: {  	v21 =	vld [tilespmem:s20+$0xFFFFFE10]  }
.Ltmp27:
0x385: {  	v15 =	vld [tilespmem:s20+$0xFFFFFE50];
	(pc) =	sbr.rel @p0 .LBB2_46-.Ltmp27, $4  }
0x386: {  	v14 =	vld [tilespmem:s20+$0x10]  }
0x387: {  	v8 =	vmax.f32 v8, v17;
	v17 =	vmax.f32 v7, v19;
	v7 =	vld [tilespmem:s20+$0x50]  }
0x388: {  	v18 =	vmax.f32 v8, v18;
	v19 =	vmax.f32 v17, v20;
	v8 =	vld [tilespmem:s20+$0x210]  }
0x389: {  	v17 =	vmax.f32 v18, v16;
	v18 =	vmax.f32 v19, v21;
	v16 =	vld [tilespmem:s20+$0x250];
	s20 =	sadd.s32 $0x800, s20  }
0x38a: {  	v13 =	vmax.f32 v17, v13  }
0x38b: {  	v15 =	vmax.f32 v18, v15;
	v12 =	vmax.f32 v13, v12  }
0x38c: {  	v13 =	vmax.f32 v15, v14;
	v10 =	vmax.f32 v12, v10  }
0x38d: {  	v7 =	vmax.f32 v13, v7;
	v10 =	vmax.f32 v10, v11  }
0x38e: {  	v7 =	vmax.f32 v7, v8;
	v8 =	vmax.f32 v10, v9  }
0x38f: {  	v7 =	vmax.f32 v7, v16;
	(xrf1) =	vsort.dscd.msk.f32 $0xffff, v8, v8  }
0x390: {  	(xrf1) =	vsort.dscd.msk.f32 $0xffff, v7, v7;
	_ =	sdelay $0xc  }
0x391: {  	v7, _, _ =	vpop (xrf1)  }
0x392: {  	v8, _, _ =	vpop (xrf1)  }
0x393: {  	v8 =	vperm.xlane v8, v1;
	_ =	sdelay $0x1  }
0x394: {  	v7 =	vmin.f32 v7, v8  }
0x395: {  	(xrf1) =	vsort.dscd.msk.f32 $0xffff, v7, v7;
	_ =	sdelay $0x9  }
0x396: {  	s19 =	simm.s32 $0x1F0  }
0x397: {  	v14 =	vld [tilespmem:s19+$0xFFFFFF90]  }
0x398: {  	v19 =	vld [tilespmem:s19+$0xFFFFFFB0]  }
0x399: {  	v21 =	vld [tilespmem:s19+$0xFFFFFFC0]  }
0x39a: {  	v16 =	vld [tilespmem:s19+$0xFFFFFFA0];
	v7, _, _ =	vpop (xrf1)  }
0x39b: {  	v23 =	vld [tilespmem:s19+$0xFFFFFFD0];
	v10 =	vbroadcast v7, $0x3  }
0x39c: {  	v9 =	vld [tilespmem:s19+$0x0]  }
0x39d: {  	v8 =	vld [tilespmem:s19+$0xFFFFFFF0];
	vm9 =	vge.f32 v14, v10  }
0x39e: {  	v7 =	vld [tilespmem:s19+$0xFFFFFFE0];
	(xrf0) =	vadd.scan.msk.s32 vm9, v2  }
0x39f: {  	vm5 =	vge.f32 v16, v10  }
0x3a0: {  	vm6 =	vge.f32 v19, v10;
	(xrf0) =	vadd.scan.msk.s32 vm5, v2  }
0x3a1: {  	v12 =	vimm.s32 $0xFFFFFFFF;
	vm7 =	vge.f32 v21, v10;
	(xrf0) =	vadd.scan.msk.s32 vm6, v2  }
0x3a2: {  	vm8 =	vge.f32 v23, v10;
	vm10 =	vge.f32 v8, v10;
	v11 =	vmpcnt.ones.xlane vm9;
	(xrf0) =	vadd.scan.msk.s32 vm7, v2  }
0x3a3: {  	vm11 =	vge.f32 v9, v10;
	v13 =	vmpcnt.ones.xlane vm5;
	vm4 =	vge.f32 v7, v10;
	(xrf0) =	vadd.scan.msk.s32 vm8, v2  }
0x3a4: {  	v15 =	vmpcnt.ones.xlane vm6;
	v17 =	vmpcnt.ones.xlane vm7;
	v11 =	vadd.s32 v12, v11;
	(xrf0) =	vadd.scan.msk.s32 vm4, v2;
	v18, _, _ =	vpop (xrf0)  }
0x3a5: {  	v13 =	vadd.s32 v11, v13;
	(xrf0) =	vadd.scan.msk.s32 vm10, v2;
	v22 =	vadd.s32 v12, v18;
	v18 =	vmpcnt.ones.xlane vm4  }
0x3a6: {  	s19 =	simm.s32 $0x3F0;
	v20 =	vadd.s32 v13, v15;
	v15 =	vmpcnt.ones.xlane vm8;
	v12, _, _ =	vpop (xrf0);
	(xrf0) =	vadd.scan.msk.s32 vm11, v2  }
0x3a7: {  	v17 =	vadd.s32 v20, v17;
	v24 =	vadd.s32 v11, v12;
	v12, _, _ =	vpop (xrf0);
	v11 =	vld [tilespmem:s19+$0xFFFFFF90]  }
0x3a8: {  	v26 =	vmpcnt.ones.xlane vm10;
	v25 =	vadd.s32 v17, v15;
	v27 =	vadd.s32 v13, v12;
	v12, _, _ =	vpop (xrf0)  }
0x3a9: {  	v15 =	vld [tilespmem:s19+$0xFFFFFFA0];
	v28 =	vadd.s32 v25, v18;
	v13 =	vmpcnt.ones.xlane vm11;
	v29 =	vadd.s32 v20, v12;
	v18, _, _ =	vpop (xrf0)  }
0x3aa: {  	v26 =	vadd.s32 v28, v26;
	v12 =	vld [tilespmem:s19+$0xFFFFFFB0];
	v30 =	vadd.s32 v17, v18;
	v17, _, _ =	vpop (xrf0)  }
0x3ab: {  	vm10 =	vmmov vm10;
	v18 =	vadd.s32 v26, v13;
	v13 =	vld [tilespmem:s19+$0xFFFFFFC0];
	[tilespmem:v22+s13+$0x0] =	vst.idx.msk vm9, v14;
	v20, _, _ =	vpop (xrf0)  }
0x3ac: {  	vm4 =	vmmov vm4;
	vm11 =	vmmov vm11;
	v14 =	vld [tilespmem:s19+$0xFFFFFFD0];
	[tilespmem:v24+s13+$0x0] =	vst.idx.msk vm5, v16;
	vm5 =	vge.f32 v11, v10;
	v16, _, _ =	vpop (xrf0)  }
0x3ad: {  	v17 =	vadd.s32 v25, v17;
	[tilespmem:v27+s13+$0x0] =	vst.idx.msk vm6, v19;
	v24 =	vmpcnt.ones.xlane vm5;
	v22 =	vadd.s32 v26, v16;
	v16 =	vld [tilespmem:s19+$0xFFFFFFE0]  }
0x3ae: {  	v20 =	vadd.s32 v28, v20;
	vm6 =	vge.f32 v15, v10;
	(xrf0) =	vadd.scan.msk.s32 vm5, v2;
	v19 =	vld [tilespmem:s19+$0xFFFFFFF0];
	[tilespmem:v29+s13+$0x0] =	vst.idx.msk vm7, v21  }
0x3af: {  	v26 =	vmpcnt.ones.xlane vm6;
	vm7 =	vge.f32 v12, v10;
	(xrf0) =	vadd.scan.msk.s32 vm6, v2;
	v21 =	vld [tilespmem:s19+$0x0];
	v24 =	vadd.s32 v18, v24  }
0x3b0: {  	v25 =	vmpcnt.ones.xlane vm7;
	(xrf0) =	vadd.scan.msk.s32 vm7, v2;
	[tilespmem:v30+s13+$0x0] =	vst.idx.msk vm8, v23;
	vm8 =	vge.f32 v13, v10  }
0x3b1: {  	s20 =	simm.s32 $0x8;
	v23 =	vadd.s32 v24, v26;
	vm9 =	vge.f32 v14, v10;
	v26 =	vmpcnt.ones.xlane vm8;
	(xrf0) =	vadd.scan.msk.s32 vm8, v2  }
.LBB2_48:
0x3b2: {  	s20 =	sadd.s32 $0x8, s20;
	v25 =	vadd.s32 v23, v25;
	v27 =	vmpcnt.ones.xlane vm9;
	vm12 =	vge.f32 v16, v10;
	(xrf0) =	vadd.scan.msk.s32 vm9, v2  }
0x3b3: {  	p0 =	slt.u32 s20, $0x1F8;
	v26 =	vadd.s32 v25, v26;
	v28 =	vmpcnt.ones.xlane vm12;
	vm13 =	vge.f32 v19, v10;
	(xrf0) =	vadd.scan.msk.s32 vm12, v2  }
0x3b4: {  	v27 =	vadd.s32 v26, v27;
	v29 =	vmpcnt.ones.xlane vm13;
	vm14 =	vge.f32 v21, v10;
	v30, _, _ =	vpop (xrf0);
	(xrf0) =	vadd.scan.msk.s32 vm13, v2  }
0x3b5: {  	v30 =	vadd.s32 v18, v30;
	v28 =	vadd.s32 v27, v28;
	v18 =	vmpcnt.ones.xlane vm14;
	v31, _, _ =	vpop (xrf0);
	(xrf0) =	vadd.scan.msk.s32 vm14, v2  }
0x3b6: {  	s19 =	sadd.s32 $0x200, s19;
	v24 =	vadd.s32 v24, v31;
	v29 =	vadd.s32 v28, v29;
	v31, _, _ =	vpop (xrf0);
	[tilespmem:v22+s13+$0x0] =	vst.idx.msk vm11, v9;
	v9 =	vmov v21  }
0x3b7: {  	v21 =	vld [tilespmem:s19+$0xFFFFFF90];
	v22 =	vadd.s32 v23, v31;
	v18 =	vadd.s32 v29, v18;
	v23, _, _ =	vpop (xrf0);
	[tilespmem:v20+s13+$0x0] =	vst.idx.msk vm10, v8;
	v8 =	vmov v19  }
0x3b8: {  	v31 =	vld [tilespmem:s19+$0xFFFFFFA0];
	v23 =	vadd.s32 v25, v23;
	v19, _, _ =	vpop (xrf0);
	[tilespmem:v17+s13+$0x0] =	vst.idx.msk vm4, v7;
	v7 =	vmov v16;
	vm4 =	vmmov vm12  }
0x3b9: {  	vm11 =	vmmov vm14;
	vm10 =	vmmov vm13;
	v25 =	vld [tilespmem:s19+$0xFFFFFFB0];
	v26 =	vadd.s32 v26, v19;
	v16, _, _ =	vpop (xrf0)  }
0x3ba: {  	v32 =	vld [tilespmem:s19+$0xFFFFFFC0];
	[tilespmem:v30+s13+$0x0] =	vst.idx.msk vm5, v11;
	v17 =	vadd.s32 v27, v16;
	v11, _, _ =	vpop (xrf0)  }
0x3bb: {  	v27 =	vld [tilespmem:s19+$0xFFFFFFD0];
	[tilespmem:v24+s13+$0x0] =	vst.idx.msk vm6, v15;
	v20 =	vadd.s32 v28, v11;
	v11, _, _ =	vpop (xrf0)  }
.Ltmp28:
0x3bc: {  	vm5 =	vge.f32 v21, v10;
	v16 =	vld [tilespmem:s19+$0xFFFFFFE0];
	[tilespmem:v22+s13+$0x0] =	vst.idx.msk vm7, v12;
	v22 =	vadd.s32 v29, v11;
	v11 =	vmov v21;
	(pc) =	sbr.rel @p0 .LBB2_48-.Ltmp28, $4  }
0x3bd: {  	v24 =	vmpcnt.ones.xlane vm5;
	vm6 =	vge.f32 v31, v10;
	v19 =	vld [tilespmem:s19+$0xFFFFFFF0];
	(xrf0) =	vadd.scan.msk.s32 vm5, v2;
	[tilespmem:v23+s13+$0x0] =	vst.idx.msk vm8, v13;
	v15 =	vmovc v31  }
0x3be: {  	v23 =	vmpcnt.ones.xlane vm6;
	vm7 =	vge.f32 v25, v10;
	v21 =	vld [tilespmem:s19+$0x0];
	(xrf0) =	vadd.scan.msk.s32 vm6, v2;
	[tilespmem:v26+s13+$0x0] =	vst.idx.msk vm9, v14;
	v12 =	vmovc v25  }
0x3bf: {  	v24 =	vadd.s32 v18, v24;
	v25 =	vmpcnt.ones.xlane vm7;
	vm8 =	vge.f32 v32, v10;
	(xrf0) =	vadd.scan.msk.s32 vm7, v2;
	v13 =	vmovc v32  }
0x3c0: {  	v23 =	vadd.s32 v24, v23;
	v26 =	vmpcnt.ones.xlane vm8;
	vm9 =	vge.f32 v27, v10;
	(xrf0) =	vadd.scan.msk.s32 vm8, v2;
	v14 =	vmovc v27  }
0x3c1: {  	v27 =	vand.u32 $0x7FFFFF, v6  }
0x3c2: {  	v27 =	vor.u32 $0x3F800000, v27  }
0x3c3: {  	v28 =	vadd.f32 $1.000000000e+00, v27;
	_ =	sdelay $0x1  }
0x3c4: {  	(erf) = vrcp.f32 v28;
	_ =	sdelay $0x7  }
0x3c5: {  	v27 =	vadd.f32 $-1.000000000e+00, v27  }
0x3c6: {  	v28 =	vpop (erf)  }
0x3c7: {  	v27 =	vmul.f32 v28, v27;
	_ =	sdelay $0x1  }
0x3c8: {  	v28 =	vmul.f32 v27, v27;
	_ =	sdelay $0x1  }
0x3c9: {  	v29 =	vmul.f32 $1.428571490e-01, v28;
	_ =	sdelay $0x1  }
0x3ca: {  	v29 =	vadd.f32 $2.000000030e-01, v29;
	_ =	sdelay $0x1  }
0x3cb: {  	v29 =	vmul.f32 v29, v28;
	_ =	sdelay $0x1  }
0x3cc: {  	v29 =	vadd.f32 $3.333333430e-01, v29;
	_ =	sdelay $0x1  }
0x3cd: {  	v30 =	vshra.s32 v6, $0x17;
	v28 =	vmul.f32 v29, v28  }
0x3ce: {  	v41 =	vadd.s32 $0xFFFFFF81, v30  }
0x3cf: {  	v27 =	vadd.f32 v27, v27;
	v29 =	vcvt.s32.f32 v41;
	v28 =	vadd.f32 $1.000000000e+00, v28;
	_ =	sdelay $0x1  }
0x3d0: {  	v29 =	vmul.f32 $6.931471820e-01, v29;
	v27 =	vmul.f32 v28, v27;
	_ =	sdelay $0x1  }
0x3d1: {  	v27 =	vadd.f32 v27, v29;
	_ =	sdelay $0x1  }
0x3d2: {  	v27 =	vmul.f32 v27, v3;
	_ =	sdelay $0x1  }
0x3d3: {  	v27 =	vmul.f32 $1.442695020e+00, v27;
	_ =	sdelay $0x1  }
0x3d4: {  	(erf) = vpow2.f32 v27;
	_ =	sdelay $0x8  }
0x3d5: {  	v27 =	vpop (erf)  }
0x3d6: {  	v27 =	vmin.f32 v27, $9.999998800e-01  }
0x3d7: {  	v27 =	vsub.f32 $1.000000000e+00, v27  }
0x3d8: {  	vm12 =	vgt.f32 v6, $0.0e+00  }
0x3d9: {  	v6 =	vnsel vm12, $0x3F800000, v27  }
0x3da: {  	v27 =	vand.u32 $0x7FFFFF, v6  }
0x3db: {  	v42 =	vand.u32 $0x7FFFFF, v5;
	v27 =	vor.u32 $0x3F800000, v27  }
0x3dc: {  	v28 =	vor.u32 $0x3F800000, v42;
	v43 =	vadd.f32 $1.000000000e+00, v27  }
0x3dd: {  	v44 =	vadd.f32 $1.000000000e+00, v28  }
0x3de: {  	(erf) = vrcp.f32 v43  }
0x3df: {  	(erf) = vrcp.f32 v44;
	_ =	sdelay $0x7  }
0x3e0: {  	v28 =	vadd.f32 $-1.000000000e+00, v28;
	v29 =	vpop (erf)  }
0x3e1: {  	v30 =	vpop (erf)  }
0x3e2: {  	v28 =	vmul.f32 v30, v28;
	_ =	sdelay $0x1  }
0x3e3: {  	v30 =	vmul.f32 v28, v28;
	_ =	sdelay $0x1  }
0x3e4: {  	v31 =	vmul.f32 $1.428571490e-01, v30;
	_ =	sdelay $0x1  }
0x3e5: {  	v31 =	vadd.f32 $2.000000030e-01, v31;
	_ =	sdelay $0x1  }
0x3e6: {  	v31 =	vmul.f32 v31, v30;
	_ =	sdelay $0x1  }
0x3e7: {  	v31 =	vadd.f32 $3.333333430e-01, v31;
	_ =	sdelay $0x1  }
0x3e8: {  	v32 =	vshra.s32 v5, $0x17;
	v30 =	vmul.f32 v31, v30  }
0x3e9: {  	v45 =	vadd.s32 $0xFFFFFF81, v32  }
0x3ea: {  	v28 =	vadd.f32 v28, v28;
	v31 =	vcvt.s32.f32 v45;
	v30 =	vadd.f32 $1.000000000e+00, v30;
	_ =	sdelay $0x1  }
0x3eb: {  	v31 =	vmul.f32 $6.931471820e-01, v31;
	v28 =	vmul.f32 v30, v28;
	_ =	sdelay $0x1  }
0x3ec: {  	v28 =	vadd.f32 v28, v31;
	_ =	sdelay $0x1  }
0x3ed: {  	v28 =	vmul.f32 v28, v3;
	_ =	sdelay $0x1  }
0x3ee: {  	v28 =	vmul.f32 $1.442695020e+00, v28;
	_ =	sdelay $0x1  }
0x3ef: {  	(erf) = vpow2.f32 v28;
	_ =	sdelay $0x8  }
0x3f0: {  	v28 =	vpop (erf)  }
0x3f1: {  	v28 =	vmin.f32 v28, $9.999998800e-01  }
0x3f2: {  	v28 =	vsub.f32 $1.000000000e+00, v28  }
0x3f3: {  	vm12 =	vgt.f32 v5, $0.0e+00  }
0x3f4: {  	v5 =	vnsel vm12, $0x3F800000, v28  }
0x3f5: {  	v28 =	vand.u32 $0x7FFFFF, v5  }
0x3f6: {  	v28 =	vor.u32 $0x3F800000, v28  }
0x3f7: {  	v46 =	vadd.f32 $1.000000000e+00, v28;
	_ =	sdelay $0x1  }
0x3f8: {  	(erf) = vrcp.f32 v46;
	_ =	sdelay $0x7  }
0x3f9: {  	v28 =	vadd.f32 $-1.000000000e+00, v28  }
0x3fa: {  	v27 =	vadd.f32 $-1.000000000e+00, v27;
	v47 =	vpop (erf)  }
0x3fb: {  	v28 =	vmul.f32 v47, v28  }
0x3fc: {  	v27 =	vmul.f32 v29, v27  }
0x3fd: {  	v49 =	vmul.f32 v28, v28  }
0x3fe: {  	v48 =	vmul.f32 v27, v27  }
0x3ff: {  	v51 =	vmul.f32 $1.428571490e-01, v49  }
0x400: {  	v50 =	vmul.f32 $1.428571490e-01, v48  }
0x401: {  	v32 =	vadd.f32 $2.000000030e-01, v51  }
0x402: {  	v31 =	vadd.f32 $2.000000030e-01, v50  }
0x403: {  	v32 =	vmul.f32 v32, v49  }
0x404: {  	v31 =	vmul.f32 v31, v48  }
0x405: {  	v25 =	vadd.s32 v23, v25;
	v32 =	vadd.f32 $3.333333430e-01, v32  }
0x406: {  	v52 =	vmpcnt.ones.xlane vm9;
	v26 =	vadd.s32 v25, v26;
	v31 =	vadd.f32 $3.333333430e-01, v31  }
0x407: {  	v6 =	vshra.s32 v6, $0x17;
	v5 =	vshra.s32 v5, $0x17;
	v30 =	vmul.f32 v32, v49  }
0x408: {  	v6 =	vadd.s32 $0xFFFFFF81, v6;
	v29 =	vmul.f32 v31, v48;
	v5 =	vadd.s32 $0xFFFFFF81, v5  }
0x409: {  	v5 =	vcvt.s32.f32 v5;
	v28 =	vadd.f32 v28, v28;
	v30 =	vadd.f32 $1.000000000e+00, v30  }
0x40a: {  	v6 =	vcvt.s32.f32 v6;
	v27 =	vadd.f32 v27, v27;
	v29 =	vadd.f32 $1.000000000e+00, v29  }
0x40b: {  	vm13 =	vge.f32 v19, v10;
	v5 =	vmul.f32 $6.931471820e-01, v5;
	v28 =	vmul.f32 v30, v28  }
0x40c: {  	v6 =	vmul.f32 $6.931471820e-01, v6;
	v27 =	vmul.f32 v29, v27;
	vm12 =	vge.f32 v16, v10  }
0x40d: {  	v54 =	vadd.s32 v26, v52;
	v53 =	vmpcnt.ones.xlane vm12;
	v5 =	vadd.f32 v28, v5  }
0x40e: {  	v55 =	vmpcnt.ones.xlane vm13;
	vm14 =	vge.f32 v21, v10;
	v6 =	vadd.f32 v27, v6  }
0x40f: {  	v10 =	vmpcnt.ones.xlane vm14;
	v29 =	vadd.s32 v54, v53;
	v5 =	vnsel vm3, $0x0, v5  }
0x410: {  	v5 =	vadd.f32 v5, v6;
	v6 =	vadd.s32 v29, v55  }
0x411: {  	v10 =	vadd.s32 v6, v10  }
0x412: {  	(v2sf) =	vpush v10, $0x0;
	_ =	sdelay $0x2  }
0x413: {  	(xrf2) =	vadd.scan.msk.f32 $0xffff, v5;
	_ =	sdelay $0x7  }
0x414: {  	(xrf0) =	vadd.scan.msk.s32 vm9, v2  }
0x415: {  	(xrf0) =	vadd.scan.msk.s32 vm12, v2;
	v5, _, _ =	vpop (xrf0)  }
0x416: {  	(xrf0) =	vadd.scan.msk.s32 vm13, v2;
	v57, _, _ =	vpop (xrf2)  }
0x417: {  	v56, _, _ =	vpop (xrf0);
	(xrf0) =	vadd.scan.msk.s32 vm14, v2;
	v30 =	vmul.f32 $1.442695020e+00, v57  }
0x418: {  	v5 =	vadd.s32 v18, v5;
	v58, _, _ =	vpop (xrf0);
	s19 =	spop (v2sf)  }
0x419: {  	v24 =	vadd.s32 v24, v56;
	v59, _, _ =	vpop (xrf0);
	v30 =	vbroadcast v30, $0xF;
	s20 =	sadd.s32 $0x10, s19;
	s19 =	sand.u32 $0xF, s19  }
0x41a: {  	[tilespmem:v22+s13+$0x0] =	vst.idx.msk vm11, v9;
	v9 =	vadd.s32 v23, v58;
	v60, _, _ =	vpop (xrf0);
	s21 =	sshra.s32 s20, $0x1F;
	p0 =	slt.s32 s20, $0x1;
	p1 =	sne.s32 s19, $0x0  }
0x41b: {  	[tilespmem:v20+s13+$0x0] =	vst.idx.msk vm10, v8;
	v8 =	vadd.s32 v25, v59;
	v61, _, _ =	vpop (xrf0);
	(erf) = vpow2.f32 v30;
	s31 =	sshrl.u32 s21, $0x1C;
	p0 =	por !p0, !p1  }
0x41c: {  	[tilespmem:v17+s13+$0x0] =	vst.idx.msk vm4, v7;
	v7 =	vadd.s32 v26, v60;
	v62, _, _ =	vpop (xrf0);
	s19 =	sadd.s32 s31, s20;
	p0 =	por !p0, !p0;
	s20 =	simm.s32 $0x1  }
0x41d: {  	[tilespmem:v5+s13+$0x0] =	vst.idx.msk vm5, v11;
	v11 =	vadd.s32 v54, v61;
	v63, _, _ =	vpop (xrf0);
	s19 =	sshra.s32 s19, $0x4;
	s20 =	simm.s32 @!p0 $0x0  }
0x41e: {  	[tilespmem:v24+s13+$0x0] =	vst.idx.msk vm6, v15;
	v5 =	vadd.s32 v6, v63;
	s20 =	ssub.s32 s19, s20  }
0x41f: {  	v6 =	vadd.s32 v29, v62;
	[tilespmem:v9+s13+$0x0] =	vst.idx.msk vm7, v12;
	p0 =	slt.s32 s20, $0x1  }
.Ltmp29:
0x420: {  	[tilespmem:v8+s13+$0x0] =	vst.idx.msk vm8, v13;
	(pc) =	sbr.rel @p0 .LBB2_50-.Ltmp29, $4  }
0x421: {  	[tilespmem:v7+s13+$0x0] =	vst.idx.msk vm9, v14  }
0x422: {  	[tilespmem:v11+s13+$0x0] =	vst.idx.msk vm12, v16  }
0x423: {  	vm15 =	vmmov vm13;
	[tilespmem:v5+s13+$0x0] =	vst.idx.msk vm14, v21  }
0x424: {  	vm4 =	vmmov vm14;
	vm5 =	vmmov vm12;
	[tilespmem:v6+s13+$0x0] =	vst.idx.msk vm13, v19;
	v6 =	vimm.f32 $0.0e+00;
	v5 =	vpop (erf)  }
0x425: {  	p2 =	sne.s32 s20, $0x1  }
.Ltmp30:
0x426: {  	_ = 	snop;
	(pc) =	sbr.rel @!p2 .LBB2_52-.Ltmp30, $3  }
0x427: {  	_ =	sdelay $0x1  }
0x428: {  	s21 =	simm.s32 $0x8000;
	s19 =	simm.s32 $0x0  }
0x429: {  	v7 =	vadd.s32 $0x1, v10;
	s20 =	sadd.s32 $0xFFFFFFFF, s20;
	p0 =	por $0x0, $0x0;
	p1 =	por $0x0, $0x0;
	v8 =	vld [tilespmem:s21+$0x0]  }
0x42a: {  	_ =	sdelay $0x1  }
0x42b: {  	v9 =	vor.u32 s19, v0  }
0x42c: {  	vm4 =	vlt.s32 v9, v7  }
0x42d: {  	v8 =	vnsel vm4, $0x0, v8  }
0x42e: {  	(xrf1) =	vsort.dscd.msk.f32 $0xffff, v8, v8;
	_ =	sdelay $0xc  }
0x42f: {  	p2 =	sne.s32 s20, $0x1  }
.Ltmp31:
0x430: {  	v8, _, _ =	vpop (xrf1);
	(pc) =	sbr.rel @!p2 .LBB2_54-.Ltmp31, $3  }
0x431: {  	v8 =	vperm.xlane v8, v1;
	_ =	sdelay $0x1  }
0x432: {  	s21 =	simm.s32 $0x8010;
	v8 =	vmax.f32 v6, v8  }
0x433: {  	s22 =	sadd.s32 $0xFFFFFFFF, s20;
	p0 =	por $0x1, $0x1;
	(xrf1) =	vsort.dscd.msk.f32 $0xffff, v8, v8;
	v8 =	vld [tilespmem:s21+$0x0]  }
0x434: {  	_ =	sdelay $0x8  }
0x435: {  	s20 =	simm.s32 $0x10  }
0x436: {  	v9 =	vor.u32 s20, v0;
	_ =	sdelay $0x2  }
0x437: {  	vm4 =	vlt.s32 v9, v7;
	v9, _, _ =	vpop (xrf1)  }
0x438: {  	v8 =	vnsel vm4, $0x0, v8;
	v9 =	vperm.xlane v9, v1  }
0x439: {  	(xrf1) =	vsort.dscd.msk.f32 $0xffff, v8, v8  }
0x43a: {  	v8 =	vmin.f32 v6, v9  }
0x43b: {  	(xrf1) =	vsort.dscd.msk.f32 $0xffff, v8, v8;
	_ =	sdelay $0xb  }
0x43c: {  	v8, _, _ =	vpop (xrf1)  }
0x43d: {  	v8 =	vperm.xlane v8, v1  }
0x43e: {  	v10, _, _ =	vpop (xrf1)  }
0x43f: {  	v8 =	vmax.f32 v10, v8  }
0x440: {  	(xrf1) =	vsort.dscd.msk.f32 $0xffff, v8, v8  }
0x441: {  	v8 =	vmax.f32 v6, v9  }
0x442: {  	(xrf1) =	vsort.dscd.msk.f32 $0xffff, v8, v8;
	_ =	sdelay $0x2  }
0x443: {  	p2 =	sne.s32 s22, $0x1  }
.Ltmp32:
0x444: {  	_ = 	snop;
	(pc) =	sbr.rel @!p2 .LBB2_57-.Ltmp32, $3  }
0x445: {  	_ =	sdelay $0x1  }
0x446: {  	s21 =	simm.s32 $0x8020  }
0x447: {  	s22 =	sadd.s32 $0xFFFFFFFF, s22;
	p1 =	por $0x1, $0x1;
	v8 =	vld [tilespmem:s21+$0x0]  }
.LBB2_56:
0x448: {  	p2 =	sne.s32 s22, $0x1  }
0x449: {  	s20 =	sadd.s32 $0x10, s20  }
0x44a: {  	v10 =	vor.u32 s20, v0  }
0x44b: {  	vm4 =	vlt.s32 v10, v7;
	v9, _, _ =	vpop (xrf1)  }
0x44c: {  	v10 =	vnsel vm4, $0x0, v8;
	v9 =	vperm.xlane v9, v1  }
0x44d: {  	(xrf1) =	vsort.dscd.msk.f32 $0xffff, v10, v10;
	v8, _, _ =	vpop (xrf1)  }
0x44e: {  	v10 =	vmin.f32 v8, v9  }
0x44f: {  	(xrf1) =	vsort.dscd.msk.f32 $0xffff, v10, v10;
	_ =	sdelay $0xb  }
0x450: {  	v10, _, _ =	vpop (xrf1)  }
0x451: {  	v10 =	vperm.xlane v10, v1  }
0x452: {  	v11, _, _ =	vpop (xrf1)  }
0x453: {  	v10 =	vmax.f32 v11, v10  }
0x454: {  	(xrf1) =	vsort.dscd.msk.f32 $0xffff, v10, v10  }
0x455: {  	v8 =	vmax.f32 v8, v9  }
0x456: {  	(xrf1) =	vsort.dscd.msk.f32 $0xffff, v8, v8;
	_ =	sdelay $0x3  }
.Ltmp33:
0x457: {  	(pc) =	sbr.rel @p2 .LBB2_56-.Ltmp33, $3  }
0x458: {  	_ =	sdelay $0x1  }
0x459: {  	s21 =	sadd.s32 $0x10, s21  }
0x45a: {  	s22 =	sadd.s32 $0xFFFFFFFF, s22;
	v8 =	vld [tilespmem:s21+$0x0]  }
.LBB2_57:
0x45b: {  	s20 =	sadd.s32 @p0 $0x10, s20  }
0x45c: {  	s19 =	smov.u32 @p0 s20  }
0x45d: {  	v9 =	vor.u32 s19, v0;
	_ =	sdelay $0x1  }
0x45e: {  	v10, _, _ =	vpop @p0 (xrf1)  }
0x45f: {  	vm4 =	vlt.s32 v9, v7;
	v7 =	vperm.xlane @p0 v10, v1;
	v9, _, _ =	vpop @p1 (xrf1)  }
0x460: {  	v8 =	vnsel vm4, $0x0, v8;
	v9 =	vpsel p1, v9, v6  }
0x461: {  	(xrf1) =	vsort.dscd.msk.f32 $0xffff, v8, v8;
	v8 =	vmin.f32 @p0 v9, v7  }
0x462: {  	(xrf1) =	vsort.dscd.msk.f32 @p0 $0xffff, v8, v8;
	_ =	sdelay $0xc  }
0x463: {  	v8, _, _ =	vpop (xrf1)  }
0x464: {  	v8 =	vperm.xlane v8, v1;
	v10, _, _ =	vpop @p0 (xrf1)  }
0x465: {  	v10 =	vpsel p0, v10, v6  }
0x466: {  	v8 =	vmax.f32 v10, v8  }
0x467: {  	v7 =	vmax.f32 @p0 v9, v7;
	(xrf1) =	vsort.dscd.msk.f32 $0xffff, v8, v8  }
0x468: {  	(xrf1) =	vsort.dscd.msk.f32 @p0 $0xffff, v7, v7;
	_ =	sdelay $0xc  }
0x469: {  	v7, _, _ =	vpop (xrf1)  }
0x46a: {  	v7 =	vperm.xlane v7, v1;
	v8, _, _ =	vpop @p0 (xrf1)  }
0x46b: {  	v6 =	vpsel p0, v8, v6  }
0x46c: {  	v8 =	vmin.f32 v6, v7  }
0x46d: {  	v6 =	vmax.f32 v6, v7;
	(xrf1) =	vsort.dscd.msk.f32 $0xffff, v8, v8  }
0x46e: {  	(xrf1) =	vsort.dscd.msk.f32 $0xffff, v6, v6;
	_ =	sdelay $0x9  }
.Ltmp34:
0x46f: {  	_ = 	snop;
	(pc) =	sbr.rel .LBB2_58-.Ltmp34, $3  }
0x470: {  	_ =	sdelay $0x1  }
0x471: {  	v7, _, _ =	vpop (xrf1)  }
0x472: {  	v6, _, _ =	vpop (xrf1)  }
.LBB2_15:
.Ltmp35:
0x473: {  	(pc) =	sbr.rel .LBB2_20-.Ltmp35, $2  }
0x474: {  	_ =	sdelay $0x2  }
0x475: {  	s20 =	simm.s32 $0x0  }
.LBB2_27:
.Ltmp36:
0x476: {  	(pc) =	sbr.rel .LBB2_32-.Ltmp36, $2  }
0x477: {  	_ =	sdelay $0x2  }
0x478: {  	s20 =	simm.s32 $0x0  }
.LBB2_39:
.Ltmp37:
0x479: {  	(pc) =	sbr.rel .LBB2_44-.Ltmp37, $2  }
0x47a: {  	_ =	sdelay $0x2  }
0x47b: {  	s20 =	simm.s32 $0x0  }
.LBB2_52:
.Ltmp38:
0x47c: {  	(pc) =	sbr.rel .LBB2_57-.Ltmp38, $2  }
0x47d: {  	_ =	sdelay $0x2  }
0x47e: {  	s20 =	simm.s32 $0x0  }
.LBB2_17:
.Ltmp39:
0x47f: {  	(pc) =	sbr.rel .LBB2_20-.Ltmp39, $2  }
0x480: {  	_ =	sdelay $0x2  }
0x481: {  	s20 =	simm.s32 $0x0  }
.LBB2_29:
.Ltmp40:
0x482: {  	(pc) =	sbr.rel .LBB2_32-.Ltmp40, $2  }
0x483: {  	_ =	sdelay $0x2  }
0x484: {  	s20 =	simm.s32 $0x0  }
.LBB2_41:
.Ltmp41:
0x485: {  	(pc) =	sbr.rel .LBB2_44-.Ltmp41, $2  }
0x486: {  	_ =	sdelay $0x2  }
0x487: {  	s20 =	simm.s32 $0x0  }
.LBB2_54:
.Ltmp42:
0x488: {  	(pc) =	sbr.rel .LBB2_57-.Ltmp42, $2  }
0x489: {  	_ =	sdelay $0x2  }
0x48a: {  	s20 =	simm.s32 $0x0  }
.LBB2_59:
0x48b: {  	_ =	sfence.sel $0x180000  }
0x48c: {  	[bflag:$0x0] =	sbarrier.arrive $0xFFFF  }
0x48d: {  	p0 =	sne.s32 s3, $0x0;
	_ =	strace $0x90000047  }
0x48e: {  	s0 =	sadd.s32 @!p0 $0x100000, s0;
	[bflag:$0x2] =	sbarrier.arrive $0xFFFF  }
0x48f: {  	[sflag:s0] =	ssyncadd.tile.s32 @!p0 $0x1;
	_ =	shalt  }
.Lfunc_end2:
_tile_overlayer_lowered:
.L_overlay_start_2:
0x490: {  	(tag) =	ssettag $0x2  }
0x491: {  	s0 =	rddreg [dreg:$0x0];
	s2 =	stileid.u32  }
0x492: {  	s1 =	rddreg [dreg:$0x1];
	p0 =	sne.s32 s2, $0x0  }
0x493: {  	s3 =	rddreg [dreg:$0x2];
	[bflag:$0x3] =	sbarrier.arrive $0xFFFF;
	s2 =	simm.s32 @!p0 $0x1C05  }
0x494: {  	[timem:s3], [sflag:s2] =	dma.local @!p0 [hbm:s0], s1  }
0x495: {  	s0 =	simm.s32 @!p0 $0x5  }
0x496: {  	_ =	swait.ge @!p0 [sflag:s0], s1  }
0x497: {  	s1 =	ssub.s32 @!p0 $0x0, s1;
	[sflag:s0] =	ssyncset.done @!p0 $0x0  }
0x498: {  	[sflag:s0] =	ssyncadd.s32 @!p0 s1  }
0x499: {  	[bflag:$0x3] =	sbarrier.arrive $0xFFFF  }
0x49a: {  	_ =	shalt  }

</sc_bundles>
